<compile_context>
chip_gen: v7x
topology: tpu7x:2x2x1
jax: 0.10.2.dev20260603
libtpu: 0.0.44.dev20260713+nightly
codegen_flags: <defaults>
</compile_context>

<pallas_src>
import functools

import jax
import jax.numpy as jnp
from jax import lax
from jax.experimental import pallas as pl
from jax.experimental.pallas import tpu as pltpu
from jax.experimental.pallas import tpu_sc as plsc

VOCAB = 100000
MAXLEN = 200
EMBED = 128
BATCH = 1024

NC = 2
NS = 16
NW = NC * NS
BS = 64
NBLK = BATCH // BS
NTASK = MAXLEN * NBLK
TPW = NTASK // NW
NVREG = EMBED // 16
NBUF = 5
NPOS = 16

@functools.partial(
    pl.kernel,
    mesh=plsc.VectorSubcoreMesh(core_axis_name="c", subcore_axis_name="s"),
    out_type=jax.ShapeDtypeStruct((BATCH, MAXLEN, EMBED), jnp.float32),
    scratch_types=[
        pltpu.VMEM((NPOS, EMBED), jnp.float32),
        pltpu.VMEM((TPW, BS), jnp.int32),
        pltpu.VMEM((NBUF, BS, EMBED), jnp.float32),
        pltpu.VMEM((NBUF, BS, EMBED), jnp.float32),
        pltpu.SemaphoreType.DMA((NBUF,)),
        pltpu.SemaphoreType.DMA((NBUF,)),
    ],
)
def _sc_embed(xf_hbm, tok_hbm, pos_hbm, out_hbm,
              pos_v, idx_v, in_v, out_v, gsem, ssem):
    wid = lax.axis_index("s") * NC + lax.axis_index("c")
    t0 = wid * TPW

    al0 = pl.multiple_of(
        jnp.minimum((t0 // NBLK // 8) * 8, MAXLEN - NPOS), 8)
    pltpu.sync_copy(xf_hbm.at[wid], idx_v)
    pltpu.sync_copy(pos_hbm.at[pl.ds(al0, NPOS)], pos_v)

    def start_gather(jj, c):
        pltpu.async_copy(tok_hbm.at[idx_v.at[jj]], in_v.at[c], gsem.at[c])

    for c in range(NBUF):
        start_gather(c, c)

    def outer(j, carry):
        for c in range(NBUF):
            jj = NBUF * j + c
            t = t0 + jj
            l = t // NBLK
            b0 = (t % NBLK) * BS

            pltpu.make_async_copy(
                tok_hbm.at[idx_v.at[jj]], in_v.at[c], gsem.at[c]).wait()

            @pl.when(j >= 1)
            def _():
                pltpu.make_async_copy(
                    out_v.at[c], out_hbm.at[pl.ds(0, BS), 0], ssem.at[c]
                ).wait()

            p = [pos_v[l - al0, pl.ds(d * 16, 16)] for d in range(NVREG)]

            @plsc.parallel_loop(0, BS, 1, unroll=4)
            def row(i):
                for d in range(NVREG):
                    out_v[c, i, pl.ds(d * 16, 16)] = (
                        in_v[c, i, pl.ds(d * 16, 16)] + p[d])

            pltpu.async_copy(
                out_v.at[c], out_hbm.at[pl.ds(b0, BS), l], ssem.at[c])

            @pl.when(jj + NBUF < TPW)
            def _():
                start_gather(jj + NBUF, c)
        return carry

    lax.fori_loop(0, TPW // NBUF, outer, 0)

    for c in range(NBUF):
        pltpu.make_async_copy(
            out_v.at[c], out_hbm.at[pl.ds(0, BS), 0], ssem.at[c]).wait()


def kernel(x, token_table, pos_table):
    xf = x.T.astype(jnp.int32).reshape(NW, TPW, BS)
    return _sc_embed(xf, token_table, pos_table)

# --- scband reference (transcript-rebuilt; emitter-appended) ---
"""Pipeline reference for scband-token-and-position-embedding-867583394033 (READ-ONLY COPY).

The authoritative reference and input builder live on the scoring server;
editing this copy changes nothing except your own understanding.
"""

import jax, jax.numpy as jnp
import numpy as np

VOCAB = 100000
MAXLEN = 200
EMBED_DIM = 128
BATCH = 1024

def setup_inputs(seed: int = 0) -> dict:
    key = jax.random.key(seed)
    k1, k2, k3 = jax.random.split(key, 3)
    x = jax.random.randint(k1, (BATCH, MAXLEN), 0, VOCAB, dtype=jnp.int64 if jax.config.jax_enable_x64 else jnp.int32).astype(jnp.int32)
    token_table = jax.random.normal(k2, (VOCAB, EMBED_DIM), dtype=jnp.float32)
    pos_table = jax.random.normal(k3, (MAXLEN, EMBED_DIM), dtype=jnp.float32)
    return {"x": x, "token_table": token_table, "pos_table": pos_table}

def reference(x, token_table, pos_table):
    # Faithful translation of TokenAndPositionEmbedding.call:
    # positions = range(maxlen); pos = pos_emb(positions); tok = token_emb(x); return tok + pos
    maxlen = x.shape[-1]
    positions = jnp.arange(maxlen)
    pos = jnp.take(pos_table, positions, axis=0)            # [L, D]
    tok = jnp.take(token_table, x, axis=0)                  # [B, L, D]
    return tok + pos[None, :, :]

if __name__ == "__main__":
    import jax
    _d = setup_inputs()
    print(jax.jit(kernel)(*tuple(_d.values())))

</pallas_src>

<mosaic_0001>
#map = affine_map<(d0, d1) -> (0, 0, 0)>
#map1 = affine_map<(d0, d1) -> (0, 0)>
module attributes {stable_mosaic.version = 14 : i64} {
  func.func @_sc_embed(%arg0: i32, %arg1: i32, %arg2: memref<32x100x64xi32, #tpu.memory_space<hbm>>, %arg3: memref<100000x128xf32, #tpu.memory_space<hbm>>, %arg4: memref<200x128xf32, #tpu.memory_space<hbm>>, %arg5: memref<1024x200x128xf32, #tpu.memory_space<hbm>>, %arg6: memref<16x128xf32, #tpu.memory_space<vmem>>, %arg7: memref<100x64xi32, #tpu.memory_space<vmem>>, %arg8: memref<5x64x128xf32, #tpu.memory_space<vmem>>, %arg9: memref<5x64x128xf32, #tpu.memory_space<vmem>>, %arg10: memref<5x!tpu.dma_semaphore, #tpu.memory_space<semaphore_mem>>, %arg11: memref<5x!tpu.dma_semaphore, #tpu.memory_space<semaphore_mem>>) attributes {dimension_semantics = [#tpu.dimension_semantics<core_parallel>, #tpu.dimension_semantics<subcore_parallel>], iteration_bounds = array<i64: 2, 16>, scalar_prefetch = 0 : i64, scratch_operands = 6 : i64, tpu.core_type = #tpu.core_type<sc_vector_subcore>, window_params = [{transform_indices = #map}, {transform_indices = #map1}, {transform_indices = #map1}, {transform_indices = #map}]} {
    %mul3A = arith.constant 2 : i32
    %mul3A_0 = arith.muli %arg1, %mul3A : i32
    %add3A = arith.addi %mul3A_0, %arg0 : i32
    %mul3A_1 = arith.constant 100 : i32
    %mul3A_2 = arith.muli %add3A, %mul3A_1 : i32
    %jit3A = arith.constant 16 : i32
    %div3A = arith.divsi %mul3A_2, %jit3A : i32
    %sign3A = arith.constant 0 : i32
    %sign3A_3 = arith.cmpi sgt, %mul3A_2, %sign3A : i32
    %sign3A_4 = arith.extui %sign3A_3 : i1 to i32
    %sign3A_5 = arith.constant 0 : i32
    %sign3A_6 = arith.cmpi slt, %mul3A_2, %sign3A_5 : i32
    %sign3A_7 = arith.extui %sign3A_6 : i1 to i32
    %sign3A_8 = arith.subi %sign3A_4, %sign3A_7 : i32
    %sign3A_9 = arith.constant 0 : i32
    %sign3A_10 = arith.cmpi sgt, %jit3A, %sign3A_9 : i32
    %sign3A_11 = arith.extui %sign3A_10 : i1 to i32
    %sign3A_12 = arith.constant 0 : i32
    %sign3A_13 = arith.cmpi slt, %jit3A, %sign3A_12 : i32
    %sign3A_14 = arith.extui %sign3A_13 : i1 to i32
    %sign3A_15 = arith.subi %sign3A_11, %sign3A_14 : i32
    %ne3A = arith.cmpi ne, %sign3A_8, %sign3A_15 : i32
    %rem3A = arith.remsi %mul3A_2, %jit3A : i32
    %ne3A_16 = arith.constant 0 : i32
    %ne3A_17 = arith.cmpi ne, %rem3A, %ne3A_16 : i32
    %and3A = arith.andi %ne3A, %ne3A_17 : i1
    %sub3A = arith.constant 1 : i32
    %sub3A_18 = arith.subi %div3A, %sub3A : i32
    %select_n3A = arith.select %and3A, %sub3A_18, %div3A : i32
    %jit3A_19 = arith.constant 8 : i32
    %div3A_20 = arith.divsi %select_n3A, %jit3A_19 : i32
    %sign3A_21 = arith.constant 0 : i32
    %sign3A_22 = arith.cmpi sgt, %select_n3A, %sign3A_21 : i32
    %sign3A_23 = arith.extui %sign3A_22 : i1 to i32
    %sign3A_24 = arith.constant 0 : i32
    %sign3A_25 = arith.cmpi slt, %select_n3A, %sign3A_24 : i32
    %sign3A_26 = arith.extui %sign3A_25 : i1 to i32
    %sign3A_27 = arith.subi %sign3A_23, %sign3A_26 : i32
    %sign3A_28 = arith.constant 0 : i32
    %sign3A_29 = arith.cmpi sgt, %jit3A_19, %sign3A_28 : i32
    %sign3A_30 = arith.extui %sign3A_29 : i1 to i32
    %sign3A_31 = arith.constant 0 : i32
    %sign3A_32 = arith.cmpi slt, %jit3A_19, %sign3A_31 : i32
    %sign3A_33 = arith.extui %sign3A_32 : i1 to i32
    %sign3A_34 = arith.subi %sign3A_30, %sign3A_33 : i32
    %ne3A_35 = arith.cmpi ne, %sign3A_27, %sign3A_34 : i32
    %rem3A_36 = arith.remsi %select_n3A, %jit3A_19 : i32
    %ne3A_37 = arith.constant 0 : i32
    %ne3A_38 = arith.cmpi ne, %rem3A_36, %ne3A_37 : i32
    %and3A_39 = arith.andi %ne3A_35, %ne3A_38 : i1
    %sub3A_40 = arith.constant 1 : i32
    %sub3A_41 = arith.subi %div3A_20, %sub3A_40 : i32
    %select_n3A_42 = arith.select %and3A_39, %sub3A_41, %div3A_20 : i32
    %mul3A_43 = arith.constant 8 : i32
    %mul3A_44 = arith.muli %select_n3A_42, %mul3A_43 : i32
    %min3A = arith.constant 184 : i32
    %min3A_45 = arith.minsi %mul3A_44, %min3A : i32
    %multiple_of3A = tpu.assume_multiple %min3A_45, 8 : i32
    "tpu.region"() ({
      %run_scoped3A = tpu.sem_alloc : memref<!tpu.dma_semaphore, #tpu.memory_space<semaphore_mem>>
      %dma_start3A_229 = arith.constant 0 : i32
      %dma_start3A_230 = arith.constant 0 : i32
      %dma_start3A_231 = tpu.memref_slice %arg2[%add3A, %dma_start3A_229, %dma_start3A_230] : memref<32x100x64xi32, #tpu.memory_space<hbm>> -> memref<1x100x64xi32, #tpu.memory_space<hbm>>
      %dma_start3A_232 = tpu.memref_squeeze %dma_start3A_231 : memref<1x100x64xi32, #tpu.memory_space<hbm>> -> memref<100x64xi32, #tpu.memory_space<hbm>>
      %dma_start3A_233 = arith.constant 0 : i32
      %dma_start3A_234 = arith.constant 0 : i32
      %dma_start3A_235 = tpu.memref_slice %arg2[%add3A, %dma_start3A_233, %dma_start3A_234] : memref<32x100x64xi32, #tpu.memory_space<hbm>> -> memref<1x100x64xi32, #tpu.memory_space<hbm>>
      %dma_start3A_236 = tpu.memref_squeeze %dma_start3A_235 : memref<1x100x64xi32, #tpu.memory_space<hbm>> -> memref<100x64xi32, #tpu.memory_space<hbm>>
      tpu.enqueue_dma source(%dma_start3A_236 : memref<100x64xi32, #tpu.memory_space<hbm>>) target(%arg7 : memref<100x64xi32, #tpu.memory_space<vmem>>) target_semaphore(%run_scoped3A : memref<!tpu.dma_semaphore, #tpu.memory_space<semaphore_mem>>)
      %dma_wait3A_237 = arith.constant 0 : i32
      %dma_wait3A_238 = arith.constant 0 : i32
      %dma_wait3A_239 = tpu.memref_slice %arg2[%add3A, %dma_wait3A_237, %dma_wait3A_238] : memref<32x100x64xi32, #tpu.memory_space<hbm>> -> memref<1x100x64xi32, #tpu.memory_space<hbm>>
      %dma_wait3A_240 = tpu.memref_squeeze %dma_wait3A_239 : memref<1x100x64xi32, #tpu.memory_space<hbm>> -> memref<100x64xi32, #tpu.memory_space<hbm>>
      %dma_wait3A_241 = arith.constant 0 : i32
      %dma_wait3A_242 = arith.constant 0 : i32
      %dma_wait3A_243 = tpu.memref_slice %arg2[%add3A, %dma_wait3A_241, %dma_wait3A_242] : memref<32x100x64xi32, #tpu.memory_space<hbm>> -> memref<1x100x64xi32, #tpu.memory_space<hbm>>
      %dma_wait3A_244 = tpu.memref_squeeze %dma_wait3A_243 : memref<1x100x64xi32, #tpu.memory_space<hbm>> -> memref<100x64xi32, #tpu.memory_space<hbm>>
      tpu.wait_dma2 semaphore(%run_scoped3A : memref<!tpu.dma_semaphore, #tpu.memory_space<semaphore_mem>>) src(%dma_wait3A_244 : memref<100x64xi32, #tpu.memory_space<hbm>>) dst(%arg7 : memref<100x64xi32, #tpu.memory_space<vmem>>)
      tpu.yield
    }) : () -> ()
    "tpu.region"() ({
      %run_scoped3A = tpu.sem_alloc : memref<!tpu.dma_semaphore, #tpu.memory_space<semaphore_mem>>
      %dma_start3A_229 = arith.constant 0 : i32
      %dma_start3A_230 = tpu.memref_slice %arg4[%multiple_of3A, %dma_start3A_229] : memref<200x128xf32, #tpu.memory_space<hbm>> -> memref<16x128xf32, #tpu.memory_space<hbm>>
      %dma_start3A_231 = arith.constant 0 : i32
      %dma_start3A_232 = tpu.memref_slice %arg4[%multiple_of3A, %dma_start3A_231] : memref<200x128xf32, #tpu.memory_space<hbm>> -> memref<16x128xf32, #tpu.memory_space<hbm>>
      tpu.enqueue_dma source(%dma_start3A_232 : memref<16x128xf32, #tpu.memory_space<hbm>>) target(%arg6 : memref<16x128xf32, #tpu.memory_space<vmem>>) target_semaphore(%run_scoped3A : memref<!tpu.dma_semaphore, #tpu.memory_space<semaphore_mem>>)
      %dma_wait3A_233 = arith.constant 0 : i32
      %dma_wait3A_234 = tpu.memref_slice %arg4[%multiple_of3A, %dma_wait3A_233] : memref<200x128xf32, #tpu.memory_space<hbm>> -> memref<16x128xf32, #tpu.memory_space<hbm>>
      %dma_wait3A_235 = arith.constant 0 : i32
      %dma_wait3A_236 = tpu.memref_slice %arg4[%multiple_of3A, %dma_wait3A_235] : memref<200x128xf32, #tpu.memory_space<hbm>> -> memref<16x128xf32, #tpu.memory_space<hbm>>
      tpu.wait_dma2 semaphore(%run_scoped3A : memref<!tpu.dma_semaphore, #tpu.memory_space<semaphore_mem>>) src(%dma_wait3A_236 : memref<16x128xf32, #tpu.memory_space<hbm>>) dst(%arg6 : memref<16x128xf32, #tpu.memory_space<vmem>>)
      tpu.yield
    }) : () -> ()
    %dma_start3A = arith.constant 0 : i32
    %dma_start3A_46 = arith.constant 0 : i32
    %dma_start3A_47 = arith.constant 0 : i32
    %dma_start3A_48 = arith.constant 0 : i32
    %dma_start3A_49 = arith.constant 0 : i32
    %dma_start3A_50 = tpu.memref_slice %arg8[%dma_start3A_46, %dma_start3A_48, %dma_start3A_49] : memref<5x64x128xf32, #tpu.memory_space<vmem>> -> memref<1x64x128xf32, #tpu.memory_space<vmem>>
    %dma_start3A_51 = tpu.memref_squeeze %dma_start3A_50 : memref<1x64x128xf32, #tpu.memory_space<vmem>> -> memref<64x128xf32, #tpu.memory_space<vmem>>
    %dma_start3A_52 = arith.constant 0 : i32
    %dma_start3A_53 = tpu.memref_slice %arg7[%dma_start3A, %dma_start3A_52] : memref<100x64xi32, #tpu.memory_space<vmem>> -> memref<1x64xi32, #tpu.memory_space<vmem>>
    %dma_start3A_54 = tpu.memref_squeeze %dma_start3A_53 : memref<1x64xi32, #tpu.memory_space<vmem>> -> memref<64xi32, #tpu.memory_space<vmem>>
    %dma_start3A_55 = arith.constant 0 : i32
    %dma_start3A_56 = arith.constant 0 : i32
    %dma_start3A_57 = tpu.memref_slice %arg3[%dma_start3A_55, %dma_start3A_56] : memref<100000x128xf32, #tpu.memory_space<hbm>> -> memref<100000x128xf32, #tpu.memory_space<hbm>>
    %dma_start3A_58 = tpu.memref_slice %arg10[%dma_start3A_47] : memref<5x!tpu.dma_semaphore, #tpu.memory_space<semaphore_mem>> -> memref<1x!tpu.dma_semaphore, #tpu.memory_space<semaphore_mem>>
    %dma_start3A_59 = tpu.memref_squeeze %dma_start3A_58 : memref<1x!tpu.dma_semaphore, #tpu.memory_space<semaphore_mem>> -> memref<!tpu.dma_semaphore, #tpu.memory_space<semaphore_mem>>
    tpu.enqueue_indirect_dma source(%dma_start3A_57 : memref<100000x128xf32, #tpu.memory_space<hbm>>) target(%dma_start3A_51 : memref<64x128xf32, #tpu.memory_space<vmem>>) offsets(%dma_start3A_54 : memref<64xi32, #tpu.memory_space<vmem>>) semaphore(%dma_start3A_59 : memref<!tpu.dma_semaphore, #tpu.memory_space<semaphore_mem>>)
    %dma_start3A_60 = arith.constant 1 : i32
    %dma_start3A_61 = arith.constant 1 : i32
    %dma_start3A_62 = arith.constant 1 : i32
    %dma_start3A_63 = arith.constant 0 : i32
    %dma_start3A_64 = arith.constant 0 : i32
    %dma_start3A_65 = tpu.memref_slice %arg8[%dma_start3A_61, %dma_start3A_63, %dma_start3A_64] : memref<5x64x128xf32, #tpu.memory_space<vmem>> -> memref<1x64x128xf32, #tpu.memory_space<vmem>>
    %dma_start3A_66 = tpu.memref_squeeze %dma_start3A_65 : memref<1x64x128xf32, #tpu.memory_space<vmem>> -> memref<64x128xf32, #tpu.memory_space<vmem>>
    %dma_start3A_67 = arith.constant 0 : i32
    %dma_start3A_68 = tpu.memref_slice %arg7[%dma_start3A_60, %dma_start3A_67] : memref<100x64xi32, #tpu.memory_space<vmem>> -> memref<1x64xi32, #tpu.memory_space<vmem>>
    %dma_start3A_69 = tpu.memref_squeeze %dma_start3A_68 : memref<1x64xi32, #tpu.memory_space<vmem>> -> memref<64xi32, #tpu.memory_space<vmem>>
    %dma_start3A_70 = arith.constant 0 : i32
    %dma_start3A_71 = arith.constant 0 : i32
    %dma_start3A_72 = tpu.memref_slice %arg3[%dma_start3A_70, %dma_start3A_71] : memref<100000x128xf32, #tpu.memory_space<hbm>> -> memref<100000x128xf32, #tpu.memory_space<hbm>>
    %dma_start3A_73 = tpu.memref_slice %arg10[%dma_start3A_62] : memref<5x!tpu.dma_semaphore, #tpu.memory_space<semaphore_mem>> -> memref<1x!tpu.dma_semaphore, #tpu.memory_space<semaphore_mem>>
    %dma_start3A_74 = tpu.memref_squeeze %dma_start3A_73 : memref<1x!tpu.dma_semaphore, #tpu.memory_space<semaphore_mem>> -> memref<!tpu.dma_semaphore, #tpu.memory_space<semaphore_mem>>
    tpu.enqueue_indirect_dma source(%dma_start3A_72 : memref<100000x128xf32, #tpu.memory_space<hbm>>) target(%dma_start3A_66 : memref<64x128xf32, #tpu.memory_space<vmem>>) offsets(%dma_start3A_69 : memref<64xi32, #tpu.memory_space<vmem>>) semaphore(%dma_start3A_74 : memref<!tpu.dma_semaphore, #tpu.memory_space<semaphore_mem>>)
    %dma_start3A_75 = arith.constant 2 : i32
    %dma_start3A_76 = arith.constant 2 : i32
    %dma_start3A_77 = arith.constant 2 : i32
    %dma_start3A_78 = arith.constant 0 : i32
    %dma_start3A_79 = arith.constant 0 : i32
    %dma_start3A_80 = tpu.memref_slice %arg8[%dma_start3A_76, %dma_start3A_78, %dma_start3A_79] : memref<5x64x128xf32, #tpu.memory_space<vmem>> -> memref<1x64x128xf32, #tpu.memory_space<vmem>>
    %dma_start3A_81 = tpu.memref_squeeze %dma_start3A_80 : memref<1x64x128xf32, #tpu.memory_space<vmem>> -> memref<64x128xf32, #tpu.memory_space<vmem>>
    %dma_start3A_82 = arith.constant 0 : i32
    %dma_start3A_83 = tpu.memref_slice %arg7[%dma_start3A_75, %dma_start3A_82] : memref<100x64xi32, #tpu.memory_space<vmem>> -> memref<1x64xi32, #tpu.memory_space<vmem>>
    %dma_start3A_84 = tpu.memref_squeeze %dma_start3A_83 : memref<1x64xi32, #tpu.memory_space<vmem>> -> memref<64xi32, #tpu.memory_space<vmem>>
    %dma_start3A_85 = arith.constant 0 : i32
    %dma_start3A_86 = arith.constant 0 : i32
    %dma_start3A_87 = tpu.memref_slice %arg3[%dma_start3A_85, %dma_start3A_86] : memref<100000x128xf32, #tpu.memory_space<hbm>> -> memref<100000x128xf32, #tpu.memory_space<hbm>>
    %dma_start3A_88 = tpu.memref_slice %arg10[%dma_start3A_77] : memref<5x!tpu.dma_semaphore, #tpu.memory_space<semaphore_mem>> -> memref<1x!tpu.dma_semaphore, #tpu.memory_space<semaphore_mem>>
    %dma_start3A_89 = tpu.memref_squeeze %dma_start3A_88 : memref<1x!tpu.dma_semaphore, #tpu.memory_space<semaphore_mem>> -> memref<!tpu.dma_semaphore, #tpu.memory_space<semaphore_mem>>
    tpu.enqueue_indirect_dma source(%dma_start3A_87 : memref<100000x128xf32, #tpu.memory_space<hbm>>) target(%dma_start3A_81 : memref<64x128xf32, #tpu.memory_space<vmem>>) offsets(%dma_start3A_84 : memref<64xi32, #tpu.memory_space<vmem>>) semaphore(%dma_start3A_89 : memref<!tpu.dma_semaphore, #tpu.memory_space<semaphore_mem>>)
    %dma_start3A_90 = arith.constant 3 : i32
    %dma_start3A_91 = arith.constant 3 : i32
    %dma_start3A_92 = arith.constant 3 : i32
    %dma_start3A_93 = arith.constant 0 : i32
    %dma_start3A_94 = arith.constant 0 : i32
    %dma_start3A_95 = tpu.memref_slice %arg8[%dma_start3A_91, %dma_start3A_93, %dma_start3A_94] : memref<5x64x128xf32, #tpu.memory_space<vmem>> -> memref<1x64x128xf32, #tpu.memory_space<vmem>>
    %dma_start3A_96 = tpu.memref_squeeze %dma_start3A_95 : memref<1x64x128xf32, #tpu.memory_space<vmem>> -> memref<64x128xf32, #tpu.memory_space<vmem>>
    %dma_start3A_97 = arith.constant 0 : i32
    %dma_start3A_98 = tpu.memref_slice %arg7[%dma_start3A_90, %dma_start3A_97] : memref<100x64xi32, #tpu.memory_space<vmem>> -> memref<1x64xi32, #tpu.memory_space<vmem>>
    %dma_start3A_99 = tpu.memref_squeeze %dma_start3A_98 : memref<1x64xi32, #tpu.memory_space<vmem>> -> memref<64xi32, #tpu.memory_space<vmem>>
    %dma_start3A_100 = arith.constant 0 : i32
    %dma_start3A_101 = arith.constant 0 : i32
    %dma_start3A_102 = tpu.memref_slice %arg3[%dma_start3A_100, %dma_start3A_101] : memref<100000x128xf32, #tpu.memory_space<hbm>> -> memref<100000x128xf32, #tpu.memory_space<hbm>>
    %dma_start3A_103 = tpu.memref_slice %arg10[%dma_start3A_92] : memref<5x!tpu.dma_semaphore, #tpu.memory_space<semaphore_mem>> -> memref<1x!tpu.dma_semaphore, #tpu.memory_space<semaphore_mem>>
    %dma_start3A_104 = tpu.memref_squeeze %dma_start3A_103 : memref<1x!tpu.dma_semaphore, #tpu.memory_space<semaphore_mem>> -> memref<!tpu.dma_semaphore, #tpu.memory_space<semaphore_mem>>
    tpu.enqueue_indirect_dma source(%dma_start3A_102 : memref<100000x128xf32, #tpu.memory_space<hbm>>) target(%dma_start3A_96 : memref<64x128xf32, #tpu.memory_space<vmem>>) offsets(%dma_start3A_99 : memref<64xi32, #tpu.memory_space<vmem>>) semaphore(%dma_start3A_104 : memref<!tpu.dma_semaphore, #tpu.memory_space<semaphore_mem>>)
    %dma_start3A_105 = arith.constant 4 : i32
    %dma_start3A_106 = arith.constant 4 : i32
    %dma_start3A_107 = arith.constant 4 : i32
    %dma_start3A_108 = arith.constant 0 : i32
    %dma_start3A_109 = arith.constant 0 : i32
    %dma_start3A_110 = tpu.memref_slice %arg8[%dma_start3A_106, %dma_start3A_108, %dma_start3A_109] : memref<5x64x128xf32, #tpu.memory_space<vmem>> -> memref<1x64x128xf32, #tpu.memory_space<vmem>>
    %dma_start3A_111 = tpu.memref_squeeze %dma_start3A_110 : memref<1x64x128xf32, #tpu.memory_space<vmem>> -> memref<64x128xf32, #tpu.memory_space<vmem>>
    %dma_start3A_112 = arith.constant 0 : i32
    %dma_start3A_113 = tpu.memref_slice %arg7[%dma_start3A_105, %dma_start3A_112] : memref<100x64xi32, #tpu.memory_space<vmem>> -> memref<1x64xi32, #tpu.memory_space<vmem>>
    %dma_start3A_114 = tpu.memref_squeeze %dma_start3A_113 : memref<1x64xi32, #tpu.memory_space<vmem>> -> memref<64xi32, #tpu.memory_space<vmem>>
    %dma_start3A_115 = arith.constant 0 : i32
    %dma_start3A_116 = arith.constant 0 : i32
    %dma_start3A_117 = tpu.memref_slice %arg3[%dma_start3A_115, %dma_start3A_116] : memref<100000x128xf32, #tpu.memory_space<hbm>> -> memref<100000x128xf32, #tpu.memory_space<hbm>>
    %dma_start3A_118 = tpu.memref_slice %arg10[%dma_start3A_107] : memref<5x!tpu.dma_semaphore, #tpu.memory_space<semaphore_mem>> -> memref<1x!tpu.dma_semaphore, #tpu.memory_space<semaphore_mem>>
    %dma_start3A_119 = tpu.memref_squeeze %dma_start3A_118 : memref<1x!tpu.dma_semaphore, #tpu.memory_space<semaphore_mem>> -> memref<!tpu.dma_semaphore, #tpu.memory_space<semaphore_mem>>
    tpu.enqueue_indirect_dma source(%dma_start3A_117 : memref<100000x128xf32, #tpu.memory_space<hbm>>) target(%dma_start3A_111 : memref<64x128xf32, #tpu.memory_space<vmem>>) offsets(%dma_start3A_114 : memref<64xi32, #tpu.memory_space<vmem>>) semaphore(%dma_start3A_119 : memref<!tpu.dma_semaphore, #tpu.memory_space<semaphore_mem>>)
    %scan3A = arith.constant 0 : i32
    %scan3A_120 = arith.constant 0 : i32
    %scan3A_121 = arith.constant 20 : i32
    %scan3A_122 = arith.addi %scan3A_120, %scan3A_121 : i32
    %scan3A_123 = arith.constant 1 : i32
    scf.for %scan3A_229 = %scan3A_120 to %scan3A_122 step %scan3A_123  : i32 {
      %mul3A_230 = arith.constant 5 : i32
      %mul3A_231 = arith.muli %mul3A_230, %scan3A_229 : i32
      %add3A_232 = arith.constant 0 : i32
      %add3A_233 = arith.addi %mul3A_231, %add3A_232 : i32
      %add3A_234 = arith.addi %mul3A_2, %add3A_233 : i32
      %jit3A_235 = arith.constant 16 : i32
      %div3A_236 = arith.divsi %add3A_234, %jit3A_235 : i32
      %sign3A_237 = arith.constant 0 : i32
      %sign3A_238 = arith.cmpi sgt, %add3A_234, %sign3A_237 : i32
      %sign3A_239 = arith.extui %sign3A_238 : i1 to i32
      %sign3A_240 = arith.constant 0 : i32
      %sign3A_241 = arith.cmpi slt, %add3A_234, %sign3A_240 : i32
      %sign3A_242 = arith.extui %sign3A_241 : i1 to i32
      %sign3A_243 = arith.subi %sign3A_239, %sign3A_242 : i32
      %sign3A_244 = arith.constant 0 : i32
      %sign3A_245 = arith.cmpi sgt, %jit3A_235, %sign3A_244 : i32
      %sign3A_246 = arith.extui %sign3A_245 : i1 to i32
      %sign3A_247 = arith.constant 0 : i32
      %sign3A_248 = arith.cmpi slt, %jit3A_235, %sign3A_247 : i32
      %sign3A_249 = arith.extui %sign3A_248 : i1 to i32
      %sign3A_250 = arith.subi %sign3A_246, %sign3A_249 : i32
      %ne3A_251 = arith.cmpi ne, %sign3A_243, %sign3A_250 : i32
      %rem3A_252 = arith.remsi %add3A_234, %jit3A_235 : i32
      %ne3A_253 = arith.constant 0 : i32
      %ne3A_254 = arith.cmpi ne, %rem3A_252, %ne3A_253 : i32
      %and3A_255 = arith.andi %ne3A_251, %ne3A_254 : i1
      %sub3A_256 = arith.constant 1 : i32
      %sub3A_257 = arith.subi %div3A_236, %sub3A_256 : i32
      %select_n3A_258 = arith.select %and3A_255, %sub3A_257, %div3A_236 : i32
      %jit3A_259 = arith.constant 16 : i32
      %eq3A = arith.constant 0 : i32
      %eq3A_260 = arith.cmpi eq, %jit3A_259, %eq3A : i32
      %jit3A_261 = arith.constant 1 : i32
      %select_n3A_262 = arith.select %eq3A_260, %jit3A_261, %jit3A_259 : i32
      %rem3A_263 = arith.remsi %add3A_234, %select_n3A_262 : i32
      %ne3A_264 = arith.constant 0 : i32
      %ne3A_265 = arith.cmpi ne, %rem3A_263, %ne3A_264 : i32
      %lt3A = arith.constant 0 : i32
      %lt3A_266 = arith.cmpi slt, %rem3A_263, %lt3A : i32
      %lt3A_267 = arith.constant 0 : i32
      %lt3A_268 = arith.cmpi slt, %select_n3A_262, %lt3A_267 : i32
      %ne3A_269 = arith.xori %lt3A_266, %lt3A_268 : i1
      %and3A_270 = arith.andi %ne3A_269, %ne3A_265 : i1
      %add3A_271 = arith.addi %rem3A_263, %select_n3A_262 : i32
      %select_n3A_272 = arith.select %and3A_270, %add3A_271, %rem3A_263 : i32
      %mul3A_273 = arith.constant 64 : i32
      %mul3A_274 = arith.muli %select_n3A_272, %mul3A_273 : i32
      %dma_wait3A_275 = arith.constant 0 : i32
      %dma_wait3A_276 = arith.constant 0 : i32
      %dma_wait3A_277 = arith.constant 0 : i32
      %dma_wait3A_278 = arith.constant 0 : i32
      %dma_wait3A_279 = tpu.memref_slice %arg8[%dma_wait3A_275, %dma_wait3A_277, %dma_wait3A_278] : memref<5x64x128xf32, #tpu.memory_space<vmem>> -> memref<1x64x128xf32, #tpu.memory_space<vmem>>
      %dma_wait3A_280 = tpu.memref_squeeze %dma_wait3A_279 : memref<1x64x128xf32, #tpu.memory_space<vmem>> -> memref<64x128xf32, #tpu.memory_space<vmem>>
      %dma_wait3A_281 = arith.constant 0 : i32
      %dma_wait3A_282 = tpu.memref_slice %arg7[%add3A_233, %dma_wait3A_281] : memref<100x64xi32, #tpu.memory_space<vmem>> -> memref<1x64xi32, #tpu.memory_space<vmem>>
      %dma_wait3A_283 = tpu.memref_squeeze %dma_wait3A_282 : memref<1x64xi32, #tpu.memory_space<vmem>> -> memref<64xi32, #tpu.memory_space<vmem>>
      %dma_wait3A_284 = arith.constant 0 : i32
      %dma_wait3A_285 = arith.constant 0 : i32
      %dma_wait3A_286 = tpu.memref_slice %arg3[%dma_wait3A_284, %dma_wait3A_285] : memref<100000x128xf32, #tpu.memory_space<hbm>> -> memref<100000x128xf32, #tpu.memory_space<hbm>>
      %dma_wait3A_287 = tpu.memref_slice %arg10[%dma_wait3A_276] : memref<5x!tpu.dma_semaphore, #tpu.memory_space<semaphore_mem>> -> memref<1x!tpu.dma_semaphore, #tpu.memory_space<semaphore_mem>>
      %dma_wait3A_288 = tpu.memref_squeeze %dma_wait3A_287 : memref<1x!tpu.dma_semaphore, #tpu.memory_space<semaphore_mem>> -> memref<!tpu.dma_semaphore, #tpu.memory_space<semaphore_mem>>
      tpu.wait_indirect_dma semaphore(%dma_wait3A_288 : memref<!tpu.dma_semaphore, #tpu.memory_space<semaphore_mem>>) src(%dma_wait3A_286 : memref<100000x128xf32, #tpu.memory_space<hbm>>) dst(%dma_wait3A_280 : memref<64x128xf32, #tpu.memory_space<vmem>>)
      %ge3A = arith.constant 1 : i32
      %ge3A_289 = arith.cmpi sge, %scan3A_229, %ge3A : i32
      %convert_element_type3A = arith.extui %ge3A_289 : i1 to i32
      %cond3A = arith.constant 0 : i32
      %cond3A_290 = arith.cmpi ne, %convert_element_type3A, %cond3A : i32
      scf.if %cond3A_290 {
        %dma_wait3A_893 = arith.constant 0 : i32
        %dma_wait3A_894 = arith.constant 0 : i32
        %dma_wait3A_895 = arith.constant 0 : i32
        %dma_wait3A_896 = arith.constant 0 : i32
        %dma_wait3A_897 = arith.constant 0 : i32
        %dma_wait3A_898 = tpu.memref_slice %arg9[%dma_wait3A_893, %dma_wait3A_896, %dma_wait3A_897] : memref<5x64x128xf32, #tpu.memory_space<vmem>> -> memref<1x64x128xf32, #tpu.memory_space<vmem>>
        %dma_wait3A_899 = tpu.memref_squeeze %dma_wait3A_898 : memref<1x64x128xf32, #tpu.memory_space<vmem>> -> memref<64x128xf32, #tpu.memory_space<vmem>>
        %dma_wait3A_900 = arith.constant 0 : i32
        %dma_wait3A_901 = arith.constant 0 : i32
        %dma_wait3A_902 = tpu.memref_slice %arg5[%dma_wait3A_900, %dma_wait3A_894, %dma_wait3A_901] : memref<1024x200x128xf32, #tpu.memory_space<hbm>> -> memref<64x1x128xf32, #tpu.memory_space<hbm>>
        %dma_wait3A_903 = tpu.memref_squeeze %dma_wait3A_902 : memref<64x1x128xf32, #tpu.memory_space<hbm>> -> memref<64x128xf32, #tpu.memory_space<hbm>>
        %dma_wait3A_904 = tpu.memref_slice %arg11[%dma_wait3A_895] : memref<5x!tpu.dma_semaphore, #tpu.memory_space<semaphore_mem>> -> memref<1x!tpu.dma_semaphore, #tpu.memory_space<semaphore_mem>>
        %dma_wait3A_905 = tpu.memref_squeeze %dma_wait3A_904 : memref<1x!tpu.dma_semaphore, #tpu.memory_space<semaphore_mem>> -> memref<!tpu.dma_semaphore, #tpu.memory_space<semaphore_mem>>
        %dma_wait3A_906 = arith.constant 0 : i32
        %dma_wait3A_907 = arith.constant 0 : i32
        %dma_wait3A_908 = tpu.memref_slice %arg5[%dma_wait3A_906, %dma_wait3A_894, %dma_wait3A_907] : memref<1024x200x128xf32, #tpu.memory_space<hbm>> -> memref<64x1x128xf32, #tpu.memory_space<hbm>>
        %dma_wait3A_909 = tpu.memref_squeeze %dma_wait3A_908 : memref<64x1x128xf32, #tpu.memory_space<hbm>> -> memref<64x128xf32, #tpu.memory_space<hbm>>
        %dma_wait3A_910 = arith.constant 0 : i32
        %dma_wait3A_911 = arith.constant 0 : i32
        %dma_wait3A_912 = tpu.memref_slice %arg9[%dma_wait3A_893, %dma_wait3A_910, %dma_wait3A_911] : memref<5x64x128xf32, #tpu.memory_space<vmem>> -> memref<1x64x128xf32, #tpu.memory_space<vmem>>
        %dma_wait3A_913 = tpu.memref_squeeze %dma_wait3A_912 : memref<1x64x128xf32, #tpu.memory_space<vmem>> -> memref<64x128xf32, #tpu.memory_space<vmem>>
        tpu.wait_dma2 semaphore(%dma_wait3A_905 : memref<!tpu.dma_semaphore, #tpu.memory_space<semaphore_mem>>) src(%dma_wait3A_913 : memref<64x128xf32, #tpu.memory_space<vmem>>) dst(%dma_wait3A_909 : memref<64x128xf32, #tpu.memory_space<hbm>>)
      } else {
      }
      %sub3A_291 = arith.subi %select_n3A_258, %multiple_of3A : i32
      %get3A = arith.index_cast %sub3A_291 : i32 to index
      %get3A_292 = arith.constant 0 : index
      %get3A_293 = tpu.vector_load %arg6[%get3A, %get3A_292] {strides = array<i32>} : memref<16x128xf32, #tpu.memory_space<vmem>>, vector<1x16xf32>,
      %get3A_294 = vector.shape_cast %get3A_293 : vector<1x16xf32> to vector<16xf32>
      %sub3A_295 = arith.subi %select_n3A_258, %multiple_of3A : i32
      %get3A_296 = arith.index_cast %sub3A_295 : i32 to index
      %get3A_297 = arith.constant 16 : index
      %get3A_298 = tpu.vector_load %arg6[%get3A_296, %get3A_297] {strides = array<i32>} : memref<16x128xf32, #tpu.memory_space<vmem>>, vector<1x16xf32>,
      %get3A_299 = vector.shape_cast %get3A_298 : vector<1x16xf32> to vector<16xf32>
      %sub3A_300 = arith.subi %select_n3A_258, %multiple_of3A : i32
      %get3A_301 = arith.index_cast %sub3A_300 : i32 to index
      %get3A_302 = arith.constant 32 : index
      %get3A_303 = tpu.vector_load %arg6[%get3A_301, %get3A_302] {strides = array<i32>} : memref<16x128xf32, #tpu.memory_space<vmem>>, vector<1x16xf32>,
      %get3A_304 = vector.shape_cast %get3A_303 : vector<1x16xf32> to vector<16xf32>
      %sub3A_305 = arith.subi %select_n3A_258, %multiple_of3A : i32
      %get3A_306 = arith.index_cast %sub3A_305 : i32 to index
      %get3A_307 = arith.constant 48 : index
      %get3A_308 = tpu.vector_load %arg6[%get3A_306, %get3A_307] {strides = array<i32>} : memref<16x128xf32, #tpu.memory_space<vmem>>, vector<1x16xf32>,
      %get3A_309 = vector.shape_cast %get3A_308 : vector<1x16xf32> to vector<16xf32>
      %sub3A_310 = arith.subi %select_n3A_258, %multiple_of3A : i32
      %get3A_311 = arith.index_cast %sub3A_310 : i32 to index
      %get3A_312 = arith.constant 64 : index
      %get3A_313 = tpu.vector_load %arg6[%get3A_311, %get3A_312] {strides = array<i32>} : memref<16x128xf32, #tpu.memory_space<vmem>>, vector<1x16xf32>,
      %get3A_314 = vector.shape_cast %get3A_313 : vector<1x16xf32> to vector<16xf32>
      %sub3A_315 = arith.subi %select_n3A_258, %multiple_of3A : i32
      %get3A_316 = arith.index_cast %sub3A_315 : i32 to index
      %get3A_317 = arith.constant 80 : index
      %get3A_318 = tpu.vector_load %arg6[%get3A_316, %get3A_317] {strides = array<i32>} : memref<16x128xf32, #tpu.memory_space<vmem>>, vector<1x16xf32>,
      %get3A_319 = vector.shape_cast %get3A_318 : vector<1x16xf32> to vector<16xf32>
      %sub3A_320 = arith.subi %select_n3A_258, %multiple_of3A : i32
      %get3A_321 = arith.index_cast %sub3A_320 : i32 to index
      %get3A_322 = arith.constant 96 : index
      %get3A_323 = tpu.vector_load %arg6[%get3A_321, %get3A_322] {strides = array<i32>} : memref<16x128xf32, #tpu.memory_space<vmem>>, vector<1x16xf32>,
      %get3A_324 = vector.shape_cast %get3A_323 : vector<1x16xf32> to vector<16xf32>
      %sub3A_325 = arith.subi %select_n3A_258, %multiple_of3A : i32
      %get3A_326 = arith.index_cast %sub3A_325 : i32 to index
      %get3A_327 = arith.constant 112 : index
      %get3A_328 = tpu.vector_load %arg6[%get3A_326, %get3A_327] {strides = array<i32>} : memref<16x128xf32, #tpu.memory_space<vmem>>, vector<1x16xf32>,
      %get3A_329 = vector.shape_cast %get3A_328 : vector<1x16xf32> to vector<16xf32>
      %parallel_loop3A = arith.constant 0 : i32
      %parallel_loop3A_330 = arith.constant 64 : i32
      %parallel_loop3A_331 = arith.constant 1 : i32
      scf.for %parallel_loop3A_893 = %parallel_loop3A to %parallel_loop3A_330 step %parallel_loop3A_331  : i32 {
        %parallel_loop3A_894 = arith.constant 0 : i32
        %parallel_loop3A_895 = arith.index_cast %parallel_loop3A_894 : i32 to index
        %parallel_loop3A_896 = arith.index_cast %parallel_loop3A_893 : i32 to index
        %parallel_loop3A_897 = arith.constant 0 : index
        %parallel_loop3A_898 = tpu.vector_load %arg8[%parallel_loop3A_895, %parallel_loop3A_896, %parallel_loop3A_897] {strides = array<i32>} : memref<5x64x128xf32, #tpu.memory_space<vmem>>, vector<1x1x16xf32>,
        %parallel_loop3A_899 = vector.shape_cast %parallel_loop3A_898 : vector<1x1x16xf32> to vector<16xf32>
        %parallel_loop3A_900 = arith.addf %parallel_loop3A_899, %get3A_294 : vector<16xf32>
        %parallel_loop3A_901 = arith.constant 0 : i32
        %parallel_loop3A_902 = arith.index_cast %parallel_loop3A_901 : i32 to index
        %parallel_loop3A_903 = arith.index_cast %parallel_loop3A_893 : i32 to index
        %parallel_loop3A_904 = arith.constant 0 : index
        %parallel_loop3A_905 = tpu.vector_load %arg9[%parallel_loop3A_902, %parallel_loop3A_903, %parallel_loop3A_904] {strides = array<i32>} : memref<5x64x128xf32, #tpu.memory_space<vmem>>, vector<1x1x16xf32>,
        %parallel_loop3A_906 = vector.shape_cast %parallel_loop3A_905 : vector<1x1x16xf32> to vector<16xf32>
        %parallel_loop3A_907 = vector.shape_cast %parallel_loop3A_900 : vector<16xf32> to vector<1x1x16xf32>
        tpu.vector_store %arg9[%parallel_loop3A_902, %parallel_loop3A_903, %parallel_loop3A_904], %parallel_loop3A_907 {strides = array<i32>} : memref<5x64x128xf32, #tpu.memory_space<vmem>>, vector<1x1x16xf32>,
        %parallel_loop3A_908 = arith.constant 0 : i32
        %parallel_loop3A_909 = arith.index_cast %parallel_loop3A_908 : i32 to index
        %parallel_loop3A_910 = arith.index_cast %parallel_loop3A_893 : i32 to index
        %parallel_loop3A_911 = arith.constant 16 : index
        %parallel_loop3A_912 = tpu.vector_load %arg8[%parallel_loop3A_909, %parallel_loop3A_910, %parallel_loop3A_911] {strides = array<i32>} : memref<5x64x128xf32, #tpu.memory_space<vmem>>, vector<1x1x16xf32>,
        %parallel_loop3A_913 = vector.shape_cast %parallel_loop3A_912 : vector<1x1x16xf32> to vector<16xf32>
        %parallel_loop3A_914 = arith.addf %parallel_loop3A_913, %get3A_299 : vector<16xf32>
        %parallel_loop3A_915 = arith.constant 0 : i32
        %parallel_loop3A_916 = arith.index_cast %parallel_loop3A_915 : i32 to index
        %parallel_loop3A_917 = arith.index_cast %parallel_loop3A_893 : i32 to index
        %parallel_loop3A_918 = arith.constant 16 : index
        %parallel_loop3A_919 = tpu.vector_load %arg9[%parallel_loop3A_916, %parallel_loop3A_917, %parallel_loop3A_918] {strides = array<i32>} : memref<5x64x128xf32, #tpu.memory_space<vmem>>, vector<1x1x16xf32>,
        %parallel_loop3A_920 = vector.shape_cast %parallel_loop3A_919 : vector<1x1x16xf32> to vector<16xf32>
        %parallel_loop3A_921 = vector.shape_cast %parallel_loop3A_914 : vector<16xf32> to vector<1x1x16xf32>
        tpu.vector_store %arg9[%parallel_loop3A_916, %parallel_loop3A_917, %parallel_loop3A_918], %parallel_loop3A_921 {strides = array<i32>} : memref<5x64x128xf32, #tpu.memory_space<vmem>>, vector<1x1x16xf32>,
        %parallel_loop3A_922 = arith.constant 0 : i32
        %parallel_loop3A_923 = arith.index_cast %parallel_loop3A_922 : i32 to index
        %parallel_loop3A_924 = arith.index_cast %parallel_loop3A_893 : i32 to index
        %parallel_loop3A_925 = arith.constant 32 : index
        %parallel_loop3A_926 = tpu.vector_load %arg8[%parallel_loop3A_923, %parallel_loop3A_924, %parallel_loop3A_925] {strides = array<i32>} : memref<5x64x128xf32, #tpu.memory_space<vmem>>, vector<1x1x16xf32>,
        %parallel_loop3A_927 = vector.shape_cast %parallel_loop3A_926 : vector<1x1x16xf32> to vector<16xf32>
        %parallel_loop3A_928 = arith.addf %parallel_loop3A_927, %get3A_304 : vector<16xf32>
        %parallel_loop3A_929 = arith.constant 0 : i32
        %parallel_loop3A_930 = arith.index_cast %parallel_loop3A_929 : i32 to index
        %parallel_loop3A_931 = arith.index_cast %parallel_loop3A_893 : i32 to index
        %parallel_loop3A_932 = arith.constant 32 : index
        %parallel_loop3A_933 = tpu.vector_load %arg9[%parallel_loop3A_930, %parallel_loop3A_931, %parallel_loop3A_932] {strides = array<i32>} : memref<5x64x128xf32, #tpu.memory_space<vmem>>, vector<1x1x16xf32>,
        %parallel_loop3A_934 = vector.shape_cast %parallel_loop3A_933 : vector<1x1x16xf32> to vector<16xf32>
        %parallel_loop3A_935 = vector.shape_cast %parallel_loop3A_928 : vector<16xf32> to vector<1x1x16xf32>
        tpu.vector_store %arg9[%parallel_loop3A_930, %parallel_loop3A_931, %parallel_loop3A_932], %parallel_loop3A_935 {strides = array<i32>} : memref<5x64x128xf32, #tpu.memory_space<vmem>>, vector<1x1x16xf32>,
        %parallel_loop3A_936 = arith.constant 0 : i32
        %parallel_loop3A_937 = arith.index_cast %parallel_loop3A_936 : i32 to index
        %parallel_loop3A_938 = arith.index_cast %parallel_loop3A_893 : i32 to index
        %parallel_loop3A_939 = arith.constant 48 : index
        %parallel_loop3A_940 = tpu.vector_load %arg8[%parallel_loop3A_937, %parallel_loop3A_938, %parallel_loop3A_939] {strides = array<i32>} : memref<5x64x128xf32, #tpu.memory_space<vmem>>, vector<1x1x16xf32>,
        %parallel_loop3A_941 = vector.shape_cast %parallel_loop3A_940 : vector<1x1x16xf32> to vector<16xf32>
        %parallel_loop3A_942 = arith.addf %parallel_loop3A_941, %get3A_309 : vector<16xf32>
        %parallel_loop3A_943 = arith.constant 0 : i32
        %parallel_loop3A_944 = arith.index_cast %parallel_loop3A_943 : i32 to index
        %parallel_loop3A_945 = arith.index_cast %parallel_loop3A_893 : i32 to index
        %parallel_loop3A_946 = arith.constant 48 : index
        %parallel_loop3A_947 = tpu.vector_load %arg9[%parallel_loop3A_944, %parallel_loop3A_945, %parallel_loop3A_946] {strides = array<i32>} : memref<5x64x128xf32, #tpu.memory_space<vmem>>, vector<1x1x16xf32>,
        %parallel_loop3A_948 = vector.shape_cast %parallel_loop3A_947 : vector<1x1x16xf32> to vector<16xf32>
        %parallel_loop3A_949 = vector.shape_cast %parallel_loop3A_942 : vector<16xf32> to vector<1x1x16xf32>
        tpu.vector_store %arg9[%parallel_loop3A_944, %parallel_loop3A_945, %parallel_loop3A_946], %parallel_loop3A_949 {strides = array<i32>} : memref<5x64x128xf32, #tpu.memory_space<vmem>>, vector<1x1x16xf32>,
        %parallel_loop3A_950 = arith.constant 0 : i32
        %parallel_loop3A_951 = arith.index_cast %parallel_loop3A_950 : i32 to index
        %parallel_loop3A_952 = arith.index_cast %parallel_loop3A_893 : i32 to index
        %parallel_loop3A_953 = arith.constant 64 : index
        %parallel_loop3A_954 = tpu.vector_load %arg8[%parallel_loop3A_951, %parallel_loop3A_952, %parallel_loop3A_953] {strides = array<i32>} : memref<5x64x128xf32, #tpu.memory_space<vmem>>, vector<1x1x16xf32>,
        %parallel_loop3A_955 = vector.shape_cast %parallel_loop3A_954 : vector<1x1x16xf32> to vector<16xf32>
        %parallel_loop3A_956 = arith.addf %parallel_loop3A_955, %get3A_314 : vector<16xf32>
        %parallel_loop3A_957 = arith.constant 0 : i32
        %parallel_loop3A_958 = arith.index_cast %parallel_loop3A_957 : i32 to index
        %parallel_loop3A_959 = arith.index_cast %parallel_loop3A_893 : i32 to index
        %parallel_loop3A_960 = arith.constant 64 : index
        %parallel_loop3A_961 = tpu.vector_load %arg9[%parallel_loop3A_958, %parallel_loop3A_959, %parallel_loop3A_960] {strides = array<i32>} : memref<5x64x128xf32, #tpu.memory_space<vmem>>, vector<1x1x16xf32>,
        %parallel_loop3A_962 = vector.shape_cast %parallel_loop3A_961 : vector<1x1x16xf32> to vector<16xf32>
        %parallel_loop3A_963 = vector.shape_cast %parallel_loop3A_956 : vector<16xf32> to vector<1x1x16xf32>
        tpu.vector_store %arg9[%parallel_loop3A_958, %parallel_loop3A_959, %parallel_loop3A_960], %parallel_loop3A_963 {strides = array<i32>} : memref<5x64x128xf32, #tpu.memory_space<vmem>>, vector<1x1x16xf32>,
        %parallel_loop3A_964 = arith.constant 0 : i32
        %parallel_loop3A_965 = arith.index_cast %parallel_loop3A_964 : i32 to index
        %parallel_loop3A_966 = arith.index_cast %parallel_loop3A_893 : i32 to index
        %parallel_loop3A_967 = arith.constant 80 : index
        %parallel_loop3A_968 = tpu.vector_load %arg8[%parallel_loop3A_965, %parallel_loop3A_966, %parallel_loop3A_967] {strides = array<i32>} : memref<5x64x128xf32, #tpu.memory_space<vmem>>, vector<1x1x16xf32>,
        %parallel_loop3A_969 = vector.shape_cast %parallel_loop3A_968 : vector<1x1x16xf32> to vector<16xf32>
        %parallel_loop3A_970 = arith.addf %parallel_loop3A_969, %get3A_319 : vector<16xf32>
        %parallel_loop3A_971 = arith.constant 0 : i32
        %parallel_loop3A_972 = arith.index_cast %parallel_loop3A_971 : i32 to index
        %parallel_loop3A_973 = arith.index_cast %parallel_loop3A_893 : i32 to index
        %parallel_loop3A_974 = arith.constant 80 : index
        %parallel_loop3A_975 = tpu.vector_load %arg9[%parallel_loop3A_972, %parallel_loop3A_973, %parallel_loop3A_974] {strides = array<i32>} : memref<5x64x128xf32, #tpu.memory_space<vmem>>, vector<1x1x16xf32>,
        %parallel_loop3A_976 = vector.shape_cast %parallel_loop3A_975 : vector<1x1x16xf32> to vector<16xf32>
        %parallel_loop3A_977 = vector.shape_cast %parallel_loop3A_970 : vector<16xf32> to vector<1x1x16xf32>
        tpu.vector_store %arg9[%parallel_loop3A_972, %parallel_loop3A_973, %parallel_loop3A_974], %parallel_loop3A_977 {strides = array<i32>} : memref<5x64x128xf32, #tpu.memory_space<vmem>>, vector<1x1x16xf32>,
        %parallel_loop3A_978 = arith.constant 0 : i32
        %parallel_loop3A_979 = arith.index_cast %parallel_loop3A_978 : i32 to index
        %parallel_loop3A_980 = arith.index_cast %parallel_loop3A_893 : i32 to index
        %parallel_loop3A_981 = arith.constant 96 : index
        %parallel_loop3A_982 = tpu.vector_load %arg8[%parallel_loop3A_979, %parallel_loop3A_980, %parallel_loop3A_981] {strides = array<i32>} : memref<5x64x128xf32, #tpu.memory_space<vmem>>, vector<1x1x16xf32>,
        %parallel_loop3A_983 = vector.shape_cast %parallel_loop3A_982 : vector<1x1x16xf32> to vector<16xf32>
        %parallel_loop3A_984 = arith.addf %parallel_loop3A_983, %get3A_324 : vector<16xf32>
        %parallel_loop3A_985 = arith.constant 0 : i32
        %parallel_loop3A_986 = arith.index_cast %parallel_loop3A_985 : i32 to index
        %parallel_loop3A_987 = arith.index_cast %parallel_loop3A_893 : i32 to index
        %parallel_loop3A_988 = arith.constant 96 : index
        %parallel_loop3A_989 = tpu.vector_load %arg9[%parallel_loop3A_986, %parallel_loop3A_987, %parallel_loop3A_988] {strides = array<i32>} : memref<5x64x128xf32, #tpu.memory_space<vmem>>, vector<1x1x16xf32>,
        %parallel_loop3A_990 = vector.shape_cast %parallel_loop3A_989 : vector<1x1x16xf32> to vector<16xf32>
        %parallel_loop3A_991 = vector.shape_cast %parallel_loop3A_984 : vector<16xf32> to vector<1x1x16xf32>
        tpu.vector_store %arg9[%parallel_loop3A_986, %parallel_loop3A_987, %parallel_loop3A_988], %parallel_loop3A_991 {strides = array<i32>} : memref<5x64x128xf32, #tpu.memory_space<vmem>>, vector<1x1x16xf32>,
        %parallel_loop3A_992 = arith.constant 0 : i32
        %parallel_loop3A_993 = arith.index_cast %parallel_loop3A_992 : i32 to index
        %parallel_loop3A_994 = arith.index_cast %parallel_loop3A_893 : i32 to index
        %parallel_loop3A_995 = arith.constant 112 : index
        %parallel_loop3A_996 = tpu.vector_load %arg8[%parallel_loop3A_993, %parallel_loop3A_994, %parallel_loop3A_995] {strides = array<i32>} : memref<5x64x128xf32, #tpu.memory_space<vmem>>, vector<1x1x16xf32>,
        %parallel_loop3A_997 = vector.shape_cast %parallel_loop3A_996 : vector<1x1x16xf32> to vector<16xf32>
        %parallel_loop3A_998 = arith.addf %parallel_loop3A_997, %get3A_329 : vector<16xf32>
        %parallel_loop3A_999 = arith.constant 0 : i32
        %parallel_loop3A_1000 = arith.index_cast %parallel_loop3A_999 : i32 to index
        %parallel_loop3A_1001 = arith.index_cast %parallel_loop3A_893 : i32 to index
        %parallel_loop3A_1002 = arith.constant 112 : index
        %parallel_loop3A_1003 = tpu.vector_load %arg9[%parallel_loop3A_1000, %parallel_loop3A_1001, %parallel_loop3A_1002] {strides = array<i32>} : memref<5x64x128xf32, #tpu.memory_space<vmem>>, vector<1x1x16xf32>,
        %parallel_loop3A_1004 = vector.shape_cast %parallel_loop3A_1003 : vector<1x1x16xf32> to vector<16xf32>
        %parallel_loop3A_1005 = vector.shape_cast %parallel_loop3A_998 : vector<16xf32> to vector<1x1x16xf32>
        tpu.vector_store %arg9[%parallel_loop3A_1000, %parallel_loop3A_1001, %parallel_loop3A_1002], %parallel_loop3A_1005 {strides = array<i32>} : memref<5x64x128xf32, #tpu.memory_space<vmem>>, vector<1x1x16xf32>,
      } {sc.loop_unroll_factor = 4 : i64, sc.parallel_access}
      %dma_start3A_332 = arith.constant 0 : i32
      %dma_start3A_333 = arith.constant 0 : i32
      %dma_start3A_334 = arith.constant 0 : i32
      %dma_start3A_335 = arith.constant 0 : i32
      %dma_start3A_336 = tpu.memref_slice %arg9[%dma_start3A_332, %dma_start3A_334, %dma_start3A_335] : memref<5x64x128xf32, #tpu.memory_space<vmem>> -> memref<1x64x128xf32, #tpu.memory_space<vmem>>
      %dma_start3A_337 = tpu.memref_squeeze %dma_start3A_336 : memref<1x64x128xf32, #tpu.memory_space<vmem>> -> memref<64x128xf32, #tpu.memory_space<vmem>>
      %dma_start3A_338 = arith.constant 0 : i32
      %dma_start3A_339 = tpu.memref_slice %arg5[%mul3A_274, %select_n3A_258, %dma_start3A_338] : memref<1024x200x128xf32, #tpu.memory_space<hbm>> -> memref<64x1x128xf32, #tpu.memory_space<hbm>>
      %dma_start3A_340 = tpu.memref_squeeze %dma_start3A_339 : memref<64x1x128xf32, #tpu.memory_space<hbm>> -> memref<64x128xf32, #tpu.memory_space<hbm>>
      %dma_start3A_341 = tpu.memref_slice %arg11[%dma_start3A_333] : memref<5x!tpu.dma_semaphore, #tpu.memory_space<semaphore_mem>> -> memref<1x!tpu.dma_semaphore, #tpu.memory_space<semaphore_mem>>
      %dma_start3A_342 = tpu.memref_squeeze %dma_start3A_341 : memref<1x!tpu.dma_semaphore, #tpu.memory_space<semaphore_mem>> -> memref<!tpu.dma_semaphore, #tpu.memory_space<semaphore_mem>>
      %dma_start3A_343 = arith.constant 0 : i32
      %dma_start3A_344 = tpu.memref_slice %arg5[%mul3A_274, %select_n3A_258, %dma_start3A_343] : memref<1024x200x128xf32, #tpu.memory_space<hbm>> -> memref<64x1x128xf32, #tpu.memory_space<hbm>>
      %dma_start3A_345 = tpu.memref_squeeze %dma_start3A_344 : memref<64x1x128xf32, #tpu.memory_space<hbm>> -> memref<64x128xf32, #tpu.memory_space<hbm>>
      %dma_start3A_346 = arith.constant 0 : i32
      %dma_start3A_347 = arith.constant 0 : i32
      %dma_start3A_348 = tpu.memref_slice %arg9[%dma_start3A_332, %dma_start3A_346, %dma_start3A_347] : memref<5x64x128xf32, #tpu.memory_space<vmem>> -> memref<1x64x128xf32, #tpu.memory_space<vmem>>
      %dma_start3A_349 = tpu.memref_squeeze %dma_start3A_348 : memref<1x64x128xf32, #tpu.memory_space<vmem>> -> memref<64x128xf32, #tpu.memory_space<vmem>>
      tpu.enqueue_dma source(%dma_start3A_349 : memref<64x128xf32, #tpu.memory_space<vmem>>) target(%dma_start3A_345 : memref<64x128xf32, #tpu.memory_space<hbm>>) target_semaphore(%dma_start3A_342 : memref<!tpu.dma_semaphore, #tpu.memory_space<semaphore_mem>>)
      %add3A_350 = arith.constant 5 : i32
      %add3A_351 = arith.addi %add3A_233, %add3A_350 : i32
      %lt3A_352 = arith.constant 100 : i32
      %lt3A_353 = arith.cmpi slt, %add3A_351, %lt3A_352 : i32
      %convert_element_type3A_354 = arith.extui %lt3A_353 : i1 to i32
      %cond3A_355 = arith.constant 0 : i32
      %cond3A_356 = arith.cmpi ne, %convert_element_type3A_354, %cond3A_355 : i32
      scf.if %cond3A_356 {
        %add3A_893 = arith.constant 5 : i32
        %add3A_894 = arith.addi %add3A_233, %add3A_893 : i32
        %dma_start3A_895 = arith.constant 0 : i32
        %dma_start3A_896 = arith.constant 0 : i32
        %dma_start3A_897 = arith.constant 0 : i32
        %dma_start3A_898 = arith.constant 0 : i32
        %dma_start3A_899 = tpu.memref_slice %arg8[%dma_start3A_895, %dma_start3A_897, %dma_start3A_898] : memref<5x64x128xf32, #tpu.memory_space<vmem>> -> memref<1x64x128xf32, #tpu.memory_space<vmem>>
        %dma_start3A_900 = tpu.memref_squeeze %dma_start3A_899 : memref<1x64x128xf32, #tpu.memory_space<vmem>> -> memref<64x128xf32, #tpu.memory_space<vmem>>
        %dma_start3A_901 = arith.constant 0 : i32
        %dma_start3A_902 = tpu.memref_slice %arg7[%add3A_894, %dma_start3A_901] : memref<100x64xi32, #tpu.memory_space<vmem>> -> memref<1x64xi32, #tpu.memory_space<vmem>>
        %dma_start3A_903 = tpu.memref_squeeze %dma_start3A_902 : memref<1x64xi32, #tpu.memory_space<vmem>> -> memref<64xi32, #tpu.memory_space<vmem>>
        %dma_start3A_904 = arith.constant 0 : i32
        %dma_start3A_905 = arith.constant 0 : i32
        %dma_start3A_906 = tpu.memref_slice %arg3[%dma_start3A_904, %dma_start3A_905] : memref<100000x128xf32, #tpu.memory_space<hbm>> -> memref<100000x128xf32, #tpu.memory_space<hbm>>
        %dma_start3A_907 = tpu.memref_slice %arg10[%dma_start3A_896] : memref<5x!tpu.dma_semaphore, #tpu.memory_space<semaphore_mem>> -> memref<1x!tpu.dma_semaphore, #tpu.memory_space<semaphore_mem>>
        %dma_start3A_908 = tpu.memref_squeeze %dma_start3A_907 : memref<1x!tpu.dma_semaphore, #tpu.memory_space<semaphore_mem>> -> memref<!tpu.dma_semaphore, #tpu.memory_space<semaphore_mem>>
        tpu.enqueue_indirect_dma source(%dma_start3A_906 : memref<100000x128xf32, #tpu.memory_space<hbm>>) target(%dma_start3A_900 : memref<64x128xf32, #tpu.memory_space<vmem>>) offsets(%dma_start3A_903 : memref<64xi32, #tpu.memory_space<vmem>>) semaphore(%dma_start3A_908 : memref<!tpu.dma_semaphore, #tpu.memory_space<semaphore_mem>>)
      } else {
      }
      %mul3A_357 = arith.constant 5 : i32
      %mul3A_358 = arith.muli %mul3A_357, %scan3A_229 : i32
      %add3A_359 = arith.constant 1 : i32
      %add3A_360 = arith.addi %mul3A_358, %add3A_359 : i32
      %add3A_361 = arith.addi %mul3A_2, %add3A_360 : i32
      %jit3A_362 = arith.constant 16 : i32
      %div3A_363 = arith.divsi %add3A_361, %jit3A_362 : i32
      %sign3A_364 = arith.constant 0 : i32
      %sign3A_365 = arith.cmpi sgt, %add3A_361, %sign3A_364 : i32
      %sign3A_366 = arith.extui %sign3A_365 : i1 to i32
      %sign3A_367 = arith.constant 0 : i32
      %sign3A_368 = arith.cmpi slt, %add3A_361, %sign3A_367 : i32
      %sign3A_369 = arith.extui %sign3A_368 : i1 to i32
      %sign3A_370 = arith.subi %sign3A_366, %sign3A_369 : i32
      %sign3A_371 = arith.constant 0 : i32
      %sign3A_372 = arith.cmpi sgt, %jit3A_362, %sign3A_371 : i32
      %sign3A_373 = arith.extui %sign3A_372 : i1 to i32
      %sign3A_374 = arith.constant 0 : i32
      %sign3A_375 = arith.cmpi slt, %jit3A_362, %sign3A_374 : i32
      %sign3A_376 = arith.extui %sign3A_375 : i1 to i32
      %sign3A_377 = arith.subi %sign3A_373, %sign3A_376 : i32
      %ne3A_378 = arith.cmpi ne, %sign3A_370, %sign3A_377 : i32
      %rem3A_379 = arith.remsi %add3A_361, %jit3A_362 : i32
      %ne3A_380 = arith.constant 0 : i32
      %ne3A_381 = arith.cmpi ne, %rem3A_379, %ne3A_380 : i32
      %and3A_382 = arith.andi %ne3A_378, %ne3A_381 : i1
      %sub3A_383 = arith.constant 1 : i32
      %sub3A_384 = arith.subi %div3A_363, %sub3A_383 : i32
      %select_n3A_385 = arith.select %and3A_382, %sub3A_384, %div3A_363 : i32
      %jit3A_386 = arith.constant 16 : i32
      %eq3A_387 = arith.constant 0 : i32
      %eq3A_388 = arith.cmpi eq, %jit3A_386, %eq3A_387 : i32
      %jit3A_389 = arith.constant 1 : i32
      %select_n3A_390 = arith.select %eq3A_388, %jit3A_389, %jit3A_386 : i32
      %rem3A_391 = arith.remsi %add3A_361, %select_n3A_390 : i32
      %ne3A_392 = arith.constant 0 : i32
      %ne3A_393 = arith.cmpi ne, %rem3A_391, %ne3A_392 : i32
      %lt3A_394 = arith.constant 0 : i32
      %lt3A_395 = arith.cmpi slt, %rem3A_391, %lt3A_394 : i32
      %lt3A_396 = arith.constant 0 : i32
      %lt3A_397 = arith.cmpi slt, %select_n3A_390, %lt3A_396 : i32
      %ne3A_398 = arith.xori %lt3A_395, %lt3A_397 : i1
      %and3A_399 = arith.andi %ne3A_398, %ne3A_393 : i1
      %add3A_400 = arith.addi %rem3A_391, %select_n3A_390 : i32
      %select_n3A_401 = arith.select %and3A_399, %add3A_400, %rem3A_391 : i32
      %mul3A_402 = arith.constant 64 : i32
      %mul3A_403 = arith.muli %select_n3A_401, %mul3A_402 : i32
      %dma_wait3A_404 = arith.constant 1 : i32
      %dma_wait3A_405 = arith.constant 1 : i32
      %dma_wait3A_406 = arith.constant 0 : i32
      %dma_wait3A_407 = arith.constant 0 : i32
      %dma_wait3A_408 = tpu.memref_slice %arg8[%dma_wait3A_404, %dma_wait3A_406, %dma_wait3A_407] : memref<5x64x128xf32, #tpu.memory_space<vmem>> -> memref<1x64x128xf32, #tpu.memory_space<vmem>>
      %dma_wait3A_409 = tpu.memref_squeeze %dma_wait3A_408 : memref<1x64x128xf32, #tpu.memory_space<vmem>> -> memref<64x128xf32, #tpu.memory_space<vmem>>
      %dma_wait3A_410 = arith.constant 0 : i32
      %dma_wait3A_411 = tpu.memref_slice %arg7[%add3A_360, %dma_wait3A_410] : memref<100x64xi32, #tpu.memory_space<vmem>> -> memref<1x64xi32, #tpu.memory_space<vmem>>
      %dma_wait3A_412 = tpu.memref_squeeze %dma_wait3A_411 : memref<1x64xi32, #tpu.memory_space<vmem>> -> memref<64xi32, #tpu.memory_space<vmem>>
      %dma_wait3A_413 = arith.constant 0 : i32
      %dma_wait3A_414 = arith.constant 0 : i32
      %dma_wait3A_415 = tpu.memref_slice %arg3[%dma_wait3A_413, %dma_wait3A_414] : memref<100000x128xf32, #tpu.memory_space<hbm>> -> memref<100000x128xf32, #tpu.memory_space<hbm>>
      %dma_wait3A_416 = tpu.memref_slice %arg10[%dma_wait3A_405] : memref<5x!tpu.dma_semaphore, #tpu.memory_space<semaphore_mem>> -> memref<1x!tpu.dma_semaphore, #tpu.memory_space<semaphore_mem>>
      %dma_wait3A_417 = tpu.memref_squeeze %dma_wait3A_416 : memref<1x!tpu.dma_semaphore, #tpu.memory_space<semaphore_mem>> -> memref<!tpu.dma_semaphore, #tpu.memory_space<semaphore_mem>>
      tpu.wait_indirect_dma semaphore(%dma_wait3A_417 : memref<!tpu.dma_semaphore, #tpu.memory_space<semaphore_mem>>) src(%dma_wait3A_415 : memref<100000x128xf32, #tpu.memory_space<hbm>>) dst(%dma_wait3A_409 : memref<64x128xf32, #tpu.memory_space<vmem>>)
      %ge3A_418 = arith.constant 1 : i32
      %ge3A_419 = arith.cmpi sge, %scan3A_229, %ge3A_418 : i32
      %convert_element_type3A_420 = arith.extui %ge3A_419 : i1 to i32
      %cond3A_421 = arith.constant 0 : i32
      %cond3A_422 = arith.cmpi ne, %convert_element_type3A_420, %cond3A_421 : i32
      scf.if %cond3A_422 {
        %dma_wait3A_893 = arith.constant 1 : i32
        %dma_wait3A_894 = arith.constant 0 : i32
        %dma_wait3A_895 = arith.constant 1 : i32
        %dma_wait3A_896 = arith.constant 0 : i32
        %dma_wait3A_897 = arith.constant 0 : i32
        %dma_wait3A_898 = tpu.memref_slice %arg9[%dma_wait3A_893, %dma_wait3A_896, %dma_wait3A_897] : memref<5x64x128xf32, #tpu.memory_space<vmem>> -> memref<1x64x128xf32, #tpu.memory_space<vmem>>
        %dma_wait3A_899 = tpu.memref_squeeze %dma_wait3A_898 : memref<1x64x128xf32, #tpu.memory_space<vmem>> -> memref<64x128xf32, #tpu.memory_space<vmem>>
        %dma_wait3A_900 = arith.constant 0 : i32
        %dma_wait3A_901 = arith.constant 0 : i32
        %dma_wait3A_902 = tpu.memref_slice %arg5[%dma_wait3A_900, %dma_wait3A_894, %dma_wait3A_901] : memref<1024x200x128xf32, #tpu.memory_space<hbm>> -> memref<64x1x128xf32, #tpu.memory_space<hbm>>
        %dma_wait3A_903 = tpu.memref_squeeze %dma_wait3A_902 : memref<64x1x128xf32, #tpu.memory_space<hbm>> -> memref<64x128xf32, #tpu.memory_space<hbm>>
        %dma_wait3A_904 = tpu.memref_slice %arg11[%dma_wait3A_895] : memref<5x!tpu.dma_semaphore, #tpu.memory_space<semaphore_mem>> -> memref<1x!tpu.dma_semaphore, #tpu.memory_space<semaphore_mem>>
        %dma_wait3A_905 = tpu.memref_squeeze %dma_wait3A_904 : memref<1x!tpu.dma_semaphore, #tpu.memory_space<semaphore_mem>> -> memref<!tpu.dma_semaphore, #tpu.memory_space<semaphore_mem>>
        %dma_wait3A_906 = arith.constant 0 : i32
        %dma_wait3A_907 = arith.constant 0 : i32
        %dma_wait3A_908 = tpu.memref_slice %arg5[%dma_wait3A_906, %dma_wait3A_894, %dma_wait3A_907] : memref<1024x200x128xf32, #tpu.memory_space<hbm>> -> memref<64x1x128xf32, #tpu.memory_space<hbm>>
        %dma_wait3A_909 = tpu.memref_squeeze %dma_wait3A_908 : memref<64x1x128xf32, #tpu.memory_space<hbm>> -> memref<64x128xf32, #tpu.memory_space<hbm>>
        %dma_wait3A_910 = arith.constant 0 : i32
        %dma_wait3A_911 = arith.constant 0 : i32
        %dma_wait3A_912 = tpu.memref_slice %arg9[%dma_wait3A_893, %dma_wait3A_910, %dma_wait3A_911] : memref<5x64x128xf32, #tpu.memory_space<vmem>> -> memref<1x64x128xf32, #tpu.memory_space<vmem>>
        %dma_wait3A_913 = tpu.memref_squeeze %dma_wait3A_912 : memref<1x64x128xf32, #tpu.memory_space<vmem>> -> memref<64x128xf32, #tpu.memory_space<vmem>>
        tpu.wait_dma2 semaphore(%dma_wait3A_905 : memref<!tpu.dma_semaphore, #tpu.memory_space<semaphore_mem>>) src(%dma_wait3A_913 : memref<64x128xf32, #tpu.memory_space<vmem>>) dst(%dma_wait3A_909 : memref<64x128xf32, #tpu.memory_space<hbm>>)
      } else {
      }
      %sub3A_423 = arith.subi %select_n3A_385, %multiple_of3A : i32
      %get3A_424 = arith.index_cast %sub3A_423 : i32 to index
      %get3A_425 = arith.constant 0 : index
      %get3A_426 = tpu.vector_load %arg6[%get3A_424, %get3A_425] {strides = array<i32>} : memref<16x128xf32, #tpu.memory_space<vmem>>, vector<1x16xf32>,
      %get3A_427 = vector.shape_cast %get3A_426 : vector<1x16xf32> to vector<16xf32>
      %sub3A_428 = arith.subi %select_n3A_385, %multiple_of3A : i32
      %get3A_429 = arith.index_cast %sub3A_428 : i32 to index
      %get3A_430 = arith.constant 16 : index
      %get3A_431 = tpu.vector_load %arg6[%get3A_429, %get3A_430] {strides = array<i32>} : memref<16x128xf32, #tpu.memory_space<vmem>>, vector<1x16xf32>,
      %get3A_432 = vector.shape_cast %get3A_431 : vector<1x16xf32> to vector<16xf32>
      %sub3A_433 = arith.subi %select_n3A_385, %multiple_of3A : i32
      %get3A_434 = arith.index_cast %sub3A_433 : i32 to index
      %get3A_435 = arith.constant 32 : index
      %get3A_436 = tpu.vector_load %arg6[%get3A_434, %get3A_435] {strides = array<i32>} : memref<16x128xf32, #tpu.memory_space<vmem>>, vector<1x16xf32>,
      %get3A_437 = vector.shape_cast %get3A_436 : vector<1x16xf32> to vector<16xf32>
      %sub3A_438 = arith.subi %select_n3A_385, %multiple_of3A : i32
      %get3A_439 = arith.index_cast %sub3A_438 : i32 to index
      %get3A_440 = arith.constant 48 : index
      %get3A_441 = tpu.vector_load %arg6[%get3A_439, %get3A_440] {strides = array<i32>} : memref<16x128xf32, #tpu.memory_space<vmem>>, vector<1x16xf32>,
      %get3A_442 = vector.shape_cast %get3A_441 : vector<1x16xf32> to vector<16xf32>
      %sub3A_443 = arith.subi %select_n3A_385, %multiple_of3A : i32
      %get3A_444 = arith.index_cast %sub3A_443 : i32 to index
      %get3A_445 = arith.constant 64 : index
      %get3A_446 = tpu.vector_load %arg6[%get3A_444, %get3A_445] {strides = array<i32>} : memref<16x128xf32, #tpu.memory_space<vmem>>, vector<1x16xf32>,
      %get3A_447 = vector.shape_cast %get3A_446 : vector<1x16xf32> to vector<16xf32>
      %sub3A_448 = arith.subi %select_n3A_385, %multiple_of3A : i32
      %get3A_449 = arith.index_cast %sub3A_448 : i32 to index
      %get3A_450 = arith.constant 80 : index
      %get3A_451 = tpu.vector_load %arg6[%get3A_449, %get3A_450] {strides = array<i32>} : memref<16x128xf32, #tpu.memory_space<vmem>>, vector<1x16xf32>,
      %get3A_452 = vector.shape_cast %get3A_451 : vector<1x16xf32> to vector<16xf32>
      %sub3A_453 = arith.subi %select_n3A_385, %multiple_of3A : i32
      %get3A_454 = arith.index_cast %sub3A_453 : i32 to index
      %get3A_455 = arith.constant 96 : index
      %get3A_456 = tpu.vector_load %arg6[%get3A_454, %get3A_455] {strides = array<i32>} : memref<16x128xf32, #tpu.memory_space<vmem>>, vector<1x16xf32>,
      %get3A_457 = vector.shape_cast %get3A_456 : vector<1x16xf32> to vector<16xf32>
      %sub3A_458 = arith.subi %select_n3A_385, %multiple_of3A : i32
      %get3A_459 = arith.index_cast %sub3A_458 : i32 to index
      %get3A_460 = arith.constant 112 : index
      %get3A_461 = tpu.vector_load %arg6[%get3A_459, %get3A_460] {strides = array<i32>} : memref<16x128xf32, #tpu.memory_space<vmem>>, vector<1x16xf32>,
      %get3A_462 = vector.shape_cast %get3A_461 : vector<1x16xf32> to vector<16xf32>
      %parallel_loop3A_463 = arith.constant 0 : i32
      %parallel_loop3A_464 = arith.constant 64 : i32
      %parallel_loop3A_465 = arith.constant 1 : i32
      scf.for %parallel_loop3A_893 = %parallel_loop3A_463 to %parallel_loop3A_464 step %parallel_loop3A_465  : i32 {
        %parallel_loop3A_894 = arith.constant 1 : i32
        %parallel_loop3A_895 = arith.index_cast %parallel_loop3A_894 : i32 to index
        %parallel_loop3A_896 = arith.index_cast %parallel_loop3A_893 : i32 to index
        %parallel_loop3A_897 = arith.constant 0 : index
        %parallel_loop3A_898 = tpu.vector_load %arg8[%parallel_loop3A_895, %parallel_loop3A_896, %parallel_loop3A_897] {strides = array<i32>} : memref<5x64x128xf32, #tpu.memory_space<vmem>>, vector<1x1x16xf32>,
        %parallel_loop3A_899 = vector.shape_cast %parallel_loop3A_898 : vector<1x1x16xf32> to vector<16xf32>
        %parallel_loop3A_900 = arith.addf %parallel_loop3A_899, %get3A_427 : vector<16xf32>
        %parallel_loop3A_901 = arith.constant 1 : i32
        %parallel_loop3A_902 = arith.index_cast %parallel_loop3A_901 : i32 to index
        %parallel_loop3A_903 = arith.index_cast %parallel_loop3A_893 : i32 to index
        %parallel_loop3A_904 = arith.constant 0 : index
        %parallel_loop3A_905 = tpu.vector_load %arg9[%parallel_loop3A_902, %parallel_loop3A_903, %parallel_loop3A_904] {strides = array<i32>} : memref<5x64x128xf32, #tpu.memory_space<vmem>>, vector<1x1x16xf32>,
        %parallel_loop3A_906 = vector.shape_cast %parallel_loop3A_905 : vector<1x1x16xf32> to vector<16xf32>
        %parallel_loop3A_907 = vector.shape_cast %parallel_loop3A_900 : vector<16xf32> to vector<1x1x16xf32>
        tpu.vector_store %arg9[%parallel_loop3A_902, %parallel_loop3A_903, %parallel_loop3A_904], %parallel_loop3A_907 {strides = array<i32>} : memref<5x64x128xf32, #tpu.memory_space<vmem>>, vector<1x1x16xf32>,
        %parallel_loop3A_908 = arith.constant 1 : i32
        %parallel_loop3A_909 = arith.index_cast %parallel_loop3A_908 : i32 to index
        %parallel_loop3A_910 = arith.index_cast %parallel_loop3A_893 : i32 to index
        %parallel_loop3A_911 = arith.constant 16 : index
        %parallel_loop3A_912 = tpu.vector_load %arg8[%parallel_loop3A_909, %parallel_loop3A_910, %parallel_loop3A_911] {strides = array<i32>} : memref<5x64x128xf32, #tpu.memory_space<vmem>>, vector<1x1x16xf32>,
        %parallel_loop3A_913 = vector.shape_cast %parallel_loop3A_912 : vector<1x1x16xf32> to vector<16xf32>
        %parallel_loop3A_914 = arith.addf %parallel_loop3A_913, %get3A_432 : vector<16xf32>
        %parallel_loop3A_915 = arith.constant 1 : i32
        %parallel_loop3A_916 = arith.index_cast %parallel_loop3A_915 : i32 to index
        %parallel_loop3A_917 = arith.index_cast %parallel_loop3A_893 : i32 to index
        %parallel_loop3A_918 = arith.constant 16 : index
        %parallel_loop3A_919 = tpu.vector_load %arg9[%parallel_loop3A_916, %parallel_loop3A_917, %parallel_loop3A_918] {strides = array<i32>} : memref<5x64x128xf32, #tpu.memory_space<vmem>>, vector<1x1x16xf32>,
        %parallel_loop3A_920 = vector.shape_cast %parallel_loop3A_919 : vector<1x1x16xf32> to vector<16xf32>
        %parallel_loop3A_921 = vector.shape_cast %parallel_loop3A_914 : vector<16xf32> to vector<1x1x16xf32>
        tpu.vector_store %arg9[%parallel_loop3A_916, %parallel_loop3A_917, %parallel_loop3A_918], %parallel_loop3A_921 {strides = array<i32>} : memref<5x64x128xf32, #tpu.memory_space<vmem>>, vector<1x1x16xf32>,
        %parallel_loop3A_922 = arith.constant 1 : i32
        %parallel_loop3A_923 = arith.index_cast %parallel_loop3A_922 : i32 to index
        %parallel_loop3A_924 = arith.index_cast %parallel_loop3A_893 : i32 to index
        %parallel_loop3A_925 = arith.constant 32 : index
        %parallel_loop3A_926 = tpu.vector_load %arg8[%parallel_loop3A_923, %parallel_loop3A_924, %parallel_loop3A_925] {strides = array<i32>} : memref<5x64x128xf32, #tpu.memory_space<vmem>>, vector<1x1x16xf32>,
        %parallel_loop3A_927 = vector.shape_cast %parallel_loop3A_926 : vector<1x1x16xf32> to vector<16xf32>
        %parallel_loop3A_928 = arith.addf %parallel_loop3A_927, %get3A_437 : vector<16xf32>
        %parallel_loop3A_929 = arith.constant 1 : i32
        %parallel_loop3A_930 = arith.index_cast %parallel_loop3A_929 : i32 to index
        %parallel_loop3A_931 = arith.index_cast %parallel_loop3A_893 : i32 to index
        %parallel_loop3A_932 = arith.constant 32 : index
        %parallel_loop3A_933 = tpu.vector_load %arg9[%parallel_loop3A_930, %parallel_loop3A_931, %parallel_loop3A_932] {strides = array<i32>} : memref<5x64x128xf32, #tpu.memory_space<vmem>>, vector<1x1x16xf32>,
        %parallel_loop3A_934 = vector.shape_cast %parallel_loop3A_933 : vector<1x1x16xf32> to vector<16xf32>
        %parallel_loop3A_935 = vector.shape_cast %parallel_loop3A_928 : vector<16xf32> to vector<1x1x16xf32>
        tpu.vector_store %arg9[%parallel_loop3A_930, %parallel_loop3A_931, %parallel_loop3A_932], %parallel_loop3A_935 {strides = array<i32>} : memref<5x64x128xf32, #tpu.memory_space<vmem>>, vector<1x1x16xf32>,
        %parallel_loop3A_936 = arith.constant 1 : i32
        %parallel_loop3A_937 = arith.index_cast %parallel_loop3A_936 : i32 to index
        %parallel_loop3A_938 = arith.index_cast %parallel_loop3A_893 : i32 to index
        %parallel_loop3A_939 = arith.constant 48 : index
        %parallel_loop3A_940 = tpu.vector_load %arg8[%parallel_loop3A_937, %parallel_loop3A_938, %parallel_loop3A_939] {strides = array<i32>} : memref<5x64x128xf32, #tpu.memory_space<vmem>>, vector<1x1x16xf32>,
        %parallel_loop3A_941 = vector.shape_cast %parallel_loop3A_940 : vector<1x1x16xf32> to vector<16xf32>
        %parallel_loop3A_942 = arith.addf %parallel_loop3A_941, %get3A_442 : vector<16xf32>
        %parallel_loop3A_943 = arith.constant 1 : i32
        %parallel_loop3A_944 = arith.index_cast %parallel_loop3A_943 : i32 to index
        %parallel_loop3A_945 = arith.index_cast %parallel_loop3A_893 : i32 to index
        %parallel_loop3A_946 = arith.constant 48 : index
        %parallel_loop3A_947 = tpu.vector_load %arg9[%parallel_loop3A_944, %parallel_loop3A_945, %parallel_loop3A_946] {strides = array<i32>} : memref<5x64x128xf32, #tpu.memory_space<vmem>>, vector<1x1x16xf32>,
        %parallel_loop3A_948 = vector.shape_cast %parallel_loop3A_947 : vector<1x1x16xf32> to vector<16xf32>
        %parallel_loop3A_949 = vector.shape_cast %parallel_loop3A_942 : vector<16xf32> to vector<1x1x16xf32>
        tpu.vector_store %arg9[%parallel_loop3A_944, %parallel_loop3A_945, %parallel_loop3A_946], %parallel_loop3A_949 {strides = array<i32>} : memref<5x64x128xf32, #tpu.memory_space<vmem>>, vector<1x1x16xf32>,
        %parallel_loop3A_950 = arith.constant 1 : i32
        %parallel_loop3A_951 = arith.index_cast %parallel_loop3A_950 : i32 to index
        %parallel_loop3A_952 = arith.index_cast %parallel_loop3A_893 : i32 to index
        %parallel_loop3A_953 = arith.constant 64 : index
        %parallel_loop3A_954 = tpu.vector_load %arg8[%parallel_loop3A_951, %parallel_loop3A_952, %parallel_loop3A_953] {strides = array<i32>} : memref<5x64x128xf32, #tpu.memory_space<vmem>>, vector<1x1x16xf32>,
        %parallel_loop3A_955 = vector.shape_cast %parallel_loop3A_954 : vector<1x1x16xf32> to vector<16xf32>
        %parallel_loop3A_956 = arith.addf %parallel_loop3A_955, %get3A_447 : vector<16xf32>
        %parallel_loop3A_957 = arith.constant 1 : i32
        %parallel_loop3A_958 = arith.index_cast %parallel_loop3A_957 : i32 to index
        %parallel_loop3A_959 = arith.index_cast %parallel_loop3A_893 : i32 to index
        %parallel_loop3A_960 = arith.constant 64 : index
        %parallel_loop3A_961 = tpu.vector_load %arg9[%parallel_loop3A_958, %parallel_loop3A_959, %parallel_loop3A_960] {strides = array<i32>} : memref<5x64x128xf32, #tpu.memory_space<vmem>>, vector<1x1x16xf32>,
        %parallel_loop3A_962 = vector.shape_cast %parallel_loop3A_961 : vector<1x1x16xf32> to vector<16xf32>
        %parallel_loop3A_963 = vector.shape_cast %parallel_loop3A_956 : vector<16xf32> to vector<1x1x16xf32>
        tpu.vector_store %arg9[%parallel_loop3A_958, %parallel_loop3A_959, %parallel_loop3A_960], %parallel_loop3A_963 {strides = array<i32>} : memref<5x64x128xf32, #tpu.memory_space<vmem>>, vector<1x1x16xf32>,
        %parallel_loop3A_964 = arith.constant 1 : i32
        %parallel_loop3A_965 = arith.index_cast %parallel_loop3A_964 : i32 to index
        %parallel_loop3A_966 = arith.index_cast %parallel_loop3A_893 : i32 to index
        %parallel_loop3A_967 = arith.constant 80 : index
        %parallel_loop3A_968 = tpu.vector_load %arg8[%parallel_loop3A_965, %parallel_loop3A_966, %parallel_loop3A_967] {strides = array<i32>} : memref<5x64x128xf32, #tpu.memory_space<vmem>>, vector<1x1x16xf32>,
        %parallel_loop3A_969 = vector.shape_cast %parallel_loop3A_968 : vector<1x1x16xf32> to vector<16xf32>
        %parallel_loop3A_970 = arith.addf %parallel_loop3A_969, %get3A_452 : vector<16xf32>
        %parallel_loop3A_971 = arith.constant 1 : i32
        %parallel_loop3A_972 = arith.index_cast %parallel_loop3A_971 : i32 to index
        %parallel_loop3A_973 = arith.index_cast %parallel_loop3A_893 : i32 to index
        %parallel_loop3A_974 = arith.constant 80 : index
        %parallel_loop3A_975 = tpu.vector_load %arg9[%parallel_loop3A_972, %parallel_loop3A_973, %parallel_loop3A_974] {strides = array<i32>} : memref<5x64x128xf32, #tpu.memory_space<vmem>>, vector<1x1x16xf32>,
        %parallel_loop3A_976 = vector.shape_cast %parallel_loop3A_975 : vector<1x1x16xf32> to vector<16xf32>
        %parallel_loop3A_977 = vector.shape_cast %parallel_loop3A_970 : vector<16xf32> to vector<1x1x16xf32>
        tpu.vector_store %arg9[%parallel_loop3A_972, %parallel_loop3A_973, %parallel_loop3A_974], %parallel_loop3A_977 {strides = array<i32>} : memref<5x64x128xf32, #tpu.memory_space<vmem>>, vector<1x1x16xf32>,
        %parallel_loop3A_978 = arith.constant 1 : i32
        %parallel_loop3A_979 = arith.index_cast %parallel_loop3A_978 : i32 to index
        %parallel_loop3A_980 = arith.index_cast %parallel_loop3A_893 : i32 to index
        %parallel_loop3A_981 = arith.constant 96 : index
        %parallel_loop3A_982 = tpu.vector_load %arg8[%parallel_loop3A_979, %parallel_loop3A_980, %parallel_loop3A_981] {strides = array<i32>} : memref<5x64x128xf32, #tpu.memory_space<vmem>>, vector<1x1x16xf32>,
        %parallel_loop3A_983 = vector.shape_cast %parallel_loop3A_982 : vector<1x1x16xf32> to vector<16xf32>
        %parallel_loop3A_984 = arith.addf %parallel_loop3A_983, %get3A_457 : vector<16xf32>
        %parallel_loop3A_985 = arith.constant 1 : i32
        %parallel_loop3A_986 = arith.index_cast %parallel_loop3A_985 : i32 to index
        %parallel_loop3A_987 = arith.index_cast %parallel_loop3A_893 : i32 to index
        %parallel_loop3A_988 = arith.constant 96 : index
        %parallel_loop3A_989 = tpu.vector_load %arg9[%parallel_loop3A_986, %parallel_loop3A_987, %parallel_loop3A_988] {strides = array<i32>} : memref<5x64x128xf32, #tpu.memory_space<vmem>>, vector<1x1x16xf32>,
        %parallel_loop3A_990 = vector.shape_cast %parallel_loop3A_989 : vector<1x1x16xf32> to vector<16xf32>
        %parallel_loop3A_991 = vector.shape_cast %parallel_loop3A_984 : vector<16xf32> to vector<1x1x16xf32>
        tpu.vector_store %arg9[%parallel_loop3A_986, %parallel_loop3A_987, %parallel_loop3A_988], %parallel_loop3A_991 {strides = array<i32>} : memref<5x64x128xf32, #tpu.memory_space<vmem>>, vector<1x1x16xf32>,
        %parallel_loop3A_992 = arith.constant 1 : i32
        %parallel_loop3A_993 = arith.index_cast %parallel_loop3A_992 : i32 to index
        %parallel_loop3A_994 = arith.index_cast %parallel_loop3A_893 : i32 to index
        %parallel_loop3A_995 = arith.constant 112 : index
        %parallel_loop3A_996 = tpu.vector_load %arg8[%parallel_loop3A_993, %parallel_loop3A_994, %parallel_loop3A_995] {strides = array<i32>} : memref<5x64x128xf32, #tpu.memory_space<vmem>>, vector<1x1x16xf32>,
        %parallel_loop3A_997 = vector.shape_cast %parallel_loop3A_996 : vector<1x1x16xf32> to vector<16xf32>
        %parallel_loop3A_998 = arith.addf %parallel_loop3A_997, %get3A_462 : vector<16xf32>
        %parallel_loop3A_999 = arith.constant 1 : i32
        %parallel_loop3A_1000 = arith.index_cast %parallel_loop3A_999 : i32 to index
        %parallel_loop3A_1001 = arith.index_cast %parallel_loop3A_893 : i32 to index
        %parallel_loop3A_1002 = arith.constant 112 : index
        %parallel_loop3A_1003 = tpu.vector_load %arg9[%parallel_loop3A_1000, %parallel_loop3A_1001, %parallel_loop3A_1002] {strides = array<i32>} : memref<5x64x128xf32, #tpu.memory_space<vmem>>, vector<1x1x16xf32>,
        %parallel_loop3A_1004 = vector.shape_cast %parallel_loop3A_1003 : vector<1x1x16xf32> to vector<16xf32>
        %parallel_loop3A_1005 = vector.shape_cast %parallel_loop3A_998 : vector<16xf32> to vector<1x1x16xf32>
        tpu.vector_store %arg9[%parallel_loop3A_1000, %parallel_loop3A_1001, %parallel_loop3A_1002], %parallel_loop3A_1005 {strides = array<i32>} : memref<5x64x128xf32, #tpu.memory_space<vmem>>, vector<1x1x16xf32>,
      } {sc.loop_unroll_factor = 4 : i64, sc.parallel_access}
      %dma_start3A_466 = arith.constant 1 : i32
      %dma_start3A_467 = arith.constant 1 : i32
      %dma_start3A_468 = arith.constant 0 : i32
      %dma_start3A_469 = arith.constant 0 : i32
      %dma_start3A_470 = tpu.memref_slice %arg9[%dma_start3A_466, %dma_start3A_468, %dma_start3A_469] : memref<5x64x128xf32, #tpu.memory_space<vmem>> -> memref<1x64x128xf32, #tpu.memory_space<vmem>>
      %dma_start3A_471 = tpu.memref_squeeze %dma_start3A_470 : memref<1x64x128xf32, #tpu.memory_space<vmem>> -> memref<64x128xf32, #tpu.memory_space<vmem>>
      %dma_start3A_472 = arith.constant 0 : i32
      %dma_start3A_473 = tpu.memref_slice %arg5[%mul3A_403, %select_n3A_385, %dma_start3A_472] : memref<1024x200x128xf32, #tpu.memory_space<hbm>> -> memref<64x1x128xf32, #tpu.memory_space<hbm>>
      %dma_start3A_474 = tpu.memref_squeeze %dma_start3A_473 : memref<64x1x128xf32, #tpu.memory_space<hbm>> -> memref<64x128xf32, #tpu.memory_space<hbm>>
      %dma_start3A_475 = tpu.memref_slice %arg11[%dma_start3A_467] : memref<5x!tpu.dma_semaphore, #tpu.memory_space<semaphore_mem>> -> memref<1x!tpu.dma_semaphore, #tpu.memory_space<semaphore_mem>>
      %dma_start3A_476 = tpu.memref_squeeze %dma_start3A_475 : memref<1x!tpu.dma_semaphore, #tpu.memory_space<semaphore_mem>> -> memref<!tpu.dma_semaphore, #tpu.memory_space<semaphore_mem>>
      %dma_start3A_477 = arith.constant 0 : i32
      %dma_start3A_478 = tpu.memref_slice %arg5[%mul3A_403, %select_n3A_385, %dma_start3A_477] : memref<1024x200x128xf32, #tpu.memory_space<hbm>> -> memref<64x1x128xf32, #tpu.memory_space<hbm>>
      %dma_start3A_479 = tpu.memref_squeeze %dma_start3A_478 : memref<64x1x128xf32, #tpu.memory_space<hbm>> -> memref<64x128xf32, #tpu.memory_space<hbm>>
      %dma_start3A_480 = arith.constant 0 : i32
      %dma_start3A_481 = arith.constant 0 : i32
      %dma_start3A_482 = tpu.memref_slice %arg9[%dma_start3A_466, %dma_start3A_480, %dma_start3A_481] : memref<5x64x128xf32, #tpu.memory_space<vmem>> -> memref<1x64x128xf32, #tpu.memory_space<vmem>>
      %dma_start3A_483 = tpu.memref_squeeze %dma_start3A_482 : memref<1x64x128xf32, #tpu.memory_space<vmem>> -> memref<64x128xf32, #tpu.memory_space<vmem>>
      tpu.enqueue_dma source(%dma_start3A_483 : memref<64x128xf32, #tpu.memory_space<vmem>>) target(%dma_start3A_479 : memref<64x128xf32, #tpu.memory_space<hbm>>) target_semaphore(%dma_start3A_476 : memref<!tpu.dma_semaphore, #tpu.memory_space<semaphore_mem>>)
      %add3A_484 = arith.constant 5 : i32
      %add3A_485 = arith.addi %add3A_360, %add3A_484 : i32
      %lt3A_486 = arith.constant 100 : i32
      %lt3A_487 = arith.cmpi slt, %add3A_485, %lt3A_486 : i32
      %convert_element_type3A_488 = arith.extui %lt3A_487 : i1 to i32
      %cond3A_489 = arith.constant 0 : i32
      %cond3A_490 = arith.cmpi ne, %convert_element_type3A_488, %cond3A_489 : i32
      scf.if %cond3A_490 {
        %add3A_893 = arith.constant 5 : i32
        %add3A_894 = arith.addi %add3A_360, %add3A_893 : i32
        %dma_start3A_895 = arith.constant 1 : i32
        %dma_start3A_896 = arith.constant 1 : i32
        %dma_start3A_897 = arith.constant 0 : i32
        %dma_start3A_898 = arith.constant 0 : i32
        %dma_start3A_899 = tpu.memref_slice %arg8[%dma_start3A_895, %dma_start3A_897, %dma_start3A_898] : memref<5x64x128xf32, #tpu.memory_space<vmem>> -> memref<1x64x128xf32, #tpu.memory_space<vmem>>
        %dma_start3A_900 = tpu.memref_squeeze %dma_start3A_899 : memref<1x64x128xf32, #tpu.memory_space<vmem>> -> memref<64x128xf32, #tpu.memory_space<vmem>>
        %dma_start3A_901 = arith.constant 0 : i32
        %dma_start3A_902 = tpu.memref_slice %arg7[%add3A_894, %dma_start3A_901] : memref<100x64xi32, #tpu.memory_space<vmem>> -> memref<1x64xi32, #tpu.memory_space<vmem>>
        %dma_start3A_903 = tpu.memref_squeeze %dma_start3A_902 : memref<1x64xi32, #tpu.memory_space<vmem>> -> memref<64xi32, #tpu.memory_space<vmem>>
        %dma_start3A_904 = arith.constant 0 : i32
        %dma_start3A_905 = arith.constant 0 : i32
        %dma_start3A_906 = tpu.memref_slice %arg3[%dma_start3A_904, %dma_start3A_905] : memref<100000x128xf32, #tpu.memory_space<hbm>> -> memref<100000x128xf32, #tpu.memory_space<hbm>>
        %dma_start3A_907 = tpu.memref_slice %arg10[%dma_start3A_896] : memref<5x!tpu.dma_semaphore, #tpu.memory_space<semaphore_mem>> -> memref<1x!tpu.dma_semaphore, #tpu.memory_space<semaphore_mem>>
        %dma_start3A_908 = tpu.memref_squeeze %dma_start3A_907 : memref<1x!tpu.dma_semaphore, #tpu.memory_space<semaphore_mem>> -> memref<!tpu.dma_semaphore, #tpu.memory_space<semaphore_mem>>
        tpu.enqueue_indirect_dma source(%dma_start3A_906 : memref<100000x128xf32, #tpu.memory_space<hbm>>) target(%dma_start3A_900 : memref<64x128xf32, #tpu.memory_space<vmem>>) offsets(%dma_start3A_903 : memref<64xi32, #tpu.memory_space<vmem>>) semaphore(%dma_start3A_908 : memref<!tpu.dma_semaphore, #tpu.memory_space<semaphore_mem>>)
      } else {
      }
      %mul3A_491 = arith.constant 5 : i32
      %mul3A_492 = arith.muli %mul3A_491, %scan3A_229 : i32
      %add3A_493 = arith.constant 2 : i32
      %add3A_494 = arith.addi %mul3A_492, %add3A_493 : i32
      %add3A_495 = arith.addi %mul3A_2, %add3A_494 : i32
      %jit3A_496 = arith.constant 16 : i32
      %div3A_497 = arith.divsi %add3A_495, %jit3A_496 : i32
      %sign3A_498 = arith.constant 0 : i32
      %sign3A_499 = arith.cmpi sgt, %add3A_495, %sign3A_498 : i32
      %sign3A_500 = arith.extui %sign3A_499 : i1 to i32
      %sign3A_501 = arith.constant 0 : i32
      %sign3A_502 = arith.cmpi slt, %add3A_495, %sign3A_501 : i32
      %sign3A_503 = arith.extui %sign3A_502 : i1 to i32
      %sign3A_504 = arith.subi %sign3A_500, %sign3A_503 : i32
      %sign3A_505 = arith.constant 0 : i32
      %sign3A_506 = arith.cmpi sgt, %jit3A_496, %sign3A_505 : i32
      %sign3A_507 = arith.extui %sign3A_506 : i1 to i32
      %sign3A_508 = arith.constant 0 : i32
      %sign3A_509 = arith.cmpi slt, %jit3A_496, %sign3A_508 : i32
      %sign3A_510 = arith.extui %sign3A_509 : i1 to i32
      %sign3A_511 = arith.subi %sign3A_507, %sign3A_510 : i32
      %ne3A_512 = arith.cmpi ne, %sign3A_504, %sign3A_511 : i32
      %rem3A_513 = arith.remsi %add3A_495, %jit3A_496 : i32
      %ne3A_514 = arith.constant 0 : i32
      %ne3A_515 = arith.cmpi ne, %rem3A_513, %ne3A_514 : i32
      %and3A_516 = arith.andi %ne3A_512, %ne3A_515 : i1
      %sub3A_517 = arith.constant 1 : i32
      %sub3A_518 = arith.subi %div3A_497, %sub3A_517 : i32
      %select_n3A_519 = arith.select %and3A_516, %sub3A_518, %div3A_497 : i32
      %jit3A_520 = arith.constant 16 : i32
      %eq3A_521 = arith.constant 0 : i32
      %eq3A_522 = arith.cmpi eq, %jit3A_520, %eq3A_521 : i32
      %jit3A_523 = arith.constant 1 : i32
      %select_n3A_524 = arith.select %eq3A_522, %jit3A_523, %jit3A_520 : i32
      %rem3A_525 = arith.remsi %add3A_495, %select_n3A_524 : i32
      %ne3A_526 = arith.constant 0 : i32
      %ne3A_527 = arith.cmpi ne, %rem3A_525, %ne3A_526 : i32
      %lt3A_528 = arith.constant 0 : i32
      %lt3A_529 = arith.cmpi slt, %rem3A_525, %lt3A_528 : i32
      %lt3A_530 = arith.constant 0 : i32
      %lt3A_531 = arith.cmpi slt, %select_n3A_524, %lt3A_530 : i32
      %ne3A_532 = arith.xori %lt3A_529, %lt3A_531 : i1
      %and3A_533 = arith.andi %ne3A_532, %ne3A_527 : i1
      %add3A_534 = arith.addi %rem3A_525, %select_n3A_524 : i32
      %select_n3A_535 = arith.select %and3A_533, %add3A_534, %rem3A_525 : i32
      %mul3A_536 = arith.constant 64 : i32
      %mul3A_537 = arith.muli %select_n3A_535, %mul3A_536 : i32
      %dma_wait3A_538 = arith.constant 2 : i32
      %dma_wait3A_539 = arith.constant 2 : i32
      %dma_wait3A_540 = arith.constant 0 : i32
      %dma_wait3A_541 = arith.constant 0 : i32
      %dma_wait3A_542 = tpu.memref_slice %arg8[%dma_wait3A_538, %dma_wait3A_540, %dma_wait3A_541] : memref<5x64x128xf32, #tpu.memory_space<vmem>> -> memref<1x64x128xf32, #tpu.memory_space<vmem>>
      %dma_wait3A_543 = tpu.memref_squeeze %dma_wait3A_542 : memref<1x64x128xf32, #tpu.memory_space<vmem>> -> memref<64x128xf32, #tpu.memory_space<vmem>>
      %dma_wait3A_544 = arith.constant 0 : i32
      %dma_wait3A_545 = tpu.memref_slice %arg7[%add3A_494, %dma_wait3A_544] : memref<100x64xi32, #tpu.memory_space<vmem>> -> memref<1x64xi32, #tpu.memory_space<vmem>>
      %dma_wait3A_546 = tpu.memref_squeeze %dma_wait3A_545 : memref<1x64xi32, #tpu.memory_space<vmem>> -> memref<64xi32, #tpu.memory_space<vmem>>
      %dma_wait3A_547 = arith.constant 0 : i32
      %dma_wait3A_548 = arith.constant 0 : i32
      %dma_wait3A_549 = tpu.memref_slice %arg3[%dma_wait3A_547, %dma_wait3A_548] : memref<100000x128xf32, #tpu.memory_space<hbm>> -> memref<100000x128xf32, #tpu.memory_space<hbm>>
      %dma_wait3A_550 = tpu.memref_slice %arg10[%dma_wait3A_539] : memref<5x!tpu.dma_semaphore, #tpu.memory_space<semaphore_mem>> -> memref<1x!tpu.dma_semaphore, #tpu.memory_space<semaphore_mem>>
      %dma_wait3A_551 = tpu.memref_squeeze %dma_wait3A_550 : memref<1x!tpu.dma_semaphore, #tpu.memory_space<semaphore_mem>> -> memref<!tpu.dma_semaphore, #tpu.memory_space<semaphore_mem>>
      tpu.wait_indirect_dma semaphore(%dma_wait3A_551 : memref<!tpu.dma_semaphore, #tpu.memory_space<semaphore_mem>>) src(%dma_wait3A_549 : memref<100000x128xf32, #tpu.memory_space<hbm>>) dst(%dma_wait3A_543 : memref<64x128xf32, #tpu.memory_space<vmem>>)
      %ge3A_552 = arith.constant 1 : i32
      %ge3A_553 = arith.cmpi sge, %scan3A_229, %ge3A_552 : i32
      %convert_element_type3A_554 = arith.extui %ge3A_553 : i1 to i32
      %cond3A_555 = arith.constant 0 : i32
      %cond3A_556 = arith.cmpi ne, %convert_element_type3A_554, %cond3A_555 : i32
      scf.if %cond3A_556 {
        %dma_wait3A_893 = arith.constant 2 : i32
        %dma_wait3A_894 = arith.constant 0 : i32
        %dma_wait3A_895 = arith.constant 2 : i32
        %dma_wait3A_896 = arith.constant 0 : i32
        %dma_wait3A_897 = arith.constant 0 : i32
        %dma_wait3A_898 = tpu.memref_slice %arg9[%dma_wait3A_893, %dma_wait3A_896, %dma_wait3A_897] : memref<5x64x128xf32, #tpu.memory_space<vmem>> -> memref<1x64x128xf32, #tpu.memory_space<vmem>>
        %dma_wait3A_899 = tpu.memref_squeeze %dma_wait3A_898 : memref<1x64x128xf32, #tpu.memory_space<vmem>> -> memref<64x128xf32, #tpu.memory_space<vmem>>
        %dma_wait3A_900 = arith.constant 0 : i32
        %dma_wait3A_901 = arith.constant 0 : i32
        %dma_wait3A_902 = tpu.memref_slice %arg5[%dma_wait3A_900, %dma_wait3A_894, %dma_wait3A_901] : memref<1024x200x128xf32, #tpu.memory_space<hbm>> -> memref<64x1x128xf32, #tpu.memory_space<hbm>>
        %dma_wait3A_903 = tpu.memref_squeeze %dma_wait3A_902 : memref<64x1x128xf32, #tpu.memory_space<hbm>> -> memref<64x128xf32, #tpu.memory_space<hbm>>
        %dma_wait3A_904 = tpu.memref_slice %arg11[%dma_wait3A_895] : memref<5x!tpu.dma_semaphore, #tpu.memory_space<semaphore_mem>> -> memref<1x!tpu.dma_semaphore, #tpu.memory_space<semaphore_mem>>
        %dma_wait3A_905 = tpu.memref_squeeze %dma_wait3A_904 : memref<1x!tpu.dma_semaphore, #tpu.memory_space<semaphore_mem>> -> memref<!tpu.dma_semaphore, #tpu.memory_space<semaphore_mem>>
        %dma_wait3A_906 = arith.constant 0 : i32
        %dma_wait3A_907 = arith.constant 0 : i32
        %dma_wait3A_908 = tpu.memref_slice %arg5[%dma_wait3A_906, %dma_wait3A_894, %dma_wait3A_907] : memref<1024x200x128xf32, #tpu.memory_space<hbm>> -> memref<64x1x128xf32, #tpu.memory_space<hbm>>
        %dma_wait3A_909 = tpu.memref_squeeze %dma_wait3A_908 : memref<64x1x128xf32, #tpu.memory_space<hbm>> -> memref<64x128xf32, #tpu.memory_space<hbm>>
        %dma_wait3A_910 = arith.constant 0 : i32
        %dma_wait3A_911 = arith.constant 0 : i32
        %dma_wait3A_912 = tpu.memref_slice %arg9[%dma_wait3A_893, %dma_wait3A_910, %dma_wait3A_911] : memref<5x64x128xf32, #tpu.memory_space<vmem>> -> memref<1x64x128xf32, #tpu.memory_space<vmem>>
        %dma_wait3A_913 = tpu.memref_squeeze %dma_wait3A_912 : memref<1x64x128xf32, #tpu.memory_space<vmem>> -> memref<64x128xf32, #tpu.memory_space<vmem>>
        tpu.wait_dma2 semaphore(%dma_wait3A_905 : memref<!tpu.dma_semaphore, #tpu.memory_space<semaphore_mem>>) src(%dma_wait3A_913 : memref<64x128xf32, #tpu.memory_space<vmem>>) dst(%dma_wait3A_909 : memref<64x128xf32, #tpu.memory_space<hbm>>)
      } else {
      }
      %sub3A_557 = arith.subi %select_n3A_519, %multiple_of3A : i32
      %get3A_558 = arith.index_cast %sub3A_557 : i32 to index
      %get3A_559 = arith.constant 0 : index
      %get3A_560 = tpu.vector_load %arg6[%get3A_558, %get3A_559] {strides = array<i32>} : memref<16x128xf32, #tpu.memory_space<vmem>>, vector<1x16xf32>,
      %get3A_561 = vector.shape_cast %get3A_560 : vector<1x16xf32> to vector<16xf32>
      %sub3A_562 = arith.subi %select_n3A_519, %multiple_of3A : i32
      %get3A_563 = arith.index_cast %sub3A_562 : i32 to index
      %get3A_564 = arith.constant 16 : index
      %get3A_565 = tpu.vector_load %arg6[%get3A_563, %get3A_564] {strides = array<i32>} : memref<16x128xf32, #tpu.memory_space<vmem>>, vector<1x16xf32>,
      %get3A_566 = vector.shape_cast %get3A_565 : vector<1x16xf32> to vector<16xf32>
      %sub3A_567 = arith.subi %select_n3A_519, %multiple_of3A : i32
      %get3A_568 = arith.index_cast %sub3A_567 : i32 to index
      %get3A_569 = arith.constant 32 : index
      %get3A_570 = tpu.vector_load %arg6[%get3A_568, %get3A_569] {strides = array<i32>} : memref<16x128xf32, #tpu.memory_space<vmem>>, vector<1x16xf32>,
      %get3A_571 = vector.shape_cast %get3A_570 : vector<1x16xf32> to vector<16xf32>
      %sub3A_572 = arith.subi %select_n3A_519, %multiple_of3A : i32
      %get3A_573 = arith.index_cast %sub3A_572 : i32 to index
      %get3A_574 = arith.constant 48 : index
      %get3A_575 = tpu.vector_load %arg6[%get3A_573, %get3A_574] {strides = array<i32>} : memref<16x128xf32, #tpu.memory_space<vmem>>, vector<1x16xf32>,
      %get3A_576 = vector.shape_cast %get3A_575 : vector<1x16xf32> to vector<16xf32>
      %sub3A_577 = arith.subi %select_n3A_519, %multiple_of3A : i32
      %get3A_578 = arith.index_cast %sub3A_577 : i32 to index
      %get3A_579 = arith.constant 64 : index
      %get3A_580 = tpu.vector_load %arg6[%get3A_578, %get3A_579] {strides = array<i32>} : memref<16x128xf32, #tpu.memory_space<vmem>>, vector<1x16xf32>,
      %get3A_581 = vector.shape_cast %get3A_580 : vector<1x16xf32> to vector<16xf32>
      %sub3A_582 = arith.subi %select_n3A_519, %multiple_of3A : i32
      %get3A_583 = arith.index_cast %sub3A_582 : i32 to index
      %get3A_584 = arith.constant 80 : index
      %get3A_585 = tpu.vector_load %arg6[%get3A_583, %get3A_584] {strides = array<i32>} : memref<16x128xf32, #tpu.memory_space<vmem>>, vector<1x16xf32>,
      %get3A_586 = vector.shape_cast %get3A_585 : vector<1x16xf32> to vector<16xf32>
      %sub3A_587 = arith.subi %select_n3A_519, %multiple_of3A : i32
      %get3A_588 = arith.index_cast %sub3A_587 : i32 to index
      %get3A_589 = arith.constant 96 : index
      %get3A_590 = tpu.vector_load %arg6[%get3A_588, %get3A_589] {strides = array<i32>} : memref<16x128xf32, #tpu.memory_space<vmem>>, vector<1x16xf32>,
      %get3A_591 = vector.shape_cast %get3A_590 : vector<1x16xf32> to vector<16xf32>
      %sub3A_592 = arith.subi %select_n3A_519, %multiple_of3A : i32
      %get3A_593 = arith.index_cast %sub3A_592 : i32 to index
      %get3A_594 = arith.constant 112 : index
      %get3A_595 = tpu.vector_load %arg6[%get3A_593, %get3A_594] {strides = array<i32>} : memref<16x128xf32, #tpu.memory_space<vmem>>, vector<1x16xf32>,
      %get3A_596 = vector.shape_cast %get3A_595 : vector<1x16xf32> to vector<16xf32>
      %parallel_loop3A_597 = arith.constant 0 : i32
      %parallel_loop3A_598 = arith.constant 64 : i32
      %parallel_loop3A_599 = arith.constant 1 : i32
      scf.for %parallel_loop3A_893 = %parallel_loop3A_597 to %parallel_loop3A_598 step %parallel_loop3A_599  : i32 {
        %parallel_loop3A_894 = arith.constant 2 : i32
        %parallel_loop3A_895 = arith.index_cast %parallel_loop3A_894 : i32 to index
        %parallel_loop3A_896 = arith.index_cast %parallel_loop3A_893 : i32 to index
        %parallel_loop3A_897 = arith.constant 0 : index
        %parallel_loop3A_898 = tpu.vector_load %arg8[%parallel_loop3A_895, %parallel_loop3A_896, %parallel_loop3A_897] {strides = array<i32>} : memref<5x64x128xf32, #tpu.memory_space<vmem>>, vector<1x1x16xf32>,
        %parallel_loop3A_899 = vector.shape_cast %parallel_loop3A_898 : vector<1x1x16xf32> to vector<16xf32>
        %parallel_loop3A_900 = arith.addf %parallel_loop3A_899, %get3A_561 : vector<16xf32>
        %parallel_loop3A_901 = arith.constant 2 : i32
        %parallel_loop3A_902 = arith.index_cast %parallel_loop3A_901 : i32 to index
        %parallel_loop3A_903 = arith.index_cast %parallel_loop3A_893 : i32 to index
        %parallel_loop3A_904 = arith.constant 0 : index
        %parallel_loop3A_905 = tpu.vector_load %arg9[%parallel_loop3A_902, %parallel_loop3A_903, %parallel_loop3A_904] {strides = array<i32>} : memref<5x64x128xf32, #tpu.memory_space<vmem>>, vector<1x1x16xf32>,
        %parallel_loop3A_906 = vector.shape_cast %parallel_loop3A_905 : vector<1x1x16xf32> to vector<16xf32>
        %parallel_loop3A_907 = vector.shape_cast %parallel_loop3A_900 : vector<16xf32> to vector<1x1x16xf32>
        tpu.vector_store %arg9[%parallel_loop3A_902, %parallel_loop3A_903, %parallel_loop3A_904], %parallel_loop3A_907 {strides = array<i32>} : memref<5x64x128xf32, #tpu.memory_space<vmem>>, vector<1x1x16xf32>,
        %parallel_loop3A_908 = arith.constant 2 : i32
        %parallel_loop3A_909 = arith.index_cast %parallel_loop3A_908 : i32 to index
        %parallel_loop3A_910 = arith.index_cast %parallel_loop3A_893 : i32 to index
        %parallel_loop3A_911 = arith.constant 16 : index
        %parallel_loop3A_912 = tpu.vector_load %arg8[%parallel_loop3A_909, %parallel_loop3A_910, %parallel_loop3A_911] {strides = array<i32>} : memref<5x64x128xf32, #tpu.memory_space<vmem>>, vector<1x1x16xf32>,
        %parallel_loop3A_913 = vector.shape_cast %parallel_loop3A_912 : vector<1x1x16xf32> to vector<16xf32>
        %parallel_loop3A_914 = arith.addf %parallel_loop3A_913, %get3A_566 : vector<16xf32>
        %parallel_loop3A_915 = arith.constant 2 : i32
        %parallel_loop3A_916 = arith.index_cast %parallel_loop3A_915 : i32 to index
        %parallel_loop3A_917 = arith.index_cast %parallel_loop3A_893 : i32 to index
        %parallel_loop3A_918 = arith.constant 16 : index
        %parallel_loop3A_919 = tpu.vector_load %arg9[%parallel_loop3A_916, %parallel_loop3A_917, %parallel_loop3A_918] {strides = array<i32>} : memref<5x64x128xf32, #tpu.memory_space<vmem>>, vector<1x1x16xf32>,
        %parallel_loop3A_920 = vector.shape_cast %parallel_loop3A_919 : vector<1x1x16xf32> to vector<16xf32>
        %parallel_loop3A_921 = vector.shape_cast %parallel_loop3A_914 : vector<16xf32> to vector<1x1x16xf32>
        tpu.vector_store %arg9[%parallel_loop3A_916, %parallel_loop3A_917, %parallel_loop3A_918], %parallel_loop3A_921 {strides = array<i32>} : memref<5x64x128xf32, #tpu.memory_space<vmem>>, vector<1x1x16xf32>,
        %parallel_loop3A_922 = arith.constant 2 : i32
        %parallel_loop3A_923 = arith.index_cast %parallel_loop3A_922 : i32 to index
        %parallel_loop3A_924 = arith.index_cast %parallel_loop3A_893 : i32 to index
        %parallel_loop3A_925 = arith.constant 32 : index
        %parallel_loop3A_926 = tpu.vector_load %arg8[%parallel_loop3A_923, %parallel_loop3A_924, %parallel_loop3A_925] {strides = array<i32>} : memref<5x64x128xf32, #tpu.memory_space<vmem>>, vector<1x1x16xf32>,
        %parallel_loop3A_927 = vector.shape_cast %parallel_loop3A_926 : vector<1x1x16xf32> to vector<16xf32>
        %parallel_loop3A_928 = arith.addf %parallel_loop3A_927, %get3A_571 : vector<16xf32>
        %parallel_loop3A_929 = arith.constant 2 : i32
        %parallel_loop3A_930 = arith.index_cast %parallel_loop3A_929 : i32 to index
        %parallel_loop3A_931 = arith.index_cast %parallel_loop3A_893 : i32 to index
        %parallel_loop3A_932 = arith.constant 32 : index
        %parallel_loop3A_933 = tpu.vector_load %arg9[%parallel_loop3A_930, %parallel_loop3A_931, %parallel_loop3A_932] {strides = array<i32>} : memref<5x64x128xf32, #tpu.memory_space<vmem>>, vector<1x1x16xf32>,
        %parallel_loop3A_934 = vector.shape_cast %parallel_loop3A_933 : vector<1x1x16xf32> to vector<16xf32>
        %parallel_loop3A_935 = vector.shape_cast %parallel_loop3A_928 : vector<16xf32> to vector<1x1x16xf32>
        tpu.vector_store %arg9[%parallel_loop3A_930, %parallel_loop3A_931, %parallel_loop3A_932], %parallel_loop3A_935 {strides = array<i32>} : memref<5x64x128xf32, #tpu.memory_space<vmem>>, vector<1x1x16xf32>,
        %parallel_loop3A_936 = arith.constant 2 : i32
        %parallel_loop3A_937 = arith.index_cast %parallel_loop3A_936 : i32 to index
        %parallel_loop3A_938 = arith.index_cast %parallel_loop3A_893 : i32 to index
        %parallel_loop3A_939 = arith.constant 48 : index
        %parallel_loop3A_940 = tpu.vector_load %arg8[%parallel_loop3A_937, %parallel_loop3A_938, %parallel_loop3A_939] {strides = array<i32>} : memref<5x64x128xf32, #tpu.memory_space<vmem>>, vector<1x1x16xf32>,
        %parallel_loop3A_941 = vector.shape_cast %parallel_loop3A_940 : vector<1x1x16xf32> to vector<16xf32>
        %parallel_loop3A_942 = arith.addf %parallel_loop3A_941, %get3A_576 : vector<16xf32>
        %parallel_loop3A_943 = arith.constant 2 : i32
        %parallel_loop3A_944 = arith.index_cast %parallel_loop3A_943 : i32 to index
        %parallel_loop3A_945 = arith.index_cast %parallel_loop3A_893 : i32 to index
        %parallel_loop3A_946 = arith.constant 48 : index
        %parallel_loop3A_947 = tpu.vector_load %arg9[%parallel_loop3A_944, %parallel_loop3A_945, %parallel_loop3A_946] {strides = array<i32>} : memref<5x64x128xf32, #tpu.memory_space<vmem>>, vector<1x1x16xf32>,
        %parallel_loop3A_948 = vector.shape_cast %parallel_loop3A_947 : vector<1x1x16xf32> to vector<16xf32>
        %parallel_loop3A_949 = vector.shape_cast %parallel_loop3A_942 : vector<16xf32> to vector<1x1x16xf32>
        tpu.vector_store %arg9[%parallel_loop3A_944, %parallel_loop3A_945, %parallel_loop3A_946], %parallel_loop3A_949 {strides = array<i32>} : memref<5x64x128xf32, #tpu.memory_space<vmem>>, vector<1x1x16xf32>,
        %parallel_loop3A_950 = arith.constant 2 : i32
        %parallel_loop3A_951 = arith.index_cast %parallel_loop3A_950 : i32 to index
        %parallel_loop3A_952 = arith.index_cast %parallel_loop3A_893 : i32 to index
        %parallel_loop3A_953 = arith.constant 64 : index
        %parallel_loop3A_954 = tpu.vector_load %arg8[%parallel_loop3A_951, %parallel_loop3A_952, %parallel_loop3A_953] {strides = array<i32>} : memref<5x64x128xf32, #tpu.memory_space<vmem>>, vector<1x1x16xf32>,
        %parallel_loop3A_955 = vector.shape_cast %parallel_loop3A_954 : vector<1x1x16xf32> to vector<16xf32>
        %parallel_loop3A_956 = arith.addf %parallel_loop3A_955, %get3A_581 : vector<16xf32>
        %parallel_loop3A_957 = arith.constant 2 : i32
        %parallel_loop3A_958 = arith.index_cast %parallel_loop3A_957 : i32 to index
        %parallel_loop3A_959 = arith.index_cast %parallel_loop3A_893 : i32 to index
        %parallel_loop3A_960 = arith.constant 64 : index
        %parallel_loop3A_961 = tpu.vector_load %arg9[%parallel_loop3A_958, %parallel_loop3A_959, %parallel_loop3A_960] {strides = array<i32>} : memref<5x64x128xf32, #tpu.memory_space<vmem>>, vector<1x1x16xf32>,
        %parallel_loop3A_962 = vector.shape_cast %parallel_loop3A_961 : vector<1x1x16xf32> to vector<16xf32>
        %parallel_loop3A_963 = vector.shape_cast %parallel_loop3A_956 : vector<16xf32> to vector<1x1x16xf32>
        tpu.vector_store %arg9[%parallel_loop3A_958, %parallel_loop3A_959, %parallel_loop3A_960], %parallel_loop3A_963 {strides = array<i32>} : memref<5x64x128xf32, #tpu.memory_space<vmem>>, vector<1x1x16xf32>,
        %parallel_loop3A_964 = arith.constant 2 : i32
        %parallel_loop3A_965 = arith.index_cast %parallel_loop3A_964 : i32 to index
        %parallel_loop3A_966 = arith.index_cast %parallel_loop3A_893 : i32 to index
        %parallel_loop3A_967 = arith.constant 80 : index
        %parallel_loop3A_968 = tpu.vector_load %arg8[%parallel_loop3A_965, %parallel_loop3A_966, %parallel_loop3A_967] {strides = array<i32>} : memref<5x64x128xf32, #tpu.memory_space<vmem>>, vector<1x1x16xf32>,
        %parallel_loop3A_969 = vector.shape_cast %parallel_loop3A_968 : vector<1x1x16xf32> to vector<16xf32>
        %parallel_loop3A_970 = arith.addf %parallel_loop3A_969, %get3A_586 : vector<16xf32>
        %parallel_loop3A_971 = arith.constant 2 : i32
        %parallel_loop3A_972 = arith.index_cast %parallel_loop3A_971 : i32 to index
        %parallel_loop3A_973 = arith.index_cast %parallel_loop3A_893 : i32 to index
        %parallel_loop3A_974 = arith.constant 80 : index
        %parallel_loop3A_975 = tpu.vector_load %arg9[%parallel_loop3A_972, %parallel_loop3A_973, %parallel_loop3A_974] {strides = array<i32>} : memref<5x64x128xf32, #tpu.memory_space<vmem>>, vector<1x1x16xf32>,
        %parallel_loop3A_976 = vector.shape_cast %parallel_loop3A_975 : vector<1x1x16xf32> to vector<16xf32>
        %parallel_loop3A_977 = vector.shape_cast %parallel_loop3A_970 : vector<16xf32> to vector<1x1x16xf32>
        tpu.vector_store %arg9[%parallel_loop3A_972, %parallel_loop3A_973, %parallel_loop3A_974], %parallel_loop3A_977 {strides = array<i32>} : memref<5x64x128xf32, #tpu.memory_space<vmem>>, vector<1x1x16xf32>,
        %parallel_loop3A_978 = arith.constant 2 : i32
        %parallel_loop3A_979 = arith.index_cast %parallel_loop3A_978 : i32 to index
        %parallel_loop3A_980 = arith.index_cast %parallel_loop3A_893 : i32 to index
        %parallel_loop3A_981 = arith.constant 96 : index
        %parallel_loop3A_982 = tpu.vector_load %arg8[%parallel_loop3A_979, %parallel_loop3A_980, %parallel_loop3A_981] {strides = array<i32>} : memref<5x64x128xf32, #tpu.memory_space<vmem>>, vector<1x1x16xf32>,
        %parallel_loop3A_983 = vector.shape_cast %parallel_loop3A_982 : vector<1x1x16xf32> to vector<16xf32>
        %parallel_loop3A_984 = arith.addf %parallel_loop3A_983, %get3A_591 : vector<16xf32>
        %parallel_loop3A_985 = arith.constant 2 : i32
        %parallel_loop3A_986 = arith.index_cast %parallel_loop3A_985 : i32 to index
        %parallel_loop3A_987 = arith.index_cast %parallel_loop3A_893 : i32 to index
        %parallel_loop3A_988 = arith.constant 96 : index
        %parallel_loop3A_989 = tpu.vector_load %arg9[%parallel_loop3A_986, %parallel_loop3A_987, %parallel_loop3A_988] {strides = array<i32>} : memref<5x64x128xf32, #tpu.memory_space<vmem>>, vector<1x1x16xf32>,
        %parallel_loop3A_990 = vector.shape_cast %parallel_loop3A_989 : vector<1x1x16xf32> to vector<16xf32>
        %parallel_loop3A_991 = vector.shape_cast %parallel_loop3A_984 : vector<16xf32> to vector<1x1x16xf32>
        tpu.vector_store %arg9[%parallel_loop3A_986, %parallel_loop3A_987, %parallel_loop3A_988], %parallel_loop3A_991 {strides = array<i32>} : memref<5x64x128xf32, #tpu.memory_space<vmem>>, vector<1x1x16xf32>,
        %parallel_loop3A_992 = arith.constant 2 : i32
        %parallel_loop3A_993 = arith.index_cast %parallel_loop3A_992 : i32 to index
        %parallel_loop3A_994 = arith.index_cast %parallel_loop3A_893 : i32 to index
        %parallel_loop3A_995 = arith.constant 112 : index
        %parallel_loop3A_996 = tpu.vector_load %arg8[%parallel_loop3A_993, %parallel_loop3A_994, %parallel_loop3A_995] {strides = array<i32>} : memref<5x64x128xf32, #tpu.memory_space<vmem>>, vector<1x1x16xf32>,
        %parallel_loop3A_997 = vector.shape_cast %parallel_loop3A_996 : vector<1x1x16xf32> to vector<16xf32>
        %parallel_loop3A_998 = arith.addf %parallel_loop3A_997, %get3A_596 : vector<16xf32>
        %parallel_loop3A_999 = arith.constant 2 : i32
        %parallel_loop3A_1000 = arith.index_cast %parallel_loop3A_999 : i32 to index
        %parallel_loop3A_1001 = arith.index_cast %parallel_loop3A_893 : i32 to index
        %parallel_loop3A_1002 = arith.constant 112 : index
        %parallel_loop3A_1003 = tpu.vector_load %arg9[%parallel_loop3A_1000, %parallel_loop3A_1001, %parallel_loop3A_1002] {strides = array<i32>} : memref<5x64x128xf32, #tpu.memory_space<vmem>>, vector<1x1x16xf32>,
        %parallel_loop3A_1004 = vector.shape_cast %parallel_loop3A_1003 : vector<1x1x16xf32> to vector<16xf32>
        %parallel_loop3A_1005 = vector.shape_cast %parallel_loop3A_998 : vector<16xf32> to vector<1x1x16xf32>
        tpu.vector_store %arg9[%parallel_loop3A_1000, %parallel_loop3A_1001, %parallel_loop3A_1002], %parallel_loop3A_1005 {strides = array<i32>} : memref<5x64x128xf32, #tpu.memory_space<vmem>>, vector<1x1x16xf32>,
      } {sc.loop_unroll_factor = 4 : i64, sc.parallel_access}
      %dma_start3A_600 = arith.constant 2 : i32
      %dma_start3A_601 = arith.constant 2 : i32
      %dma_start3A_602 = arith.constant 0 : i32
      %dma_start3A_603 = arith.constant 0 : i32
      %dma_start3A_604 = tpu.memref_slice %arg9[%dma_start3A_600, %dma_start3A_602, %dma_start3A_603] : memref<5x64x128xf32, #tpu.memory_space<vmem>> -> memref<1x64x128xf32, #tpu.memory_space<vmem>>
      %dma_start3A_605 = tpu.memref_squeeze %dma_start3A_604 : memref<1x64x128xf32, #tpu.memory_space<vmem>> -> memref<64x128xf32, #tpu.memory_space<vmem>>
      %dma_start3A_606 = arith.constant 0 : i32
      %dma_start3A_607 = tpu.memref_slice %arg5[%mul3A_537, %select_n3A_519, %dma_start3A_606] : memref<1024x200x128xf32, #tpu.memory_space<hbm>> -> memref<64x1x128xf32, #tpu.memory_space<hbm>>
      %dma_start3A_608 = tpu.memref_squeeze %dma_start3A_607 : memref<64x1x128xf32, #tpu.memory_space<hbm>> -> memref<64x128xf32, #tpu.memory_space<hbm>>
      %dma_start3A_609 = tpu.memref_slice %arg11[%dma_start3A_601] : memref<5x!tpu.dma_semaphore, #tpu.memory_space<semaphore_mem>> -> memref<1x!tpu.dma_semaphore, #tpu.memory_space<semaphore_mem>>
      %dma_start3A_610 = tpu.memref_squeeze %dma_start3A_609 : memref<1x!tpu.dma_semaphore, #tpu.memory_space<semaphore_mem>> -> memref<!tpu.dma_semaphore, #tpu.memory_space<semaphore_mem>>
      %dma_start3A_611 = arith.constant 0 : i32
      %dma_start3A_612 = tpu.memref_slice %arg5[%mul3A_537, %select_n3A_519, %dma_start3A_611] : memref<1024x200x128xf32, #tpu.memory_space<hbm>> -> memref<64x1x128xf32, #tpu.memory_space<hbm>>
      %dma_start3A_613 = tpu.memref_squeeze %dma_start3A_612 : memref<64x1x128xf32, #tpu.memory_space<hbm>> -> memref<64x128xf32, #tpu.memory_space<hbm>>
      %dma_start3A_614 = arith.constant 0 : i32
      %dma_start3A_615 = arith.constant 0 : i32
      %dma_start3A_616 = tpu.memref_slice %arg9[%dma_start3A_600, %dma_start3A_614, %dma_start3A_615] : memref<5x64x128xf32, #tpu.memory_space<vmem>> -> memref<1x64x128xf32, #tpu.memory_space<vmem>>
      %dma_start3A_617 = tpu.memref_squeeze %dma_start3A_616 : memref<1x64x128xf32, #tpu.memory_space<vmem>> -> memref<64x128xf32, #tpu.memory_space<vmem>>
      tpu.enqueue_dma source(%dma_start3A_617 : memref<64x128xf32, #tpu.memory_space<vmem>>) target(%dma_start3A_613 : memref<64x128xf32, #tpu.memory_space<hbm>>) target_semaphore(%dma_start3A_610 : memref<!tpu.dma_semaphore, #tpu.memory_space<semaphore_mem>>)
      %add3A_618 = arith.constant 5 : i32
      %add3A_619 = arith.addi %add3A_494, %add3A_618 : i32
      %lt3A_620 = arith.constant 100 : i32
      %lt3A_621 = arith.cmpi slt, %add3A_619, %lt3A_620 : i32
      %convert_element_type3A_622 = arith.extui %lt3A_621 : i1 to i32
      %cond3A_623 = arith.constant 0 : i32
      %cond3A_624 = arith.cmpi ne, %convert_element_type3A_622, %cond3A_623 : i32
      scf.if %cond3A_624 {
        %add3A_893 = arith.constant 5 : i32
        %add3A_894 = arith.addi %add3A_494, %add3A_893 : i32
        %dma_start3A_895 = arith.constant 2 : i32
        %dma_start3A_896 = arith.constant 2 : i32
        %dma_start3A_897 = arith.constant 0 : i32
        %dma_start3A_898 = arith.constant 0 : i32
        %dma_start3A_899 = tpu.memref_slice %arg8[%dma_start3A_895, %dma_start3A_897, %dma_start3A_898] : memref<5x64x128xf32, #tpu.memory_space<vmem>> -> memref<1x64x128xf32, #tpu.memory_space<vmem>>
        %dma_start3A_900 = tpu.memref_squeeze %dma_start3A_899 : memref<1x64x128xf32, #tpu.memory_space<vmem>> -> memref<64x128xf32, #tpu.memory_space<vmem>>
        %dma_start3A_901 = arith.constant 0 : i32
        %dma_start3A_902 = tpu.memref_slice %arg7[%add3A_894, %dma_start3A_901] : memref<100x64xi32, #tpu.memory_space<vmem>> -> memref<1x64xi32, #tpu.memory_space<vmem>>
        %dma_start3A_903 = tpu.memref_squeeze %dma_start3A_902 : memref<1x64xi32, #tpu.memory_space<vmem>> -> memref<64xi32, #tpu.memory_space<vmem>>
        %dma_start3A_904 = arith.constant 0 : i32
        %dma_start3A_905 = arith.constant 0 : i32
        %dma_start3A_906 = tpu.memref_slice %arg3[%dma_start3A_904, %dma_start3A_905] : memref<100000x128xf32, #tpu.memory_space<hbm>> -> memref<100000x128xf32, #tpu.memory_space<hbm>>
        %dma_start3A_907 = tpu.memref_slice %arg10[%dma_start3A_896] : memref<5x!tpu.dma_semaphore, #tpu.memory_space<semaphore_mem>> -> memref<1x!tpu.dma_semaphore, #tpu.memory_space<semaphore_mem>>
        %dma_start3A_908 = tpu.memref_squeeze %dma_start3A_907 : memref<1x!tpu.dma_semaphore, #tpu.memory_space<semaphore_mem>> -> memref<!tpu.dma_semaphore, #tpu.memory_space<semaphore_mem>>
        tpu.enqueue_indirect_dma source(%dma_start3A_906 : memref<100000x128xf32, #tpu.memory_space<hbm>>) target(%dma_start3A_900 : memref<64x128xf32, #tpu.memory_space<vmem>>) offsets(%dma_start3A_903 : memref<64xi32, #tpu.memory_space<vmem>>) semaphore(%dma_start3A_908 : memref<!tpu.dma_semaphore, #tpu.memory_space<semaphore_mem>>)
      } else {
      }
      %mul3A_625 = arith.constant 5 : i32
      %mul3A_626 = arith.muli %mul3A_625, %scan3A_229 : i32
      %add3A_627 = arith.constant 3 : i32
      %add3A_628 = arith.addi %mul3A_626, %add3A_627 : i32
      %add3A_629 = arith.addi %mul3A_2, %add3A_628 : i32
      %jit3A_630 = arith.constant 16 : i32
      %div3A_631 = arith.divsi %add3A_629, %jit3A_630 : i32
      %sign3A_632 = arith.constant 0 : i32
      %sign3A_633 = arith.cmpi sgt, %add3A_629, %sign3A_632 : i32
      %sign3A_634 = arith.extui %sign3A_633 : i1 to i32
      %sign3A_635 = arith.constant 0 : i32
      %sign3A_636 = arith.cmpi slt, %add3A_629, %sign3A_635 : i32
      %sign3A_637 = arith.extui %sign3A_636 : i1 to i32
      %sign3A_638 = arith.subi %sign3A_634, %sign3A_637 : i32
      %sign3A_639 = arith.constant 0 : i32
      %sign3A_640 = arith.cmpi sgt, %jit3A_630, %sign3A_639 : i32
      %sign3A_641 = arith.extui %sign3A_640 : i1 to i32
      %sign3A_642 = arith.constant 0 : i32
      %sign3A_643 = arith.cmpi slt, %jit3A_630, %sign3A_642 : i32
      %sign3A_644 = arith.extui %sign3A_643 : i1 to i32
      %sign3A_645 = arith.subi %sign3A_641, %sign3A_644 : i32
      %ne3A_646 = arith.cmpi ne, %sign3A_638, %sign3A_645 : i32
      %rem3A_647 = arith.remsi %add3A_629, %jit3A_630 : i32
      %ne3A_648 = arith.constant 0 : i32
      %ne3A_649 = arith.cmpi ne, %rem3A_647, %ne3A_648 : i32
      %and3A_650 = arith.andi %ne3A_646, %ne3A_649 : i1
      %sub3A_651 = arith.constant 1 : i32
      %sub3A_652 = arith.subi %div3A_631, %sub3A_651 : i32
      %select_n3A_653 = arith.select %and3A_650, %sub3A_652, %div3A_631 : i32
      %jit3A_654 = arith.constant 16 : i32
      %eq3A_655 = arith.constant 0 : i32
      %eq3A_656 = arith.cmpi eq, %jit3A_654, %eq3A_655 : i32
      %jit3A_657 = arith.constant 1 : i32
      %select_n3A_658 = arith.select %eq3A_656, %jit3A_657, %jit3A_654 : i32
      %rem3A_659 = arith.remsi %add3A_629, %select_n3A_658 : i32
      %ne3A_660 = arith.constant 0 : i32
      %ne3A_661 = arith.cmpi ne, %rem3A_659, %ne3A_660 : i32
      %lt3A_662 = arith.constant 0 : i32
      %lt3A_663 = arith.cmpi slt, %rem3A_659, %lt3A_662 : i32
      %lt3A_664 = arith.constant 0 : i32
      %lt3A_665 = arith.cmpi slt, %select_n3A_658, %lt3A_664 : i32
      %ne3A_666 = arith.xori %lt3A_663, %lt3A_665 : i1
      %and3A_667 = arith.andi %ne3A_666, %ne3A_661 : i1
      %add3A_668 = arith.addi %rem3A_659, %select_n3A_658 : i32
      %select_n3A_669 = arith.select %and3A_667, %add3A_668, %rem3A_659 : i32
      %mul3A_670 = arith.constant 64 : i32
      %mul3A_671 = arith.muli %select_n3A_669, %mul3A_670 : i32
      %dma_wait3A_672 = arith.constant 3 : i32
      %dma_wait3A_673 = arith.constant 3 : i32
      %dma_wait3A_674 = arith.constant 0 : i32
      %dma_wait3A_675 = arith.constant 0 : i32
      %dma_wait3A_676 = tpu.memref_slice %arg8[%dma_wait3A_672, %dma_wait3A_674, %dma_wait3A_675] : memref<5x64x128xf32, #tpu.memory_space<vmem>> -> memref<1x64x128xf32, #tpu.memory_space<vmem>>
      %dma_wait3A_677 = tpu.memref_squeeze %dma_wait3A_676 : memref<1x64x128xf32, #tpu.memory_space<vmem>> -> memref<64x128xf32, #tpu.memory_space<vmem>>
      %dma_wait3A_678 = arith.constant 0 : i32
      %dma_wait3A_679 = tpu.memref_slice %arg7[%add3A_628, %dma_wait3A_678] : memref<100x64xi32, #tpu.memory_space<vmem>> -> memref<1x64xi32, #tpu.memory_space<vmem>>
      %dma_wait3A_680 = tpu.memref_squeeze %dma_wait3A_679 : memref<1x64xi32, #tpu.memory_space<vmem>> -> memref<64xi32, #tpu.memory_space<vmem>>
      %dma_wait3A_681 = arith.constant 0 : i32
      %dma_wait3A_682 = arith.constant 0 : i32
      %dma_wait3A_683 = tpu.memref_slice %arg3[%dma_wait3A_681, %dma_wait3A_682] : memref<100000x128xf32, #tpu.memory_space<hbm>> -> memref<100000x128xf32, #tpu.memory_space<hbm>>
      %dma_wait3A_684 = tpu.memref_slice %arg10[%dma_wait3A_673] : memref<5x!tpu.dma_semaphore, #tpu.memory_space<semaphore_mem>> -> memref<1x!tpu.dma_semaphore, #tpu.memory_space<semaphore_mem>>
      %dma_wait3A_685 = tpu.memref_squeeze %dma_wait3A_684 : memref<1x!tpu.dma_semaphore, #tpu.memory_space<semaphore_mem>> -> memref<!tpu.dma_semaphore, #tpu.memory_space<semaphore_mem>>
      tpu.wait_indirect_dma semaphore(%dma_wait3A_685 : memref<!tpu.dma_semaphore, #tpu.memory_space<semaphore_mem>>) src(%dma_wait3A_683 : memref<100000x128xf32, #tpu.memory_space<hbm>>) dst(%dma_wait3A_677 : memref<64x128xf32, #tpu.memory_space<vmem>>)
      %ge3A_686 = arith.constant 1 : i32
      %ge3A_687 = arith.cmpi sge, %scan3A_229, %ge3A_686 : i32
      %convert_element_type3A_688 = arith.extui %ge3A_687 : i1 to i32
      %cond3A_689 = arith.constant 0 : i32
      %cond3A_690 = arith.cmpi ne, %convert_element_type3A_688, %cond3A_689 : i32
      scf.if %cond3A_690 {
        %dma_wait3A_893 = arith.constant 3 : i32
        %dma_wait3A_894 = arith.constant 0 : i32
        %dma_wait3A_895 = arith.constant 3 : i32
        %dma_wait3A_896 = arith.constant 0 : i32
        %dma_wait3A_897 = arith.constant 0 : i32
        %dma_wait3A_898 = tpu.memref_slice %arg9[%dma_wait3A_893, %dma_wait3A_896, %dma_wait3A_897] : memref<5x64x128xf32, #tpu.memory_space<vmem>> -> memref<1x64x128xf32, #tpu.memory_space<vmem>>
        %dma_wait3A_899 = tpu.memref_squeeze %dma_wait3A_898 : memref<1x64x128xf32, #tpu.memory_space<vmem>> -> memref<64x128xf32, #tpu.memory_space<vmem>>
        %dma_wait3A_900 = arith.constant 0 : i32
        %dma_wait3A_901 = arith.constant 0 : i32
        %dma_wait3A_902 = tpu.memref_slice %arg5[%dma_wait3A_900, %dma_wait3A_894, %dma_wait3A_901] : memref<1024x200x128xf32, #tpu.memory_space<hbm>> -> memref<64x1x128xf32, #tpu.memory_space<hbm>>
        %dma_wait3A_903 = tpu.memref_squeeze %dma_wait3A_902 : memref<64x1x128xf32, #tpu.memory_space<hbm>> -> memref<64x128xf32, #tpu.memory_space<hbm>>
        %dma_wait3A_904 = tpu.memref_slice %arg11[%dma_wait3A_895] : memref<5x!tpu.dma_semaphore, #tpu.memory_space<semaphore_mem>> -> memref<1x!tpu.dma_semaphore, #tpu.memory_space<semaphore_mem>>
        %dma_wait3A_905 = tpu.memref_squeeze %dma_wait3A_904 : memref<1x!tpu.dma_semaphore, #tpu.memory_space<semaphore_mem>> -> memref<!tpu.dma_semaphore, #tpu.memory_space<semaphore_mem>>
        %dma_wait3A_906 = arith.constant 0 : i32
        %dma_wait3A_907 = arith.constant 0 : i32
        %dma_wait3A_908 = tpu.memref_slice %arg5[%dma_wait3A_906, %dma_wait3A_894, %dma_wait3A_907] : memref<1024x200x128xf32, #tpu.memory_space<hbm>> -> memref<64x1x128xf32, #tpu.memory_space<hbm>>
        %dma_wait3A_909 = tpu.memref_squeeze %dma_wait3A_908 : memref<64x1x128xf32, #tpu.memory_space<hbm>> -> memref<64x128xf32, #tpu.memory_space<hbm>>
        %dma_wait3A_910 = arith.constant 0 : i32
        %dma_wait3A_911 = arith.constant 0 : i32
        %dma_wait3A_912 = tpu.memref_slice %arg9[%dma_wait3A_893, %dma_wait3A_910, %dma_wait3A_911] : memref<5x64x128xf32, #tpu.memory_space<vmem>> -> memref<1x64x128xf32, #tpu.memory_space<vmem>>
        %dma_wait3A_913 = tpu.memref_squeeze %dma_wait3A_912 : memref<1x64x128xf32, #tpu.memory_space<vmem>> -> memref<64x128xf32, #tpu.memory_space<vmem>>
        tpu.wait_dma2 semaphore(%dma_wait3A_905 : memref<!tpu.dma_semaphore, #tpu.memory_space<semaphore_mem>>) src(%dma_wait3A_913 : memref<64x128xf32, #tpu.memory_space<vmem>>) dst(%dma_wait3A_909 : memref<64x128xf32, #tpu.memory_space<hbm>>)
      } else {
      }
      %sub3A_691 = arith.subi %select_n3A_653, %multiple_of3A : i32
      %get3A_692 = arith.index_cast %sub3A_691 : i32 to index
      %get3A_693 = arith.constant 0 : index
      %get3A_694 = tpu.vector_load %arg6[%get3A_692, %get3A_693] {strides = array<i32>} : memref<16x128xf32, #tpu.memory_space<vmem>>, vector<1x16xf32>,
      %get3A_695 = vector.shape_cast %get3A_694 : vector<1x16xf32> to vector<16xf32>
      %sub3A_696 = arith.subi %select_n3A_653, %multiple_of3A : i32
      %get3A_697 = arith.index_cast %sub3A_696 : i32 to index
      %get3A_698 = arith.constant 16 : index
      %get3A_699 = tpu.vector_load %arg6[%get3A_697, %get3A_698] {strides = array<i32>} : memref<16x128xf32, #tpu.memory_space<vmem>>, vector<1x16xf32>,
      %get3A_700 = vector.shape_cast %get3A_699 : vector<1x16xf32> to vector<16xf32>
      %sub3A_701 = arith.subi %select_n3A_653, %multiple_of3A : i32
      %get3A_702 = arith.index_cast %sub3A_701 : i32 to index
      %get3A_703 = arith.constant 32 : index
      %get3A_704 = tpu.vector_load %arg6[%get3A_702, %get3A_703] {strides = array<i32>} : memref<16x128xf32, #tpu.memory_space<vmem>>, vector<1x16xf32>,
      %get3A_705 = vector.shape_cast %get3A_704 : vector<1x16xf32> to vector<16xf32>
      %sub3A_706 = arith.subi %select_n3A_653, %multiple_of3A : i32
      %get3A_707 = arith.index_cast %sub3A_706 : i32 to index
      %get3A_708 = arith.constant 48 : index
      %get3A_709 = tpu.vector_load %arg6[%get3A_707, %get3A_708] {strides = array<i32>} : memref<16x128xf32, #tpu.memory_space<vmem>>, vector<1x16xf32>,
      %get3A_710 = vector.shape_cast %get3A_709 : vector<1x16xf32> to vector<16xf32>
      %sub3A_711 = arith.subi %select_n3A_653, %multiple_of3A : i32
      %get3A_712 = arith.index_cast %sub3A_711 : i32 to index
      %get3A_713 = arith.constant 64 : index
      %get3A_714 = tpu.vector_load %arg6[%get3A_712, %get3A_713] {strides = array<i32>} : memref<16x128xf32, #tpu.memory_space<vmem>>, vector<1x16xf32>,
      %get3A_715 = vector.shape_cast %get3A_714 : vector<1x16xf32> to vector<16xf32>
      %sub3A_716 = arith.subi %select_n3A_653, %multiple_of3A : i32
      %get3A_717 = arith.index_cast %sub3A_716 : i32 to index
      %get3A_718 = arith.constant 80 : index
      %get3A_719 = tpu.vector_load %arg6[%get3A_717, %get3A_718] {strides = array<i32>} : memref<16x128xf32, #tpu.memory_space<vmem>>, vector<1x16xf32>,
      %get3A_720 = vector.shape_cast %get3A_719 : vector<1x16xf32> to vector<16xf32>
      %sub3A_721 = arith.subi %select_n3A_653, %multiple_of3A : i32
      %get3A_722 = arith.index_cast %sub3A_721 : i32 to index
      %get3A_723 = arith.constant 96 : index
      %get3A_724 = tpu.vector_load %arg6[%get3A_722, %get3A_723] {strides = array<i32>} : memref<16x128xf32, #tpu.memory_space<vmem>>, vector<1x16xf32>,
      %get3A_725 = vector.shape_cast %get3A_724 : vector<1x16xf32> to vector<16xf32>
      %sub3A_726 = arith.subi %select_n3A_653, %multiple_of3A : i32
      %get3A_727 = arith.index_cast %sub3A_726 : i32 to index
      %get3A_728 = arith.constant 112 : index
      %get3A_729 = tpu.vector_load %arg6[%get3A_727, %get3A_728] {strides = array<i32>} : memref<16x128xf32, #tpu.memory_space<vmem>>, vector<1x16xf32>,
      %get3A_730 = vector.shape_cast %get3A_729 : vector<1x16xf32> to vector<16xf32>
      %parallel_loop3A_731 = arith.constant 0 : i32
      %parallel_loop3A_732 = arith.constant 64 : i32
      %parallel_loop3A_733 = arith.constant 1 : i32
      scf.for %parallel_loop3A_893 = %parallel_loop3A_731 to %parallel_loop3A_732 step %parallel_loop3A_733  : i32 {
        %parallel_loop3A_894 = arith.constant 3 : i32
        %parallel_loop3A_895 = arith.index_cast %parallel_loop3A_894 : i32 to index
        %parallel_loop3A_896 = arith.index_cast %parallel_loop3A_893 : i32 to index
        %parallel_loop3A_897 = arith.constant 0 : index
        %parallel_loop3A_898 = tpu.vector_load %arg8[%parallel_loop3A_895, %parallel_loop3A_896, %parallel_loop3A_897] {strides = array<i32>} : memref<5x64x128xf32, #tpu.memory_space<vmem>>, vector<1x1x16xf32>,
        %parallel_loop3A_899 = vector.shape_cast %parallel_loop3A_898 : vector<1x1x16xf32> to vector<16xf32>
        %parallel_loop3A_900 = arith.addf %parallel_loop3A_899, %get3A_695 : vector<16xf32>
        %parallel_loop3A_901 = arith.constant 3 : i32
        %parallel_loop3A_902 = arith.index_cast %parallel_loop3A_901 : i32 to index
        %parallel_loop3A_903 = arith.index_cast %parallel_loop3A_893 : i32 to index
        %parallel_loop3A_904 = arith.constant 0 : index
        %parallel_loop3A_905 = tpu.vector_load %arg9[%parallel_loop3A_902, %parallel_loop3A_903, %parallel_loop3A_904] {strides = array<i32>} : memref<5x64x128xf32, #tpu.memory_space<vmem>>, vector<1x1x16xf32>,
        %parallel_loop3A_906 = vector.shape_cast %parallel_loop3A_905 : vector<1x1x16xf32> to vector<16xf32>
        %parallel_loop3A_907 = vector.shape_cast %parallel_loop3A_900 : vector<16xf32> to vector<1x1x16xf32>
        tpu.vector_store %arg9[%parallel_loop3A_902, %parallel_loop3A_903, %parallel_loop3A_904], %parallel_loop3A_907 {strides = array<i32>} : memref<5x64x128xf32, #tpu.memory_space<vmem>>, vector<1x1x16xf32>,
        %parallel_loop3A_908 = arith.constant 3 : i32
        %parallel_loop3A_909 = arith.index_cast %parallel_loop3A_908 : i32 to index
        %parallel_loop3A_910 = arith.index_cast %parallel_loop3A_893 : i32 to index
        %parallel_loop3A_911 = arith.constant 16 : index
        %parallel_loop3A_912 = tpu.vector_load %arg8[%parallel_loop3A_909, %parallel_loop3A_910, %parallel_loop3A_911] {strides = array<i32>} : memref<5x64x128xf32, #tpu.memory_space<vmem>>, vector<1x1x16xf32>,
        %parallel_loop3A_913 = vector.shape_cast %parallel_loop3A_912 : vector<1x1x16xf32> to vector<16xf32>
        %parallel_loop3A_914 = arith.addf %parallel_loop3A_913, %get3A_700 : vector<16xf32>
        %parallel_loop3A_915 = arith.constant 3 : i32
        %parallel_loop3A_916 = arith.index_cast %parallel_loop3A_915 : i32 to index
        %parallel_loop3A_917 = arith.index_cast %parallel_loop3A_893 : i32 to index
        %parallel_loop3A_918 = arith.constant 16 : index
        %parallel_loop3A_919 = tpu.vector_load %arg9[%parallel_loop3A_916, %parallel_loop3A_917, %parallel_loop3A_918] {strides = array<i32>} : memref<5x64x128xf32, #tpu.memory_space<vmem>>, vector<1x1x16xf32>,
        %parallel_loop3A_920 = vector.shape_cast %parallel_loop3A_919 : vector<1x1x16xf32> to vector<16xf32>
        %parallel_loop3A_921 = vector.shape_cast %parallel_loop3A_914 : vector<16xf32> to vector<1x1x16xf32>
        tpu.vector_store %arg9[%parallel_loop3A_916, %parallel_loop3A_917, %parallel_loop3A_918], %parallel_loop3A_921 {strides = array<i32>} : memref<5x64x128xf32, #tpu.memory_space<vmem>>, vector<1x1x16xf32>,
        %parallel_loop3A_922 = arith.constant 3 : i32
        %parallel_loop3A_923 = arith.index_cast %parallel_loop3A_922 : i32 to index
        %parallel_loop3A_924 = arith.index_cast %parallel_loop3A_893 : i32 to index
        %parallel_loop3A_925 = arith.constant 32 : index
        %parallel_loop3A_926 = tpu.vector_load %arg8[%parallel_loop3A_923, %parallel_loop3A_924, %parallel_loop3A_925] {strides = array<i32>} : memref<5x64x128xf32, #tpu.memory_space<vmem>>, vector<1x1x16xf32>,
        %parallel_loop3A_927 = vector.shape_cast %parallel_loop3A_926 : vector<1x1x16xf32> to vector<16xf32>
        %parallel_loop3A_928 = arith.addf %parallel_loop3A_927, %get3A_705 : vector<16xf32>
        %parallel_loop3A_929 = arith.constant 3 : i32
        %parallel_loop3A_930 = arith.index_cast %parallel_loop3A_929 : i32 to index
        %parallel_loop3A_931 = arith.index_cast %parallel_loop3A_893 : i32 to index
        %parallel_loop3A_932 = arith.constant 32 : index
        %parallel_loop3A_933 = tpu.vector_load %arg9[%parallel_loop3A_930, %parallel_loop3A_931, %parallel_loop3A_932] {strides = array<i32>} : memref<5x64x128xf32, #tpu.memory_space<vmem>>, vector<1x1x16xf32>,
        %parallel_loop3A_934 = vector.shape_cast %parallel_loop3A_933 : vector<1x1x16xf32> to vector<16xf32>
        %parallel_loop3A_935 = vector.shape_cast %parallel_loop3A_928 : vector<16xf32> to vector<1x1x16xf32>
        tpu.vector_store %arg9[%parallel_loop3A_930, %parallel_loop3A_931, %parallel_loop3A_932], %parallel_loop3A_935 {strides = array<i32>} : memref<5x64x128xf32, #tpu.memory_space<vmem>>, vector<1x1x16xf32>,
        %parallel_loop3A_936 = arith.constant 3 : i32
        %parallel_loop3A_937 = arith.index_cast %parallel_loop3A_936 : i32 to index
        %parallel_loop3A_938 = arith.index_cast %parallel_loop3A_893 : i32 to index
        %parallel_loop3A_939 = arith.constant 48 : index
        %parallel_loop3A_940 = tpu.vector_load %arg8[%parallel_loop3A_937, %parallel_loop3A_938, %parallel_loop3A_939] {strides = array<i32>} : memref<5x64x128xf32, #tpu.memory_space<vmem>>, vector<1x1x16xf32>,
        %parallel_loop3A_941 = vector.shape_cast %parallel_loop3A_940 : vector<1x1x16xf32> to vector<16xf32>
        %parallel_loop3A_942 = arith.addf %parallel_loop3A_941, %get3A_710 : vector<16xf32>
        %parallel_loop3A_943 = arith.constant 3 : i32
        %parallel_loop3A_944 = arith.index_cast %parallel_loop3A_943 : i32 to index
        %parallel_loop3A_945 = arith.index_cast %parallel_loop3A_893 : i32 to index
        %parallel_loop3A_946 = arith.constant 48 : index
        %parallel_loop3A_947 = tpu.vector_load %arg9[%parallel_loop3A_944, %parallel_loop3A_945, %parallel_loop3A_946] {strides = array<i32>} : memref<5x64x128xf32, #tpu.memory_space<vmem>>, vector<1x1x16xf32>,
        %parallel_loop3A_948 = vector.shape_cast %parallel_loop3A_947 : vector<1x1x16xf32> to vector<16xf32>
        %parallel_loop3A_949 = vector.shape_cast %parallel_loop3A_942 : vector<16xf32> to vector<1x1x16xf32>
        tpu.vector_store %arg9[%parallel_loop3A_944, %parallel_loop3A_945, %parallel_loop3A_946], %parallel_loop3A_949 {strides = array<i32>} : memref<5x64x128xf32, #tpu.memory_space<vmem>>, vector<1x1x16xf32>,
        %parallel_loop3A_950 = arith.constant 3 : i32
        %parallel_loop3A_951 = arith.index_cast %parallel_loop3A_950 : i32 to index
        %parallel_loop3A_952 = arith.index_cast %parallel_loop3A_893 : i32 to index
        %parallel_loop3A_953 = arith.constant 64 : index
        %parallel_loop3A_954 = tpu.vector_load %arg8[%parallel_loop3A_951, %parallel_loop3A_952, %parallel_loop3A_953] {strides = array<i32>} : memref<5x64x128xf32, #tpu.memory_space<vmem>>, vector<1x1x16xf32>,
        %parallel_loop3A_955 = vector.shape_cast %parallel_loop3A_954 : vector<1x1x16xf32> to vector<16xf32>
        %parallel_loop3A_956 = arith.addf %parallel_loop3A_955, %get3A_715 : vector<16xf32>
        %parallel_loop3A_957 = arith.constant 3 : i32
        %parallel_loop3A_958 = arith.index_cast %parallel_loop3A_957 : i32 to index
        %parallel_loop3A_959 = arith.index_cast %parallel_loop3A_893 : i32 to index
        %parallel_loop3A_960 = arith.constant 64 : index
        %parallel_loop3A_961 = tpu.vector_load %arg9[%parallel_loop3A_958, %parallel_loop3A_959, %parallel_loop3A_960] {strides = array<i32>} : memref<5x64x128xf32, #tpu.memory_space<vmem>>, vector<1x1x16xf32>,
        %parallel_loop3A_962 = vector.shape_cast %parallel_loop3A_961 : vector<1x1x16xf32> to vector<16xf32>
        %parallel_loop3A_963 = vector.shape_cast %parallel_loop3A_956 : vector<16xf32> to vector<1x1x16xf32>
        tpu.vector_store %arg9[%parallel_loop3A_958, %parallel_loop3A_959, %parallel_loop3A_960], %parallel_loop3A_963 {strides = array<i32>} : memref<5x64x128xf32, #tpu.memory_space<vmem>>, vector<1x1x16xf32>,
        %parallel_loop3A_964 = arith.constant 3 : i32
        %parallel_loop3A_965 = arith.index_cast %parallel_loop3A_964 : i32 to index
        %parallel_loop3A_966 = arith.index_cast %parallel_loop3A_893 : i32 to index
        %parallel_loop3A_967 = arith.constant 80 : index
        %parallel_loop3A_968 = tpu.vector_load %arg8[%parallel_loop3A_965, %parallel_loop3A_966, %parallel_loop3A_967] {strides = array<i32>} : memref<5x64x128xf32, #tpu.memory_space<vmem>>, vector<1x1x16xf32>,
        %parallel_loop3A_969 = vector.shape_cast %parallel_loop3A_968 : vector<1x1x16xf32> to vector<16xf32>
        %parallel_loop3A_970 = arith.addf %parallel_loop3A_969, %get3A_720 : vector<16xf32>
        %parallel_loop3A_971 = arith.constant 3 : i32
        %parallel_loop3A_972 = arith.index_cast %parallel_loop3A_971 : i32 to index
        %parallel_loop3A_973 = arith.index_cast %parallel_loop3A_893 : i32 to index
        %parallel_loop3A_974 = arith.constant 80 : index
        %parallel_loop3A_975 = tpu.vector_load %arg9[%parallel_loop3A_972, %parallel_loop3A_973, %parallel_loop3A_974] {strides = array<i32>} : memref<5x64x128xf32, #tpu.memory_space<vmem>>, vector<1x1x16xf32>,
        %parallel_loop3A_976 = vector.shape_cast %parallel_loop3A_975 : vector<1x1x16xf32> to vector<16xf32>
        %parallel_loop3A_977 = vector.shape_cast %parallel_loop3A_970 : vector<16xf32> to vector<1x1x16xf32>
        tpu.vector_store %arg9[%parallel_loop3A_972, %parallel_loop3A_973, %parallel_loop3A_974], %parallel_loop3A_977 {strides = array<i32>} : memref<5x64x128xf32, #tpu.memory_space<vmem>>, vector<1x1x16xf32>,
        %parallel_loop3A_978 = arith.constant 3 : i32
        %parallel_loop3A_979 = arith.index_cast %parallel_loop3A_978 : i32 to index
        %parallel_loop3A_980 = arith.index_cast %parallel_loop3A_893 : i32 to index
        %parallel_loop3A_981 = arith.constant 96 : index
        %parallel_loop3A_982 = tpu.vector_load %arg8[%parallel_loop3A_979, %parallel_loop3A_980, %parallel_loop3A_981] {strides = array<i32>} : memref<5x64x128xf32, #tpu.memory_space<vmem>>, vector<1x1x16xf32>,
        %parallel_loop3A_983 = vector.shape_cast %parallel_loop3A_982 : vector<1x1x16xf32> to vector<16xf32>
        %parallel_loop3A_984 = arith.addf %parallel_loop3A_983, %get3A_725 : vector<16xf32>
        %parallel_loop3A_985 = arith.constant 3 : i32
        %parallel_loop3A_986 = arith.index_cast %parallel_loop3A_985 : i32 to index
        %parallel_loop3A_987 = arith.index_cast %parallel_loop3A_893 : i32 to index
        %parallel_loop3A_988 = arith.constant 96 : index
        %parallel_loop3A_989 = tpu.vector_load %arg9[%parallel_loop3A_986, %parallel_loop3A_987, %parallel_loop3A_988] {strides = array<i32>} : memref<5x64x128xf32, #tpu.memory_space<vmem>>, vector<1x1x16xf32>,
        %parallel_loop3A_990 = vector.shape_cast %parallel_loop3A_989 : vector<1x1x16xf32> to vector<16xf32>
        %parallel_loop3A_991 = vector.shape_cast %parallel_loop3A_984 : vector<16xf32> to vector<1x1x16xf32>
        tpu.vector_store %arg9[%parallel_loop3A_986, %parallel_loop3A_987, %parallel_loop3A_988], %parallel_loop3A_991 {strides = array<i32>} : memref<5x64x128xf32, #tpu.memory_space<vmem>>, vector<1x1x16xf32>,
        %parallel_loop3A_992 = arith.constant 3 : i32
        %parallel_loop3A_993 = arith.index_cast %parallel_loop3A_992 : i32 to index
        %parallel_loop3A_994 = arith.index_cast %parallel_loop3A_893 : i32 to index
        %parallel_loop3A_995 = arith.constant 112 : index
        %parallel_loop3A_996 = tpu.vector_load %arg8[%parallel_loop3A_993, %parallel_loop3A_994, %parallel_loop3A_995] {strides = array<i32>} : memref<5x64x128xf32, #tpu.memory_space<vmem>>, vector<1x1x16xf32>,
        %parallel_loop3A_997 = vector.shape_cast %parallel_loop3A_996 : vector<1x1x16xf32> to vector<16xf32>
        %parallel_loop3A_998 = arith.addf %parallel_loop3A_997, %get3A_730 : vector<16xf32>
        %parallel_loop3A_999 = arith.constant 3 : i32
        %parallel_loop3A_1000 = arith.index_cast %parallel_loop3A_999 : i32 to index
        %parallel_loop3A_1001 = arith.index_cast %parallel_loop3A_893 : i32 to index
        %parallel_loop3A_1002 = arith.constant 112 : index
        %parallel_loop3A_1003 = tpu.vector_load %arg9[%parallel_loop3A_1000, %parallel_loop3A_1001, %parallel_loop3A_1002] {strides = array<i32>} : memref<5x64x128xf32, #tpu.memory_space<vmem>>, vector<1x1x16xf32>,
        %parallel_loop3A_1004 = vector.shape_cast %parallel_loop3A_1003 : vector<1x1x16xf32> to vector<16xf32>
        %parallel_loop3A_1005 = vector.shape_cast %parallel_loop3A_998 : vector<16xf32> to vector<1x1x16xf32>
        tpu.vector_store %arg9[%parallel_loop3A_1000, %parallel_loop3A_1001, %parallel_loop3A_1002], %parallel_loop3A_1005 {strides = array<i32>} : memref<5x64x128xf32, #tpu.memory_space<vmem>>, vector<1x1x16xf32>,
      } {sc.loop_unroll_factor = 4 : i64, sc.parallel_access}
      %dma_start3A_734 = arith.constant 3 : i32
      %dma_start3A_735 = arith.constant 3 : i32
      %dma_start3A_736 = arith.constant 0 : i32
      %dma_start3A_737 = arith.constant 0 : i32
      %dma_start3A_738 = tpu.memref_slice %arg9[%dma_start3A_734, %dma_start3A_736, %dma_start3A_737] : memref<5x64x128xf32, #tpu.memory_space<vmem>> -> memref<1x64x128xf32, #tpu.memory_space<vmem>>
      %dma_start3A_739 = tpu.memref_squeeze %dma_start3A_738 : memref<1x64x128xf32, #tpu.memory_space<vmem>> -> memref<64x128xf32, #tpu.memory_space<vmem>>
      %dma_start3A_740 = arith.constant 0 : i32
      %dma_start3A_741 = tpu.memref_slice %arg5[%mul3A_671, %select_n3A_653, %dma_start3A_740] : memref<1024x200x128xf32, #tpu.memory_space<hbm>> -> memref<64x1x128xf32, #tpu.memory_space<hbm>>
      %dma_start3A_742 = tpu.memref_squeeze %dma_start3A_741 : memref<64x1x128xf32, #tpu.memory_space<hbm>> -> memref<64x128xf32, #tpu.memory_space<hbm>>
      %dma_start3A_743 = tpu.memref_slice %arg11[%dma_start3A_735] : memref<5x!tpu.dma_semaphore, #tpu.memory_space<semaphore_mem>> -> memref<1x!tpu.dma_semaphore, #tpu.memory_space<semaphore_mem>>
      %dma_start3A_744 = tpu.memref_squeeze %dma_start3A_743 : memref<1x!tpu.dma_semaphore, #tpu.memory_space<semaphore_mem>> -> memref<!tpu.dma_semaphore, #tpu.memory_space<semaphore_mem>>
      %dma_start3A_745 = arith.constant 0 : i32
      %dma_start3A_746 = tpu.memref_slice %arg5[%mul3A_671, %select_n3A_653, %dma_start3A_745] : memref<1024x200x128xf32, #tpu.memory_space<hbm>> -> memref<64x1x128xf32, #tpu.memory_space<hbm>>
      %dma_start3A_747 = tpu.memref_squeeze %dma_start3A_746 : memref<64x1x128xf32, #tpu.memory_space<hbm>> -> memref<64x128xf32, #tpu.memory_space<hbm>>
      %dma_start3A_748 = arith.constant 0 : i32
      %dma_start3A_749 = arith.constant 0 : i32
      %dma_start3A_750 = tpu.memref_slice %arg9[%dma_start3A_734, %dma_start3A_748, %dma_start3A_749] : memref<5x64x128xf32, #tpu.memory_space<vmem>> -> memref<1x64x128xf32, #tpu.memory_space<vmem>>
      %dma_start3A_751 = tpu.memref_squeeze %dma_start3A_750 : memref<1x64x128xf32, #tpu.memory_space<vmem>> -> memref<64x128xf32, #tpu.memory_space<vmem>>
      tpu.enqueue_dma source(%dma_start3A_751 : memref<64x128xf32, #tpu.memory_space<vmem>>) target(%dma_start3A_747 : memref<64x128xf32, #tpu.memory_space<hbm>>) target_semaphore(%dma_start3A_744 : memref<!tpu.dma_semaphore, #tpu.memory_space<semaphore_mem>>)
      %add3A_752 = arith.constant 5 : i32
      %add3A_753 = arith.addi %add3A_628, %add3A_752 : i32
      %lt3A_754 = arith.constant 100 : i32
      %lt3A_755 = arith.cmpi slt, %add3A_753, %lt3A_754 : i32
      %convert_element_type3A_756 = arith.extui %lt3A_755 : i1 to i32
      %cond3A_757 = arith.constant 0 : i32
      %cond3A_758 = arith.cmpi ne, %convert_element_type3A_756, %cond3A_757 : i32
      scf.if %cond3A_758 {
        %add3A_893 = arith.constant 5 : i32
        %add3A_894 = arith.addi %add3A_628, %add3A_893 : i32
        %dma_start3A_895 = arith.constant 3 : i32
        %dma_start3A_896 = arith.constant 3 : i32
        %dma_start3A_897 = arith.constant 0 : i32
        %dma_start3A_898 = arith.constant 0 : i32
        %dma_start3A_899 = tpu.memref_slice %arg8[%dma_start3A_895, %dma_start3A_897, %dma_start3A_898] : memref<5x64x128xf32, #tpu.memory_space<vmem>> -> memref<1x64x128xf32, #tpu.memory_space<vmem>>
        %dma_start3A_900 = tpu.memref_squeeze %dma_start3A_899 : memref<1x64x128xf32, #tpu.memory_space<vmem>> -> memref<64x128xf32, #tpu.memory_space<vmem>>
        %dma_start3A_901 = arith.constant 0 : i32
        %dma_start3A_902 = tpu.memref_slice %arg7[%add3A_894, %dma_start3A_901] : memref<100x64xi32, #tpu.memory_space<vmem>> -> memref<1x64xi32, #tpu.memory_space<vmem>>
        %dma_start3A_903 = tpu.memref_squeeze %dma_start3A_902 : memref<1x64xi32, #tpu.memory_space<vmem>> -> memref<64xi32, #tpu.memory_space<vmem>>
        %dma_start3A_904 = arith.constant 0 : i32
        %dma_start3A_905 = arith.constant 0 : i32
        %dma_start3A_906 = tpu.memref_slice %arg3[%dma_start3A_904, %dma_start3A_905] : memref<100000x128xf32, #tpu.memory_space<hbm>> -> memref<100000x128xf32, #tpu.memory_space<hbm>>
        %dma_start3A_907 = tpu.memref_slice %arg10[%dma_start3A_896] : memref<5x!tpu.dma_semaphore, #tpu.memory_space<semaphore_mem>> -> memref<1x!tpu.dma_semaphore, #tpu.memory_space<semaphore_mem>>
        %dma_start3A_908 = tpu.memref_squeeze %dma_start3A_907 : memref<1x!tpu.dma_semaphore, #tpu.memory_space<semaphore_mem>> -> memref<!tpu.dma_semaphore, #tpu.memory_space<semaphore_mem>>
        tpu.enqueue_indirect_dma source(%dma_start3A_906 : memref<100000x128xf32, #tpu.memory_space<hbm>>) target(%dma_start3A_900 : memref<64x128xf32, #tpu.memory_space<vmem>>) offsets(%dma_start3A_903 : memref<64xi32, #tpu.memory_space<vmem>>) semaphore(%dma_start3A_908 : memref<!tpu.dma_semaphore, #tpu.memory_space<semaphore_mem>>)
      } else {
      }
      %mul3A_759 = arith.constant 5 : i32
      %mul3A_760 = arith.muli %mul3A_759, %scan3A_229 : i32
      %add3A_761 = arith.constant 4 : i32
      %add3A_762 = arith.addi %mul3A_760, %add3A_761 : i32
      %add3A_763 = arith.addi %mul3A_2, %add3A_762 : i32
      %jit3A_764 = arith.constant 16 : i32
      %div3A_765 = arith.divsi %add3A_763, %jit3A_764 : i32
      %sign3A_766 = arith.constant 0 : i32
      %sign3A_767 = arith.cmpi sgt, %add3A_763, %sign3A_766 : i32
      %sign3A_768 = arith.extui %sign3A_767 : i1 to i32
      %sign3A_769 = arith.constant 0 : i32
      %sign3A_770 = arith.cmpi slt, %add3A_763, %sign3A_769 : i32
      %sign3A_771 = arith.extui %sign3A_770 : i1 to i32
      %sign3A_772 = arith.subi %sign3A_768, %sign3A_771 : i32
      %sign3A_773 = arith.constant 0 : i32
      %sign3A_774 = arith.cmpi sgt, %jit3A_764, %sign3A_773 : i32
      %sign3A_775 = arith.extui %sign3A_774 : i1 to i32
      %sign3A_776 = arith.constant 0 : i32
      %sign3A_777 = arith.cmpi slt, %jit3A_764, %sign3A_776 : i32
      %sign3A_778 = arith.extui %sign3A_777 : i1 to i32
      %sign3A_779 = arith.subi %sign3A_775, %sign3A_778 : i32
      %ne3A_780 = arith.cmpi ne, %sign3A_772, %sign3A_779 : i32
      %rem3A_781 = arith.remsi %add3A_763, %jit3A_764 : i32
      %ne3A_782 = arith.constant 0 : i32
      %ne3A_783 = arith.cmpi ne, %rem3A_781, %ne3A_782 : i32
      %and3A_784 = arith.andi %ne3A_780, %ne3A_783 : i1
      %sub3A_785 = arith.constant 1 : i32
      %sub3A_786 = arith.subi %div3A_765, %sub3A_785 : i32
      %select_n3A_787 = arith.select %and3A_784, %sub3A_786, %div3A_765 : i32
      %jit3A_788 = arith.constant 16 : i32
      %eq3A_789 = arith.constant 0 : i32
      %eq3A_790 = arith.cmpi eq, %jit3A_788, %eq3A_789 : i32
      %jit3A_791 = arith.constant 1 : i32
      %select_n3A_792 = arith.select %eq3A_790, %jit3A_791, %jit3A_788 : i32
      %rem3A_793 = arith.remsi %add3A_763, %select_n3A_792 : i32
      %ne3A_794 = arith.constant 0 : i32
      %ne3A_795 = arith.cmpi ne, %rem3A_793, %ne3A_794 : i32
      %lt3A_796 = arith.constant 0 : i32
      %lt3A_797 = arith.cmpi slt, %rem3A_793, %lt3A_796 : i32
      %lt3A_798 = arith.constant 0 : i32
      %lt3A_799 = arith.cmpi slt, %select_n3A_792, %lt3A_798 : i32
      %ne3A_800 = arith.xori %lt3A_797, %lt3A_799 : i1
      %and3A_801 = arith.andi %ne3A_800, %ne3A_795 : i1
      %add3A_802 = arith.addi %rem3A_793, %select_n3A_792 : i32
      %select_n3A_803 = arith.select %and3A_801, %add3A_802, %rem3A_793 : i32
      %mul3A_804 = arith.constant 64 : i32
      %mul3A_805 = arith.muli %select_n3A_803, %mul3A_804 : i32
      %dma_wait3A_806 = arith.constant 4 : i32
      %dma_wait3A_807 = arith.constant 4 : i32
      %dma_wait3A_808 = arith.constant 0 : i32
      %dma_wait3A_809 = arith.constant 0 : i32
      %dma_wait3A_810 = tpu.memref_slice %arg8[%dma_wait3A_806, %dma_wait3A_808, %dma_wait3A_809] : memref<5x64x128xf32, #tpu.memory_space<vmem>> -> memref<1x64x128xf32, #tpu.memory_space<vmem>>
      %dma_wait3A_811 = tpu.memref_squeeze %dma_wait3A_810 : memref<1x64x128xf32, #tpu.memory_space<vmem>> -> memref<64x128xf32, #tpu.memory_space<vmem>>
      %dma_wait3A_812 = arith.constant 0 : i32
      %dma_wait3A_813 = tpu.memref_slice %arg7[%add3A_762, %dma_wait3A_812] : memref<100x64xi32, #tpu.memory_space<vmem>> -> memref<1x64xi32, #tpu.memory_space<vmem>>
      %dma_wait3A_814 = tpu.memref_squeeze %dma_wait3A_813 : memref<1x64xi32, #tpu.memory_space<vmem>> -> memref<64xi32, #tpu.memory_space<vmem>>
      %dma_wait3A_815 = arith.constant 0 : i32
      %dma_wait3A_816 = arith.constant 0 : i32
      %dma_wait3A_817 = tpu.memref_slice %arg3[%dma_wait3A_815, %dma_wait3A_816] : memref<100000x128xf32, #tpu.memory_space<hbm>> -> memref<100000x128xf32, #tpu.memory_space<hbm>>
      %dma_wait3A_818 = tpu.memref_slice %arg10[%dma_wait3A_807] : memref<5x!tpu.dma_semaphore, #tpu.memory_space<semaphore_mem>> -> memref<1x!tpu.dma_semaphore, #tpu.memory_space<semaphore_mem>>
      %dma_wait3A_819 = tpu.memref_squeeze %dma_wait3A_818 : memref<1x!tpu.dma_semaphore, #tpu.memory_space<semaphore_mem>> -> memref<!tpu.dma_semaphore, #tpu.memory_space<semaphore_mem>>
      tpu.wait_indirect_dma semaphore(%dma_wait3A_819 : memref<!tpu.dma_semaphore, #tpu.memory_space<semaphore_mem>>) src(%dma_wait3A_817 : memref<100000x128xf32, #tpu.memory_space<hbm>>) dst(%dma_wait3A_811 : memref<64x128xf32, #tpu.memory_space<vmem>>)
      %ge3A_820 = arith.constant 1 : i32
      %ge3A_821 = arith.cmpi sge, %scan3A_229, %ge3A_820 : i32
      %convert_element_type3A_822 = arith.extui %ge3A_821 : i1 to i32
      %cond3A_823 = arith.constant 0 : i32
      %cond3A_824 = arith.cmpi ne, %convert_element_type3A_822, %cond3A_823 : i32
      scf.if %cond3A_824 {
        %dma_wait3A_893 = arith.constant 4 : i32
        %dma_wait3A_894 = arith.constant 0 : i32
        %dma_wait3A_895 = arith.constant 4 : i32
        %dma_wait3A_896 = arith.constant 0 : i32
        %dma_wait3A_897 = arith.constant 0 : i32
        %dma_wait3A_898 = tpu.memref_slice %arg9[%dma_wait3A_893, %dma_wait3A_896, %dma_wait3A_897] : memref<5x64x128xf32, #tpu.memory_space<vmem>> -> memref<1x64x128xf32, #tpu.memory_space<vmem>>
        %dma_wait3A_899 = tpu.memref_squeeze %dma_wait3A_898 : memref<1x64x128xf32, #tpu.memory_space<vmem>> -> memref<64x128xf32, #tpu.memory_space<vmem>>
        %dma_wait3A_900 = arith.constant 0 : i32
        %dma_wait3A_901 = arith.constant 0 : i32
        %dma_wait3A_902 = tpu.memref_slice %arg5[%dma_wait3A_900, %dma_wait3A_894, %dma_wait3A_901] : memref<1024x200x128xf32, #tpu.memory_space<hbm>> -> memref<64x1x128xf32, #tpu.memory_space<hbm>>
        %dma_wait3A_903 = tpu.memref_squeeze %dma_wait3A_902 : memref<64x1x128xf32, #tpu.memory_space<hbm>> -> memref<64x128xf32, #tpu.memory_space<hbm>>
        %dma_wait3A_904 = tpu.memref_slice %arg11[%dma_wait3A_895] : memref<5x!tpu.dma_semaphore, #tpu.memory_space<semaphore_mem>> -> memref<1x!tpu.dma_semaphore, #tpu.memory_space<semaphore_mem>>
        %dma_wait3A_905 = tpu.memref_squeeze %dma_wait3A_904 : memref<1x!tpu.dma_semaphore, #tpu.memory_space<semaphore_mem>> -> memref<!tpu.dma_semaphore, #tpu.memory_space<semaphore_mem>>
        %dma_wait3A_906 = arith.constant 0 : i32
        %dma_wait3A_907 = arith.constant 0 : i32
        %dma_wait3A_908 = tpu.memref_slice %arg5[%dma_wait3A_906, %dma_wait3A_894, %dma_wait3A_907] : memref<1024x200x128xf32, #tpu.memory_space<hbm>> -> memref<64x1x128xf32, #tpu.memory_space<hbm>>
        %dma_wait3A_909 = tpu.memref_squeeze %dma_wait3A_908 : memref<64x1x128xf32, #tpu.memory_space<hbm>> -> memref<64x128xf32, #tpu.memory_space<hbm>>
        %dma_wait3A_910 = arith.constant 0 : i32
        %dma_wait3A_911 = arith.constant 0 : i32
        %dma_wait3A_912 = tpu.memref_slice %arg9[%dma_wait3A_893, %dma_wait3A_910, %dma_wait3A_911] : memref<5x64x128xf32, #tpu.memory_space<vmem>> -> memref<1x64x128xf32, #tpu.memory_space<vmem>>
        %dma_wait3A_913 = tpu.memref_squeeze %dma_wait3A_912 : memref<1x64x128xf32, #tpu.memory_space<vmem>> -> memref<64x128xf32, #tpu.memory_space<vmem>>
        tpu.wait_dma2 semaphore(%dma_wait3A_905 : memref<!tpu.dma_semaphore, #tpu.memory_space<semaphore_mem>>) src(%dma_wait3A_913 : memref<64x128xf32, #tpu.memory_space<vmem>>) dst(%dma_wait3A_909 : memref<64x128xf32, #tpu.memory_space<hbm>>)
      } else {
      }
      %sub3A_825 = arith.subi %select_n3A_787, %multiple_of3A : i32
      %get3A_826 = arith.index_cast %sub3A_825 : i32 to index
      %get3A_827 = arith.constant 0 : index
      %get3A_828 = tpu.vector_load %arg6[%get3A_826, %get3A_827] {strides = array<i32>} : memref<16x128xf32, #tpu.memory_space<vmem>>, vector<1x16xf32>,
      %get3A_829 = vector.shape_cast %get3A_828 : vector<1x16xf32> to vector<16xf32>
      %sub3A_830 = arith.subi %select_n3A_787, %multiple_of3A : i32
      %get3A_831 = arith.index_cast %sub3A_830 : i32 to index
      %get3A_832 = arith.constant 16 : index
      %get3A_833 = tpu.vector_load %arg6[%get3A_831, %get3A_832] {strides = array<i32>} : memref<16x128xf32, #tpu.memory_space<vmem>>, vector<1x16xf32>,
      %get3A_834 = vector.shape_cast %get3A_833 : vector<1x16xf32> to vector<16xf32>
      %sub3A_835 = arith.subi %select_n3A_787, %multiple_of3A : i32
      %get3A_836 = arith.index_cast %sub3A_835 : i32 to index
      %get3A_837 = arith.constant 32 : index
      %get3A_838 = tpu.vector_load %arg6[%get3A_836, %get3A_837] {strides = array<i32>} : memref<16x128xf32, #tpu.memory_space<vmem>>, vector<1x16xf32>,
      %get3A_839 = vector.shape_cast %get3A_838 : vector<1x16xf32> to vector<16xf32>
      %sub3A_840 = arith.subi %select_n3A_787, %multiple_of3A : i32
      %get3A_841 = arith.index_cast %sub3A_840 : i32 to index
      %get3A_842 = arith.constant 48 : index
      %get3A_843 = tpu.vector_load %arg6[%get3A_841, %get3A_842] {strides = array<i32>} : memref<16x128xf32, #tpu.memory_space<vmem>>, vector<1x16xf32>,
      %get3A_844 = vector.shape_cast %get3A_843 : vector<1x16xf32> to vector<16xf32>
      %sub3A_845 = arith.subi %select_n3A_787, %multiple_of3A : i32
      %get3A_846 = arith.index_cast %sub3A_845 : i32 to index
      %get3A_847 = arith.constant 64 : index
      %get3A_848 = tpu.vector_load %arg6[%get3A_846, %get3A_847] {strides = array<i32>} : memref<16x128xf32, #tpu.memory_space<vmem>>, vector<1x16xf32>,
      %get3A_849 = vector.shape_cast %get3A_848 : vector<1x16xf32> to vector<16xf32>
      %sub3A_850 = arith.subi %select_n3A_787, %multiple_of3A : i32
      %get3A_851 = arith.index_cast %sub3A_850 : i32 to index
      %get3A_852 = arith.constant 80 : index
      %get3A_853 = tpu.vector_load %arg6[%get3A_851, %get3A_852] {strides = array<i32>} : memref<16x128xf32, #tpu.memory_space<vmem>>, vector<1x16xf32>,
      %get3A_854 = vector.shape_cast %get3A_853 : vector<1x16xf32> to vector<16xf32>
      %sub3A_855 = arith.subi %select_n3A_787, %multiple_of3A : i32
      %get3A_856 = arith.index_cast %sub3A_855 : i32 to index
      %get3A_857 = arith.constant 96 : index
      %get3A_858 = tpu.vector_load %arg6[%get3A_856, %get3A_857] {strides = array<i32>} : memref<16x128xf32, #tpu.memory_space<vmem>>, vector<1x16xf32>,
      %get3A_859 = vector.shape_cast %get3A_858 : vector<1x16xf32> to vector<16xf32>
      %sub3A_860 = arith.subi %select_n3A_787, %multiple_of3A : i32
      %get3A_861 = arith.index_cast %sub3A_860 : i32 to index
      %get3A_862 = arith.constant 112 : index
      %get3A_863 = tpu.vector_load %arg6[%get3A_861, %get3A_862] {strides = array<i32>} : memref<16x128xf32, #tpu.memory_space<vmem>>, vector<1x16xf32>,
      %get3A_864 = vector.shape_cast %get3A_863 : vector<1x16xf32> to vector<16xf32>
      %parallel_loop3A_865 = arith.constant 0 : i32
      %parallel_loop3A_866 = arith.constant 64 : i32
      %parallel_loop3A_867 = arith.constant 1 : i32
      scf.for %parallel_loop3A_893 = %parallel_loop3A_865 to %parallel_loop3A_866 step %parallel_loop3A_867  : i32 {
        %parallel_loop3A_894 = arith.constant 4 : i32
        %parallel_loop3A_895 = arith.index_cast %parallel_loop3A_894 : i32 to index
        %parallel_loop3A_896 = arith.index_cast %parallel_loop3A_893 : i32 to index
        %parallel_loop3A_897 = arith.constant 0 : index
        %parallel_loop3A_898 = tpu.vector_load %arg8[%parallel_loop3A_895, %parallel_loop3A_896, %parallel_loop3A_897] {strides = array<i32>} : memref<5x64x128xf32, #tpu.memory_space<vmem>>, vector<1x1x16xf32>,
        %parallel_loop3A_899 = vector.shape_cast %parallel_loop3A_898 : vector<1x1x16xf32> to vector<16xf32>
        %parallel_loop3A_900 = arith.addf %parallel_loop3A_899, %get3A_829 : vector<16xf32>
        %parallel_loop3A_901 = arith.constant 4 : i32
        %parallel_loop3A_902 = arith.index_cast %parallel_loop3A_901 : i32 to index
        %parallel_loop3A_903 = arith.index_cast %parallel_loop3A_893 : i32 to index
        %parallel_loop3A_904 = arith.constant 0 : index
        %parallel_loop3A_905 = tpu.vector_load %arg9[%parallel_loop3A_902, %parallel_loop3A_903, %parallel_loop3A_904] {strides = array<i32>} : memref<5x64x128xf32, #tpu.memory_space<vmem>>, vector<1x1x16xf32>,
        %parallel_loop3A_906 = vector.shape_cast %parallel_loop3A_905 : vector<1x1x16xf32> to vector<16xf32>
        %parallel_loop3A_907 = vector.shape_cast %parallel_loop3A_900 : vector<16xf32> to vector<1x1x16xf32>
        tpu.vector_store %arg9[%parallel_loop3A_902, %parallel_loop3A_903, %parallel_loop3A_904], %parallel_loop3A_907 {strides = array<i32>} : memref<5x64x128xf32, #tpu.memory_space<vmem>>, vector<1x1x16xf32>,
        %parallel_loop3A_908 = arith.constant 4 : i32
        %parallel_loop3A_909 = arith.index_cast %parallel_loop3A_908 : i32 to index
        %parallel_loop3A_910 = arith.index_cast %parallel_loop3A_893 : i32 to index
        %parallel_loop3A_911 = arith.constant 16 : index
        %parallel_loop3A_912 = tpu.vector_load %arg8[%parallel_loop3A_909, %parallel_loop3A_910, %parallel_loop3A_911] {strides = array<i32>} : memref<5x64x128xf32, #tpu.memory_space<vmem>>, vector<1x1x16xf32>,
        %parallel_loop3A_913 = vector.shape_cast %parallel_loop3A_912 : vector<1x1x16xf32> to vector<16xf32>
        %parallel_loop3A_914 = arith.addf %parallel_loop3A_913, %get3A_834 : vector<16xf32>
        %parallel_loop3A_915 = arith.constant 4 : i32
        %parallel_loop3A_916 = arith.index_cast %parallel_loop3A_915 : i32 to index
        %parallel_loop3A_917 = arith.index_cast %parallel_loop3A_893 : i32 to index
        %parallel_loop3A_918 = arith.constant 16 : index
        %parallel_loop3A_919 = tpu.vector_load %arg9[%parallel_loop3A_916, %parallel_loop3A_917, %parallel_loop3A_918] {strides = array<i32>} : memref<5x64x128xf32, #tpu.memory_space<vmem>>, vector<1x1x16xf32>,
        %parallel_loop3A_920 = vector.shape_cast %parallel_loop3A_919 : vector<1x1x16xf32> to vector<16xf32>
        %parallel_loop3A_921 = vector.shape_cast %parallel_loop3A_914 : vector<16xf32> to vector<1x1x16xf32>
        tpu.vector_store %arg9[%parallel_loop3A_916, %parallel_loop3A_917, %parallel_loop3A_918], %parallel_loop3A_921 {strides = array<i32>} : memref<5x64x128xf32, #tpu.memory_space<vmem>>, vector<1x1x16xf32>,
        %parallel_loop3A_922 = arith.constant 4 : i32
        %parallel_loop3A_923 = arith.index_cast %parallel_loop3A_922 : i32 to index
        %parallel_loop3A_924 = arith.index_cast %parallel_loop3A_893 : i32 to index
        %parallel_loop3A_925 = arith.constant 32 : index
        %parallel_loop3A_926 = tpu.vector_load %arg8[%parallel_loop3A_923, %parallel_loop3A_924, %parallel_loop3A_925] {strides = array<i32>} : memref<5x64x128xf32, #tpu.memory_space<vmem>>, vector<1x1x16xf32>,
        %parallel_loop3A_927 = vector.shape_cast %parallel_loop3A_926 : vector<1x1x16xf32> to vector<16xf32>
        %parallel_loop3A_928 = arith.addf %parallel_loop3A_927, %get3A_839 : vector<16xf32>
        %parallel_loop3A_929 = arith.constant 4 : i32
        %parallel_loop3A_930 = arith.index_cast %parallel_loop3A_929 : i32 to index
        %parallel_loop3A_931 = arith.index_cast %parallel_loop3A_893 : i32 to index
        %parallel_loop3A_932 = arith.constant 32 : index
        %parallel_loop3A_933 = tpu.vector_load %arg9[%parallel_loop3A_930, %parallel_loop3A_931, %parallel_loop3A_932] {strides = array<i32>} : memref<5x64x128xf32, #tpu.memory_space<vmem>>, vector<1x1x16xf32>,
        %parallel_loop3A_934 = vector.shape_cast %parallel_loop3A_933 : vector<1x1x16xf32> to vector<16xf32>
        %parallel_loop3A_935 = vector.shape_cast %parallel_loop3A_928 : vector<16xf32> to vector<1x1x16xf32>
        tpu.vector_store %arg9[%parallel_loop3A_930, %parallel_loop3A_931, %parallel_loop3A_932], %parallel_loop3A_935 {strides = array<i32>} : memref<5x64x128xf32, #tpu.memory_space<vmem>>, vector<1x1x16xf32>,
        %parallel_loop3A_936 = arith.constant 4 : i32
        %parallel_loop3A_937 = arith.index_cast %parallel_loop3A_936 : i32 to index
        %parallel_loop3A_938 = arith.index_cast %parallel_loop3A_893 : i32 to index
        %parallel_loop3A_939 = arith.constant 48 : index
        %parallel_loop3A_940 = tpu.vector_load %arg8[%parallel_loop3A_937, %parallel_loop3A_938, %parallel_loop3A_939] {strides = array<i32>} : memref<5x64x128xf32, #tpu.memory_space<vmem>>, vector<1x1x16xf32>,
        %parallel_loop3A_941 = vector.shape_cast %parallel_loop3A_940 : vector<1x1x16xf32> to vector<16xf32>
        %parallel_loop3A_942 = arith.addf %parallel_loop3A_941, %get3A_844 : vector<16xf32>
        %parallel_loop3A_943 = arith.constant 4 : i32
        %parallel_loop3A_944 = arith.index_cast %parallel_loop3A_943 : i32 to index
        %parallel_loop3A_945 = arith.index_cast %parallel_loop3A_893 : i32 to index
        %parallel_loop3A_946 = arith.constant 48 : index
        %parallel_loop3A_947 = tpu.vector_load %arg9[%parallel_loop3A_944, %parallel_loop3A_945, %parallel_loop3A_946] {strides = array<i32>} : memref<5x64x128xf32, #tpu.memory_space<vmem>>, vector<1x1x16xf32>,
        %parallel_loop3A_948 = vector.shape_cast %parallel_loop3A_947 : vector<1x1x16xf32> to vector<16xf32>
        %parallel_loop3A_949 = vector.shape_cast %parallel_loop3A_942 : vector<16xf32> to vector<1x1x16xf32>
        tpu.vector_store %arg9[%parallel_loop3A_944, %parallel_loop3A_945, %parallel_loop3A_946], %parallel_loop3A_949 {strides = array<i32>} : memref<5x64x128xf32, #tpu.memory_space<vmem>>, vector<1x1x16xf32>,
        %parallel_loop3A_950 = arith.constant 4 : i32
        %parallel_loop3A_951 = arith.index_cast %parallel_loop3A_950 : i32 to index
        %parallel_loop3A_952 = arith.index_cast %parallel_loop3A_893 : i32 to index
        %parallel_loop3A_953 = arith.constant 64 : index
        %parallel_loop3A_954 = tpu.vector_load %arg8[%parallel_loop3A_951, %parallel_loop3A_952, %parallel_loop3A_953] {strides = array<i32>} : memref<5x64x128xf32, #tpu.memory_space<vmem>>, vector<1x1x16xf32>,
        %parallel_loop3A_955 = vector.shape_cast %parallel_loop3A_954 : vector<1x1x16xf32> to vector<16xf32>
        %parallel_loop3A_956 = arith.addf %parallel_loop3A_955, %get3A_849 : vector<16xf32>
        %parallel_loop3A_957 = arith.constant 4 : i32
        %parallel_loop3A_958 = arith.index_cast %parallel_loop3A_957 : i32 to index
        %parallel_loop3A_959 = arith.index_cast %parallel_loop3A_893 : i32 to index
        %parallel_loop3A_960 = arith.constant 64 : index
        %parallel_loop3A_961 = tpu.vector_load %arg9[%parallel_loop3A_958, %parallel_loop3A_959, %parallel_loop3A_960] {strides = array<i32>} : memref<5x64x128xf32, #tpu.memory_space<vmem>>, vector<1x1x16xf32>,
        %parallel_loop3A_962 = vector.shape_cast %parallel_loop3A_961 : vector<1x1x16xf32> to vector<16xf32>
        %parallel_loop3A_963 = vector.shape_cast %parallel_loop3A_956 : vector<16xf32> to vector<1x1x16xf32>
        tpu.vector_store %arg9[%parallel_loop3A_958, %parallel_loop3A_959, %parallel_loop3A_960], %parallel_loop3A_963 {strides = array<i32>} : memref<5x64x128xf32, #tpu.memory_space<vmem>>, vector<1x1x16xf32>,
        %parallel_loop3A_964 = arith.constant 4 : i32
        %parallel_loop3A_965 = arith.index_cast %parallel_loop3A_964 : i32 to index
        %parallel_loop3A_966 = arith.index_cast %parallel_loop3A_893 : i32 to index
        %parallel_loop3A_967 = arith.constant 80 : index
        %parallel_loop3A_968 = tpu.vector_load %arg8[%parallel_loop3A_965, %parallel_loop3A_966, %parallel_loop3A_967] {strides = array<i32>} : memref<5x64x128xf32, #tpu.memory_space<vmem>>, vector<1x1x16xf32>,
        %parallel_loop3A_969 = vector.shape_cast %parallel_loop3A_968 : vector<1x1x16xf32> to vector<16xf32>
        %parallel_loop3A_970 = arith.addf %parallel_loop3A_969, %get3A_854 : vector<16xf32>
        %parallel_loop3A_971 = arith.constant 4 : i32
        %parallel_loop3A_972 = arith.index_cast %parallel_loop3A_971 : i32 to index
        %parallel_loop3A_973 = arith.index_cast %parallel_loop3A_893 : i32 to index
        %parallel_loop3A_974 = arith.constant 80 : index
        %parallel_loop3A_975 = tpu.vector_load %arg9[%parallel_loop3A_972, %parallel_loop3A_973, %parallel_loop3A_974] {strides = array<i32>} : memref<5x64x128xf32, #tpu.memory_space<vmem>>, vector<1x1x16xf32>,
        %parallel_loop3A_976 = vector.shape_cast %parallel_loop3A_975 : vector<1x1x16xf32> to vector<16xf32>
        %parallel_loop3A_977 = vector.shape_cast %parallel_loop3A_970 : vector<16xf32> to vector<1x1x16xf32>
        tpu.vector_store %arg9[%parallel_loop3A_972, %parallel_loop3A_973, %parallel_loop3A_974], %parallel_loop3A_977 {strides = array<i32>} : memref<5x64x128xf32, #tpu.memory_space<vmem>>, vector<1x1x16xf32>,
        %parallel_loop3A_978 = arith.constant 4 : i32
        %parallel_loop3A_979 = arith.index_cast %parallel_loop3A_978 : i32 to index
        %parallel_loop3A_980 = arith.index_cast %parallel_loop3A_893 : i32 to index
        %parallel_loop3A_981 = arith.constant 96 : index
        %parallel_loop3A_982 = tpu.vector_load %arg8[%parallel_loop3A_979, %parallel_loop3A_980, %parallel_loop3A_981] {strides = array<i32>} : memref<5x64x128xf32, #tpu.memory_space<vmem>>, vector<1x1x16xf32>,
        %parallel_loop3A_983 = vector.shape_cast %parallel_loop3A_982 : vector<1x1x16xf32> to vector<16xf32>
        %parallel_loop3A_984 = arith.addf %parallel_loop3A_983, %get3A_859 : vector<16xf32>
        %parallel_loop3A_985 = arith.constant 4 : i32
        %parallel_loop3A_986 = arith.index_cast %parallel_loop3A_985 : i32 to index
        %parallel_loop3A_987 = arith.index_cast %parallel_loop3A_893 : i32 to index
        %parallel_loop3A_988 = arith.constant 96 : index
        %parallel_loop3A_989 = tpu.vector_load %arg9[%parallel_loop3A_986, %parallel_loop3A_987, %parallel_loop3A_988] {strides = array<i32>} : memref<5x64x128xf32, #tpu.memory_space<vmem>>, vector<1x1x16xf32>,
        %parallel_loop3A_990 = vector.shape_cast %parallel_loop3A_989 : vector<1x1x16xf32> to vector<16xf32>
        %parallel_loop3A_991 = vector.shape_cast %parallel_loop3A_984 : vector<16xf32> to vector<1x1x16xf32>
        tpu.vector_store %arg9[%parallel_loop3A_986, %parallel_loop3A_987, %parallel_loop3A_988], %parallel_loop3A_991 {strides = array<i32>} : memref<5x64x128xf32, #tpu.memory_space<vmem>>, vector<1x1x16xf32>,
        %parallel_loop3A_992 = arith.constant 4 : i32
        %parallel_loop3A_993 = arith.index_cast %parallel_loop3A_992 : i32 to index
        %parallel_loop3A_994 = arith.index_cast %parallel_loop3A_893 : i32 to index
        %parallel_loop3A_995 = arith.constant 112 : index
        %parallel_loop3A_996 = tpu.vector_load %arg8[%parallel_loop3A_993, %parallel_loop3A_994, %parallel_loop3A_995] {strides = array<i32>} : memref<5x64x128xf32, #tpu.memory_space<vmem>>, vector<1x1x16xf32>,
        %parallel_loop3A_997 = vector.shape_cast %parallel_loop3A_996 : vector<1x1x16xf32> to vector<16xf32>
        %parallel_loop3A_998 = arith.addf %parallel_loop3A_997, %get3A_864 : vector<16xf32>
        %parallel_loop3A_999 = arith.constant 4 : i32
        %parallel_loop3A_1000 = arith.index_cast %parallel_loop3A_999 : i32 to index
        %parallel_loop3A_1001 = arith.index_cast %parallel_loop3A_893 : i32 to index
        %parallel_loop3A_1002 = arith.constant 112 : index
        %parallel_loop3A_1003 = tpu.vector_load %arg9[%parallel_loop3A_1000, %parallel_loop3A_1001, %parallel_loop3A_1002] {strides = array<i32>} : memref<5x64x128xf32, #tpu.memory_space<vmem>>, vector<1x1x16xf32>,
        %parallel_loop3A_1004 = vector.shape_cast %parallel_loop3A_1003 : vector<1x1x16xf32> to vector<16xf32>
        %parallel_loop3A_1005 = vector.shape_cast %parallel_loop3A_998 : vector<16xf32> to vector<1x1x16xf32>
        tpu.vector_store %arg9[%parallel_loop3A_1000, %parallel_loop3A_1001, %parallel_loop3A_1002], %parallel_loop3A_1005 {strides = array<i32>} : memref<5x64x128xf32, #tpu.memory_space<vmem>>, vector<1x1x16xf32>,
      } {sc.loop_unroll_factor = 4 : i64, sc.parallel_access}
      %dma_start3A_868 = arith.constant 4 : i32
      %dma_start3A_869 = arith.constant 4 : i32
      %dma_start3A_870 = arith.constant 0 : i32
      %dma_start3A_871 = arith.constant 0 : i32
      %dma_start3A_872 = tpu.memref_slice %arg9[%dma_start3A_868, %dma_start3A_870, %dma_start3A_871] : memref<5x64x128xf32, #tpu.memory_space<vmem>> -> memref<1x64x128xf32, #tpu.memory_space<vmem>>
      %dma_start3A_873 = tpu.memref_squeeze %dma_start3A_872 : memref<1x64x128xf32, #tpu.memory_space<vmem>> -> memref<64x128xf32, #tpu.memory_space<vmem>>
      %dma_start3A_874 = arith.constant 0 : i32
      %dma_start3A_875 = tpu.memref_slice %arg5[%mul3A_805, %select_n3A_787, %dma_start3A_874] : memref<1024x200x128xf32, #tpu.memory_space<hbm>> -> memref<64x1x128xf32, #tpu.memory_space<hbm>>
      %dma_start3A_876 = tpu.memref_squeeze %dma_start3A_875 : memref<64x1x128xf32, #tpu.memory_space<hbm>> -> memref<64x128xf32, #tpu.memory_space<hbm>>
      %dma_start3A_877 = tpu.memref_slice %arg11[%dma_start3A_869] : memref<5x!tpu.dma_semaphore, #tpu.memory_space<semaphore_mem>> -> memref<1x!tpu.dma_semaphore, #tpu.memory_space<semaphore_mem>>
      %dma_start3A_878 = tpu.memref_squeeze %dma_start3A_877 : memref<1x!tpu.dma_semaphore, #tpu.memory_space<semaphore_mem>> -> memref<!tpu.dma_semaphore, #tpu.memory_space<semaphore_mem>>
      %dma_start3A_879 = arith.constant 0 : i32
      %dma_start3A_880 = tpu.memref_slice %arg5[%mul3A_805, %select_n3A_787, %dma_start3A_879] : memref<1024x200x128xf32, #tpu.memory_space<hbm>> -> memref<64x1x128xf32, #tpu.memory_space<hbm>>
      %dma_start3A_881 = tpu.memref_squeeze %dma_start3A_880 : memref<64x1x128xf32, #tpu.memory_space<hbm>> -> memref<64x128xf32, #tpu.memory_space<hbm>>
      %dma_start3A_882 = arith.constant 0 : i32
      %dma_start3A_883 = arith.constant 0 : i32
      %dma_start3A_884 = tpu.memref_slice %arg9[%dma_start3A_868, %dma_start3A_882, %dma_start3A_883] : memref<5x64x128xf32, #tpu.memory_space<vmem>> -> memref<1x64x128xf32, #tpu.memory_space<vmem>>
      %dma_start3A_885 = tpu.memref_squeeze %dma_start3A_884 : memref<1x64x128xf32, #tpu.memory_space<vmem>> -> memref<64x128xf32, #tpu.memory_space<vmem>>
      tpu.enqueue_dma source(%dma_start3A_885 : memref<64x128xf32, #tpu.memory_space<vmem>>) target(%dma_start3A_881 : memref<64x128xf32, #tpu.memory_space<hbm>>) target_semaphore(%dma_start3A_878 : memref<!tpu.dma_semaphore, #tpu.memory_space<semaphore_mem>>)
      %add3A_886 = arith.constant 5 : i32
      %add3A_887 = arith.addi %add3A_762, %add3A_886 : i32
      %lt3A_888 = arith.constant 100 : i32
      %lt3A_889 = arith.cmpi slt, %add3A_887, %lt3A_888 : i32
      %convert_element_type3A_890 = arith.extui %lt3A_889 : i1 to i32
      %cond3A_891 = arith.constant 0 : i32
      %cond3A_892 = arith.cmpi ne, %convert_element_type3A_890, %cond3A_891 : i32
      scf.if %cond3A_892 {
        %add3A_893 = arith.constant 5 : i32
        %add3A_894 = arith.addi %add3A_762, %add3A_893 : i32
        %dma_start3A_895 = arith.constant 4 : i32
        %dma_start3A_896 = arith.constant 4 : i32
        %dma_start3A_897 = arith.constant 0 : i32
        %dma_start3A_898 = arith.constant 0 : i32
        %dma_start3A_899 = tpu.memref_slice %arg8[%dma_start3A_895, %dma_start3A_897, %dma_start3A_898] : memref<5x64x128xf32, #tpu.memory_space<vmem>> -> memref<1x64x128xf32, #tpu.memory_space<vmem>>
        %dma_start3A_900 = tpu.memref_squeeze %dma_start3A_899 : memref<1x64x128xf32, #tpu.memory_space<vmem>> -> memref<64x128xf32, #tpu.memory_space<vmem>>
        %dma_start3A_901 = arith.constant 0 : i32
        %dma_start3A_902 = tpu.memref_slice %arg7[%add3A_894, %dma_start3A_901] : memref<100x64xi32, #tpu.memory_space<vmem>> -> memref<1x64xi32, #tpu.memory_space<vmem>>
        %dma_start3A_903 = tpu.memref_squeeze %dma_start3A_902 : memref<1x64xi32, #tpu.memory_space<vmem>> -> memref<64xi32, #tpu.memory_space<vmem>>
        %dma_start3A_904 = arith.constant 0 : i32
        %dma_start3A_905 = arith.constant 0 : i32
        %dma_start3A_906 = tpu.memref_slice %arg3[%dma_start3A_904, %dma_start3A_905] : memref<100000x128xf32, #tpu.memory_space<hbm>> -> memref<100000x128xf32, #tpu.memory_space<hbm>>
        %dma_start3A_907 = tpu.memref_slice %arg10[%dma_start3A_896] : memref<5x!tpu.dma_semaphore, #tpu.memory_space<semaphore_mem>> -> memref<1x!tpu.dma_semaphore, #tpu.memory_space<semaphore_mem>>
        %dma_start3A_908 = tpu.memref_squeeze %dma_start3A_907 : memref<1x!tpu.dma_semaphore, #tpu.memory_space<semaphore_mem>> -> memref<!tpu.dma_semaphore, #tpu.memory_space<semaphore_mem>>
        tpu.enqueue_indirect_dma source(%dma_start3A_906 : memref<100000x128xf32, #tpu.memory_space<hbm>>) target(%dma_start3A_900 : memref<64x128xf32, #tpu.memory_space<vmem>>) offsets(%dma_start3A_903 : memref<64xi32, #tpu.memory_space<vmem>>) semaphore(%dma_start3A_908 : memref<!tpu.dma_semaphore, #tpu.memory_space<semaphore_mem>>)
      } else {
      }
    }
    %scan3A_124 = arith.constant 20 : i32
    %dma_wait3A = arith.constant 0 : i32
    %dma_wait3A_125 = arith.constant 0 : i32
    %dma_wait3A_126 = arith.constant 0 : i32
    %dma_wait3A_127 = arith.constant 0 : i32
    %dma_wait3A_128 = arith.constant 0 : i32
    %dma_wait3A_129 = tpu.memref_slice %arg9[%dma_wait3A, %dma_wait3A_127, %dma_wait3A_128] : memref<5x64x128xf32, #tpu.memory_space<vmem>> -> memref<1x64x128xf32, #tpu.memory_space<vmem>>
    %dma_wait3A_130 = tpu.memref_squeeze %dma_wait3A_129 : memref<1x64x128xf32, #tpu.memory_space<vmem>> -> memref<64x128xf32, #tpu.memory_space<vmem>>
    %dma_wait3A_131 = arith.constant 0 : i32
    %dma_wait3A_132 = arith.constant 0 : i32
    %dma_wait3A_133 = tpu.memref_slice %arg5[%dma_wait3A_131, %dma_wait3A_125, %dma_wait3A_132] : memref<1024x200x128xf32, #tpu.memory_space<hbm>> -> memref<64x1x128xf32, #tpu.memory_space<hbm>>
    %dma_wait3A_134 = tpu.memref_squeeze %dma_wait3A_133 : memref<64x1x128xf32, #tpu.memory_space<hbm>> -> memref<64x128xf32, #tpu.memory_space<hbm>>
    %dma_wait3A_135 = tpu.memref_slice %arg11[%dma_wait3A_126] : memref<5x!tpu.dma_semaphore, #tpu.memory_space<semaphore_mem>> -> memref<1x!tpu.dma_semaphore, #tpu.memory_space<semaphore_mem>>
    %dma_wait3A_136 = tpu.memref_squeeze %dma_wait3A_135 : memref<1x!tpu.dma_semaphore, #tpu.memory_space<semaphore_mem>> -> memref<!tpu.dma_semaphore, #tpu.memory_space<semaphore_mem>>
    %dma_wait3A_137 = arith.constant 0 : i32
    %dma_wait3A_138 = arith.constant 0 : i32
    %dma_wait3A_139 = tpu.memref_slice %arg5[%dma_wait3A_137, %dma_wait3A_125, %dma_wait3A_138] : memref<1024x200x128xf32, #tpu.memory_space<hbm>> -> memref<64x1x128xf32, #tpu.memory_space<hbm>>
    %dma_wait3A_140 = tpu.memref_squeeze %dma_wait3A_139 : memref<64x1x128xf32, #tpu.memory_space<hbm>> -> memref<64x128xf32, #tpu.memory_space<hbm>>
    %dma_wait3A_141 = arith.constant 0 : i32
    %dma_wait3A_142 = arith.constant 0 : i32
    %dma_wait3A_143 = tpu.memref_slice %arg9[%dma_wait3A, %dma_wait3A_141, %dma_wait3A_142] : memref<5x64x128xf32, #tpu.memory_space<vmem>> -> memref<1x64x128xf32, #tpu.memory_space<vmem>>
    %dma_wait3A_144 = tpu.memref_squeeze %dma_wait3A_143 : memref<1x64x128xf32, #tpu.memory_space<vmem>> -> memref<64x128xf32, #tpu.memory_space<vmem>>
    tpu.wait_dma2 semaphore(%dma_wait3A_136 : memref<!tpu.dma_semaphore, #tpu.memory_space<semaphore_mem>>) src(%dma_wait3A_144 : memref<64x128xf32, #tpu.memory_space<vmem>>) dst(%dma_wait3A_140 : memref<64x128xf32, #tpu.memory_space<hbm>>)
    %dma_wait3A_145 = arith.constant 1 : i32
    %dma_wait3A_146 = arith.constant 0 : i32
    %dma_wait3A_147 = arith.constant 1 : i32
    %dma_wait3A_148 = arith.constant 0 : i32
    %dma_wait3A_149 = arith.constant 0 : i32
    %dma_wait3A_150 = tpu.memref_slice %arg9[%dma_wait3A_145, %dma_wait3A_148, %dma_wait3A_149] : memref<5x64x128xf32, #tpu.memory_space<vmem>> -> memref<1x64x128xf32, #tpu.memory_space<vmem>>
    %dma_wait3A_151 = tpu.memref_squeeze %dma_wait3A_150 : memref<1x64x128xf32, #tpu.memory_space<vmem>> -> memref<64x128xf32, #tpu.memory_space<vmem>>
    %dma_wait3A_152 = arith.constant 0 : i32
    %dma_wait3A_153 = arith.constant 0 : i32
    %dma_wait3A_154 = tpu.memref_slice %arg5[%dma_wait3A_152, %dma_wait3A_146, %dma_wait3A_153] : memref<1024x200x128xf32, #tpu.memory_space<hbm>> -> memref<64x1x128xf32, #tpu.memory_space<hbm>>
    %dma_wait3A_155 = tpu.memref_squeeze %dma_wait3A_154 : memref<64x1x128xf32, #tpu.memory_space<hbm>> -> memref<64x128xf32, #tpu.memory_space<hbm>>
    %dma_wait3A_156 = tpu.memref_slice %arg11[%dma_wait3A_147] : memref<5x!tpu.dma_semaphore, #tpu.memory_space<semaphore_mem>> -> memref<1x!tpu.dma_semaphore, #tpu.memory_space<semaphore_mem>>
    %dma_wait3A_157 = tpu.memref_squeeze %dma_wait3A_156 : memref<1x!tpu.dma_semaphore, #tpu.memory_space<semaphore_mem>> -> memref<!tpu.dma_semaphore, #tpu.memory_space<semaphore_mem>>
    %dma_wait3A_158 = arith.constant 0 : i32
    %dma_wait3A_159 = arith.constant 0 : i32
    %dma_wait3A_160 = tpu.memref_slice %arg5[%dma_wait3A_158, %dma_wait3A_146, %dma_wait3A_159] : memref<1024x200x128xf32, #tpu.memory_space<hbm>> -> memref<64x1x128xf32, #tpu.memory_space<hbm>>
    %dma_wait3A_161 = tpu.memref_squeeze %dma_wait3A_160 : memref<64x1x128xf32, #tpu.memory_space<hbm>> -> memref<64x128xf32, #tpu.memory_space<hbm>>
    %dma_wait3A_162 = arith.constant 0 : i32
    %dma_wait3A_163 = arith.constant 0 : i32
    %dma_wait3A_164 = tpu.memref_slice %arg9[%dma_wait3A_145, %dma_wait3A_162, %dma_wait3A_163] : memref<5x64x128xf32, #tpu.memory_space<vmem>> -> memref<1x64x128xf32, #tpu.memory_space<vmem>>
    %dma_wait3A_165 = tpu.memref_squeeze %dma_wait3A_164 : memref<1x64x128xf32, #tpu.memory_space<vmem>> -> memref<64x128xf32, #tpu.memory_space<vmem>>
    tpu.wait_dma2 semaphore(%dma_wait3A_157 : memref<!tpu.dma_semaphore, #tpu.memory_space<semaphore_mem>>) src(%dma_wait3A_165 : memref<64x128xf32, #tpu.memory_space<vmem>>) dst(%dma_wait3A_161 : memref<64x128xf32, #tpu.memory_space<hbm>>)
    %dma_wait3A_166 = arith.constant 2 : i32
    %dma_wait3A_167 = arith.constant 0 : i32
    %dma_wait3A_168 = arith.constant 2 : i32
    %dma_wait3A_169 = arith.constant 0 : i32
    %dma_wait3A_170 = arith.constant 0 : i32
    %dma_wait3A_171 = tpu.memref_slice %arg9[%dma_wait3A_166, %dma_wait3A_169, %dma_wait3A_170] : memref<5x64x128xf32, #tpu.memory_space<vmem>> -> memref<1x64x128xf32, #tpu.memory_space<vmem>>
    %dma_wait3A_172 = tpu.memref_squeeze %dma_wait3A_171 : memref<1x64x128xf32, #tpu.memory_space<vmem>> -> memref<64x128xf32, #tpu.memory_space<vmem>>
    %dma_wait3A_173 = arith.constant 0 : i32
    %dma_wait3A_174 = arith.constant 0 : i32
    %dma_wait3A_175 = tpu.memref_slice %arg5[%dma_wait3A_173, %dma_wait3A_167, %dma_wait3A_174] : memref<1024x200x128xf32, #tpu.memory_space<hbm>> -> memref<64x1x128xf32, #tpu.memory_space<hbm>>
    %dma_wait3A_176 = tpu.memref_squeeze %dma_wait3A_175 : memref<64x1x128xf32, #tpu.memory_space<hbm>> -> memref<64x128xf32, #tpu.memory_space<hbm>>
    %dma_wait3A_177 = tpu.memref_slice %arg11[%dma_wait3A_168] : memref<5x!tpu.dma_semaphore, #tpu.memory_space<semaphore_mem>> -> memref<1x!tpu.dma_semaphore, #tpu.memory_space<semaphore_mem>>
    %dma_wait3A_178 = tpu.memref_squeeze %dma_wait3A_177 : memref<1x!tpu.dma_semaphore, #tpu.memory_space<semaphore_mem>> -> memref<!tpu.dma_semaphore, #tpu.memory_space<semaphore_mem>>
    %dma_wait3A_179 = arith.constant 0 : i32
    %dma_wait3A_180 = arith.constant 0 : i32
    %dma_wait3A_181 = tpu.memref_slice %arg5[%dma_wait3A_179, %dma_wait3A_167, %dma_wait3A_180] : memref<1024x200x128xf32, #tpu.memory_space<hbm>> -> memref<64x1x128xf32, #tpu.memory_space<hbm>>
    %dma_wait3A_182 = tpu.memref_squeeze %dma_wait3A_181 : memref<64x1x128xf32, #tpu.memory_space<hbm>> -> memref<64x128xf32, #tpu.memory_space<hbm>>
    %dma_wait3A_183 = arith.constant 0 : i32
    %dma_wait3A_184 = arith.constant 0 : i32
    %dma_wait3A_185 = tpu.memref_slice %arg9[%dma_wait3A_166, %dma_wait3A_183, %dma_wait3A_184] : memref<5x64x128xf32, #tpu.memory_space<vmem>> -> memref<1x64x128xf32, #tpu.memory_space<vmem>>
    %dma_wait3A_186 = tpu.memref_squeeze %dma_wait3A_185 : memref<1x64x128xf32, #tpu.memory_space<vmem>> -> memref<64x128xf32, #tpu.memory_space<vmem>>
    tpu.wait_dma2 semaphore(%dma_wait3A_178 : memref<!tpu.dma_semaphore, #tpu.memory_space<semaphore_mem>>) src(%dma_wait3A_186 : memref<64x128xf32, #tpu.memory_space<vmem>>) dst(%dma_wait3A_182 : memref<64x128xf32, #tpu.memory_space<hbm>>)
    %dma_wait3A_187 = arith.constant 3 : i32
    %dma_wait3A_188 = arith.constant 0 : i32
    %dma_wait3A_189 = arith.constant 3 : i32
    %dma_wait3A_190 = arith.constant 0 : i32
    %dma_wait3A_191 = arith.constant 0 : i32
    %dma_wait3A_192 = tpu.memref_slice %arg9[%dma_wait3A_187, %dma_wait3A_190, %dma_wait3A_191] : memref<5x64x128xf32, #tpu.memory_space<vmem>> -> memref<1x64x128xf32, #tpu.memory_space<vmem>>
    %dma_wait3A_193 = tpu.memref_squeeze %dma_wait3A_192 : memref<1x64x128xf32, #tpu.memory_space<vmem>> -> memref<64x128xf32, #tpu.memory_space<vmem>>
    %dma_wait3A_194 = arith.constant 0 : i32
    %dma_wait3A_195 = arith.constant 0 : i32
    %dma_wait3A_196 = tpu.memref_slice %arg5[%dma_wait3A_194, %dma_wait3A_188, %dma_wait3A_195] : memref<1024x200x128xf32, #tpu.memory_space<hbm>> -> memref<64x1x128xf32, #tpu.memory_space<hbm>>
    %dma_wait3A_197 = tpu.memref_squeeze %dma_wait3A_196 : memref<64x1x128xf32, #tpu.memory_space<hbm>> -> memref<64x128xf32, #tpu.memory_space<hbm>>
    %dma_wait3A_198 = tpu.memref_slice %arg11[%dma_wait3A_189] : memref<5x!tpu.dma_semaphore, #tpu.memory_space<semaphore_mem>> -> memref<1x!tpu.dma_semaphore, #tpu.memory_space<semaphore_mem>>
    %dma_wait3A_199 = tpu.memref_squeeze %dma_wait3A_198 : memref<1x!tpu.dma_semaphore, #tpu.memory_space<semaphore_mem>> -> memref<!tpu.dma_semaphore, #tpu.memory_space<semaphore_mem>>
    %dma_wait3A_200 = arith.constant 0 : i32
    %dma_wait3A_201 = arith.constant 0 : i32
    %dma_wait3A_202 = tpu.memref_slice %arg5[%dma_wait3A_200, %dma_wait3A_188, %dma_wait3A_201] : memref<1024x200x128xf32, #tpu.memory_space<hbm>> -> memref<64x1x128xf32, #tpu.memory_space<hbm>>
    %dma_wait3A_203 = tpu.memref_squeeze %dma_wait3A_202 : memref<64x1x128xf32, #tpu.memory_space<hbm>> -> memref<64x128xf32, #tpu.memory_space<hbm>>
    %dma_wait3A_204 = arith.constant 0 : i32
    %dma_wait3A_205 = arith.constant 0 : i32
    %dma_wait3A_206 = tpu.memref_slice %arg9[%dma_wait3A_187, %dma_wait3A_204, %dma_wait3A_205] : memref<5x64x128xf32, #tpu.memory_space<vmem>> -> memref<1x64x128xf32, #tpu.memory_space<vmem>>
    %dma_wait3A_207 = tpu.memref_squeeze %dma_wait3A_206 : memref<1x64x128xf32, #tpu.memory_space<vmem>> -> memref<64x128xf32, #tpu.memory_space<vmem>>
    tpu.wait_dma2 semaphore(%dma_wait3A_199 : memref<!tpu.dma_semaphore, #tpu.memory_space<semaphore_mem>>) src(%dma_wait3A_207 : memref<64x128xf32, #tpu.memory_space<vmem>>) dst(%dma_wait3A_203 : memref<64x128xf32, #tpu.memory_space<hbm>>)
    %dma_wait3A_208 = arith.constant 4 : i32
    %dma_wait3A_209 = arith.constant 0 : i32
    %dma_wait3A_210 = arith.constant 4 : i32
    %dma_wait3A_211 = arith.constant 0 : i32
    %dma_wait3A_212 = arith.constant 0 : i32
    %dma_wait3A_213 = tpu.memref_slice %arg9[%dma_wait3A_208, %dma_wait3A_211, %dma_wait3A_212] : memref<5x64x128xf32, #tpu.memory_space<vmem>> -> memref<1x64x128xf32, #tpu.memory_space<vmem>>
    %dma_wait3A_214 = tpu.memref_squeeze %dma_wait3A_213 : memref<1x64x128xf32, #tpu.memory_space<vmem>> -> memref<64x128xf32, #tpu.memory_space<vmem>>
    %dma_wait3A_215 = arith.constant 0 : i32
    %dma_wait3A_216 = arith.constant 0 : i32
    %dma_wait3A_217 = tpu.memref_slice %arg5[%dma_wait3A_215, %dma_wait3A_209, %dma_wait3A_216] : memref<1024x200x128xf32, #tpu.memory_space<hbm>> -> memref<64x1x128xf32, #tpu.memory_space<hbm>>
    %dma_wait3A_218 = tpu.memref_squeeze %dma_wait3A_217 : memref<64x1x128xf32, #tpu.memory_space<hbm>> -> memref<64x128xf32, #tpu.memory_space<hbm>>
    %dma_wait3A_219 = tpu.memref_slice %arg11[%dma_wait3A_210] : memref<5x!tpu.dma_semaphore, #tpu.memory_space<semaphore_mem>> -> memref<1x!tpu.dma_semaphore, #tpu.memory_space<semaphore_mem>>
    %dma_wait3A_220 = tpu.memref_squeeze %dma_wait3A_219 : memref<1x!tpu.dma_semaphore, #tpu.memory_space<semaphore_mem>> -> memref<!tpu.dma_semaphore, #tpu.memory_space<semaphore_mem>>
    %dma_wait3A_221 = arith.constant 0 : i32
    %dma_wait3A_222 = arith.constant 0 : i32
    %dma_wait3A_223 = tpu.memref_slice %arg5[%dma_wait3A_221, %dma_wait3A_209, %dma_wait3A_222] : memref<1024x200x128xf32, #tpu.memory_space<hbm>> -> memref<64x1x128xf32, #tpu.memory_space<hbm>>
    %dma_wait3A_224 = tpu.memref_squeeze %dma_wait3A_223 : memref<64x1x128xf32, #tpu.memory_space<hbm>> -> memref<64x128xf32, #tpu.memory_space<hbm>>
    %dma_wait3A_225 = arith.constant 0 : i32
    %dma_wait3A_226 = arith.constant 0 : i32
    %dma_wait3A_227 = tpu.memref_slice %arg9[%dma_wait3A_208, %dma_wait3A_225, %dma_wait3A_226] : memref<5x64x128xf32, #tpu.memory_space<vmem>> -> memref<1x64x128xf32, #tpu.memory_space<vmem>>
    %dma_wait3A_228 = tpu.memref_squeeze %dma_wait3A_227 : memref<1x64x128xf32, #tpu.memory_space<vmem>> -> memref<64x128xf32, #tpu.memory_space<vmem>>
    tpu.wait_dma2 semaphore(%dma_wait3A_220 : memref<!tpu.dma_semaphore, #tpu.memory_space<semaphore_mem>>) src(%dma_wait3A_228 : memref<64x128xf32, #tpu.memory_space<vmem>>) dst(%dma_wait3A_224 : memref<64x128xf32, #tpu.memory_space<hbm>>)
    return
  }
}

</mosaic_0001>

<sc_bundles>
// kernel: kernel.3.cloned.1.call-start
scs
__scs_entry_jumppad:
0x0: {  	(pc) =	sbr.rel $0x88, $3  }
0x1: {  	(tag) =	ssettag $0x0;
	lr =	simm.s32 $0x1  }
0x2: {  	[smem:$0x3F9E] =	sst lr;
	_ =	strace $0xD0000000  }
0x3: {  	_ = 	snop  }
0x4: {  	_ = 	snop  }
0x5: {  	_ = 	snop  }
0x6: {  	_ = 	snop  }
0x7: {  	_ = 	snop  }
__scs_overlays_trampoline_lowered:
0x8: {  	[smem:$0x3FAD] =	sst s0  }
0x9: {  	[smem:$0x3FAE] =	sst s1  }
0xa: {  	[smem:$0x3FAF] =	sst s2  }
0xb: {  	[smem:$0x3FB0] =	sst s3  }
0xc: {  	[smem:$0x3FB1] =	sst s4  }
0xd: {  	[smem:$0x3FB2] =	sst s5  }
0xe: {  	[smem:$0x3FB3] =	sst s6  }
0xf: {  	[smem:$0x3FB4] =	sst s7  }
0x10: {  	[smem:$0x3FB5] =	sst s8  }
0x11: {  	[smem:$0x3FB6] =	sst s9;
	s0 =	simm.s32 @!p0 $0x0  }
0x12: {  	s1 =	sld [smem:$0x3F9C];
	s0 =	simm.s32 @p0 $0x1  }
0x13: {  	[smem:$0x3FB7] =	sst s0;
	s0 =	simm.s32 @!p1 $0x0  }
0x14: {  	s2 =	sld [smem:$0x3F9B];
	s0 =	simm.s32 @p1 $0x1  }
0x15: {  	[smem:$0x3FB8] =	sst s0;
	s0 =	simm.s32 @!p2 $0x0  }
0x16: {  	s3 =	sld [smem:$0x3FDB];
	s0 =	simm.s32 @p2 $0x1  }
0x17: {  	s4 =	simm.s32 $0x1BF5;
	[smem:$0x3FBA] =	sst s0  }
0x18: {  	s0 =	sld [smem:$0x3F9D];
	_ =	swait.ge [sflag:s4], $0x0  }
0x19: {  	s7 =	sld [smem:$0x3F9E]  }
0x1a: {  	s8 =	sadd.s32 $0xFFFFE003, lr  }
0x1b: {  	s9 =	sadd.s32 $0xFFFFFEF7, lr;
	s5 =	simm.s32 $0xFFFFFFFF;
	p2 =	slt.u32 s8, $0xFFFFF086  }
0x1c: {  	p1 =	slt.u32 s9, $0xF7A;
	s5 =	simm.s32 @!p2 $0x0  }
0x1d: {  	s5 =	simm.s32 @p1 $0x1;
	p0 =	seq.s32 s7, s2  }
0x1e: {  	s7 =	smul.u32 @!p0 $0xF7A, s2;
	p2 =	seq.s32 @!p0 s5, $0x0  }
0x1f: {  	s9 =	smul.u32 $0xF7A, s1;
	s8 =	simm.s32 @!p0 $0x1BF5;
	p2 =	por !p2, p0  }
0x20: {  	[sflag:s8] =	ssyncset.s32 @!p0 $0xFFFFF086;
	s6 =	sadd.s32 @!p0 s3, s7;
	s7 =	simm.s32 @!p0 $0x108  }
0x21: {  	s3 =	sadd.s32 s3, s9;
	s6 =	sadd.s32 @!p0 $0x88, s6;
	s7 =	simm.s32 @p2 $0x1082  }
0x22: {  	[simem:s7], [sflag:s8] =	dma.local @!p0 [hbm:s6], $0xF7A  }
0x23: {  	s9 =	sor.u32 $0xD0000000, s2;
	s6 =	simm.s32 $0x108;
	_ =	swait.ge @!p0 [sflag:s8], $0x0  }
0x24: {  	s3 =	sadd.s32 $0x88, s3;
	s6 =	simm.s32 @!p1 $0x1082;
	[sflag:s4] =	ssyncset.s32 $0xFFFFF086  }
0x25: {  	[simem:s6], [sflag:s4] =	dma.local [hbm:s3], $0xF7A  }
0x26: {  	[smem:$0x3F9E] =	sst s1;
	(tag) =	ssettag s2;
	_ =	strace s9  }
0x27: {  	s1 =	sld [smem:$0x3FAE]  }
0x28: {  	s2 =	sld [smem:$0x3FAF]  }
0x29: {  	s4 =	sld [smem:$0x3FB1]  }
0x2a: {  	p0 =	seq.s32 s5, $0x0;
	s5 =	sld [smem:$0x3FB2]  }
0x2b: {  	s6 =	sld [smem:$0x3FB3]  }
0x2c: {  	s7 =	sld [smem:$0x3FB4]  }
0x2d: {  	s3 =	simm.s32 $0x108;
	s8 =	sld [smem:$0x3FB5]  }
0x2e: {  	s3 =	simm.s32 @!p0 $0x1082;
	s9 =	sld [smem:$0x3FB6]  }
0x2f: {  	lr =	sadd.s32 s0, s3;
	s0 =	sld [smem:$0x3FAD]  }
0x30: {  	s3 =	sld [smem:$0x3FB0]  }
0x31: {  	[smem:$0x3FB9] =	sst s10  }
0x32: {  	s10 =	sld [smem:$0x3FB7];
	_ =	sdelay $0x3  }
0x33: {  	p0 =	seq.s32 s10, $0x1;
	s10 =	sld [smem:$0x3FB9];
	_ =	sdelay $0x3  }
0x34: {  	[smem:$0x3FB9] =	sst s10  }
0x35: {  	s10 =	sld [smem:$0x3FB8];
	_ =	sdelay $0x3  }
0x36: {  	p1 =	seq.s32 s10, $0x1;
	s10 =	sld [smem:$0x3FB9];
	_ =	sdelay $0x3  }
0x37: {  	[smem:$0x3FB9] =	sst s10  }
0x38: {  	s10 =	sld [smem:$0x3FBA]  }
0x39: {  	_ = 	snop;
	(pc) =	sbr.ind lr, $3  }
0x3a: {  	_ = 	snop  }
0x3b: {  	_ = 	snop  }
0x3c: {  	p2 =	seq.s32 s10, $0x1;
	s10 =	sld [smem:$0x3FB9]  }
0x3d: {  	_ =	shalt  }
0x3e: {  	_ =	shalt  }
0x3f: {  	_ =	shalt  }
0x40: {  	_ =	shalt  }
0x41: {  	_ =	shalt  }
0x42: {  	_ =	shalt  }
0x43: {  	_ =	shalt  }
0x44: {  	_ =	shalt  }
0x45: {  	_ =	shalt  }
0x46: {  	_ =	shalt  }
0x47: {  	_ =	shalt  }
0x48: {  	_ =	shalt  }
0x49: {  	_ =	shalt  }
0x4a: {  	_ =	shalt  }
0x4b: {  	_ =	shalt  }
0x4c: {  	_ =	shalt  }
0x4d: {  	_ =	shalt  }
0x4e: {  	_ =	shalt  }
0x4f: {  	_ =	shalt  }
0x50: {  	_ =	shalt  }
0x51: {  	_ =	shalt  }
0x52: {  	_ =	shalt  }
0x53: {  	_ =	shalt  }
0x54: {  	_ =	shalt  }
0x55: {  	_ =	shalt  }
0x56: {  	_ =	shalt  }
0x57: {  	_ =	shalt  }
0x58: {  	_ =	shalt  }
0x59: {  	_ =	shalt  }
0x5a: {  	_ =	shalt  }
0x5b: {  	_ =	shalt  }
0x5c: {  	_ =	shalt  }
0x5d: {  	_ =	shalt  }
0x5e: {  	_ =	shalt  }
0x5f: {  	_ =	shalt  }
0x60: {  	_ =	shalt  }
0x61: {  	_ =	shalt  }
0x62: {  	_ =	shalt  }
0x63: {  	_ =	shalt  }
0x64: {  	_ =	shalt  }
0x65: {  	_ =	shalt  }
0x66: {  	_ =	shalt  }
0x67: {  	_ =	shalt  }
0x68: {  	_ =	shalt  }
0x69: {  	_ =	shalt  }
0x6a: {  	_ =	shalt  }
0x6b: {  	_ =	shalt  }
0x6c: {  	_ =	shalt  }
0x6d: {  	_ =	shalt  }
0x6e: {  	_ =	shalt  }
0x6f: {  	_ =	shalt  }
0x70: {  	_ =	shalt  }
0x71: {  	_ =	shalt  }
0x72: {  	_ =	shalt  }
0x73: {  	_ =	shalt  }
0x74: {  	_ =	shalt  }
0x75: {  	_ =	shalt  }
0x76: {  	_ =	shalt  }
0x77: {  	_ =	shalt  }
0x78: {  	_ =	shalt  }
0x79: {  	_ =	shalt  }
0x7a: {  	_ =	shalt  }
0x7b: {  	_ =	shalt  }
0x7c: {  	_ =	shalt  }
0x7d: {  	_ =	shalt  }
0x7e: {  	_ =	shalt  }
0x7f: {  	_ =	shalt  }
0x80: {  	_ =	shalt  }
0x81: {  	_ =	shalt  }
0x82: {  	_ =	shalt  }
0x83: {  	_ =	shalt  }
0x84: {  	_ =	shalt  }
0x85: {  	_ =	shalt  }
0x86: {  	_ =	shalt  }
0x87: {  	_ =	shalt  }
.Lfunc_end0:
.L_simem_size_0:
called_computation_lowered:
.L_overlay_start_0:
0x88: {  	s2 =	sld [smem:$0x3FD9]  }
0x89: {  	s3 =	sld [smem:$0x3FFE];
	_ =	sdelay $0x1  }
0x8a: {  	s1 =	srdreg.scid  }
0x8b: {  	s0 =	sand.u32 $0x1, s1  }
0x8c: {  	s17 =	sshll.u32 s0, $0xA;
	s2 =	sadd.s32 s3, s2  }
0x8d: {  	s2 =	sadd.s32 s2, s17  }
0x8e: {  	[smem:$0x3FC5] =	sst s2  }
0x8f: {  	_ = 	snop  }
0x90: {  	s2 =	sld [smem:$0x3FC8]  }
0x91: {  	s18 =	sld [smem:$0x3FC7]  }
0x92: {  	s4 =	sld [smem:$0x3FD0];
	(tm) =	ssettm $0x1  }
0x93: {  	s5 =	sld [smem:$0x3FFB];
	_ =	sdelay $0x3  }
0x94: {  	_ =	strace s5  }
0x95: {  	s5 =	sld [smem:$0x3FFC];
	_ =	sdelay $0x3  }
0x96: {  	_ =	strace s5  }
0x97: {  	s5 =	sld [smem:$0x3FFD];
	_ =	sdelay $0x3  }
0x98: {  	_ =	strace s5  }
0x99: {  	_ =	strace $0x8FFFFFFF  }
0x9a: {  	s19 =	sld [smem:$0x3FDB];
	_ =	sdelay $0x1  }
0x9b: {  	s6 =	simm.s32 $_scs_section_size  }
0x9c: {  	s7 =	simm.s32 $_size__tile_overlayer_lowered;
	s8 =	simm.s32 $_tile_overlayer_lowered  }
0x9d: {  	s22 =	simm.s32 $0x1BFF;
	s21 =	sshll.u32 s8, $0x1;
	s5 =	sadd.s32 s6, s19  }
0x9e: {  	s9 =	simm.s32 $0x0;
	s20 =	sshll.u32 s7, $0x1;
	s7 =	sadd.s32 s21, s5  }
0x9f: {  	[timem:s9], [sflag:s22] =	dma.local [hbm:s7], s20  }
0xa0: {  	_ =	swait.ge [sflag:s22], s20  }
0xa1: {  	s6 =	ssub.s32 $0x0, s20;
	[sflag:s22] =	ssyncset.done $0x0  }
0xa2: {  	[sflag:s22] =	ssyncadd.s32 s6;
	_ =	sdelay $0x1  }
0xa3: {  	s23 =	simm.s32 $0x1B8B  }
0xa4: {  	_ =	swait.ge [sflag:s23], $0x1  }
0xa5: {  	[sflag:s23] =	ssyncset.done $0x0  }
0xa6: {  	s25 =	simm.s32 $0x1B8E;
	s24 =	sld [smem:$0x3FFE];
	[sflag:s23] =	ssyncadd.s32 $0xFFFFFFFF  }
0xa7: {  	s26 =	simm.s32 $execute0_lowered;
	[smem:$0x3FD2] =	sst s25  }
0xa8: {  	s7 =	sshll.u32 s26, $0x1;
	_ =	strace $0x80000046;
	[dreg:$0x1] =	wrdreg $0xFFFFFFFF  }
0xa9: {  	s28 =	simm.s32 $_size_execute0_lowered;
	s5 =	sadd.s32 s5, s7;
	[dreg:$0x0] =	wrdreg $0x0  }
0xaa: {  	s7 =	sshll.u32 s28, $0x1;
	[dreg:$0x2] =	wrdreg s5  }
0xab: {  	[dreg:$0x3] =	wrdreg s7  }
0xac: {  	[dreg:$0x4] =	wrdreg $0xC0  }
0xad: {  	_ =	task [dreg:s9], $0x5FFFF  }
0xae: {  	[dreg:$0x1] =	wrdreg $0xFFFFFFFF  }
0xaf: {  	[dreg:$0x0] =	wrdreg $0x60  }
0xb0: {  	[dreg:$0x2] =	wrdreg s24  }
0xb1: {  	[dreg:$0x3] =	wrdreg s2  }
0xb2: {  	[dreg:$0x4] =	wrdreg s18  }
0xb3: {  	[dreg:$0x5] =	wrdreg s4  }
0xb4: {  	[dreg:$0x6] =	wrdreg $0x9  }
0xb5: {  	_ =	task.clear_ibuf [dreg:s9], $0x7FFFF;
	_ =	strace $0x90000046  }
0xb6: {  	s29 =	simm.s32 $0x9;
	_ =	strace $0x80000048  }
0xb7: {  	_ =	swait.ge [sflag:s29], $0x1  }
0xb8: {  	[sflag:s29] =	ssyncadd.s32 $0xFFFFFFFF  }
0xb9: {  	_ =	strace $0x90000048  }
0xba: {  	_ =	sfence  }
0xbb: {  	s30 =	sld [smem:$0x0];
	_ =	sdelay $0x2  }
0xbc: {  	s31 =	sshll.u32 s1, $0xD;
	s1 =	sshrl.u32 s1, $0x2  }
0xbd: {  	s3 =	sand.u32 $0x4000, s31;
	s1 =	sadd.s32 s1, s30  }
0xbe: {  	s0 =	sor.u32 s3, s0;
	s1 =	sshll.u32 s1, $0x11  }
0xbf: {  	s0 =	sor.u32 s1, s0  }
0xc0: {  	s0 =	sadd.s32 $0x8F2B, s0  }
0xc1: {  	[sflag:s0] =	ssyncadd.remote.s32 $0x1  }
0xc2: {  	_ =	sfence.sel $0xFFFF  }
0xc3: {  	[dreg:$0x0] =	wrdreg $0xFFFFFFFF;
	(pc) =	sbr.abs _section_cstart, $3  }
0xc4: {  	[dreg:$0x1] =	wrdreg $0xFFFFFFFF  }
0xc5: {  	_ =	task.clear_ibuf [dreg:s9], $0x2FFFF;
	_ =	strace $0x9FFFFFFF  }
0xc6: {  	(tm) =	ssettm $0x7FFFFFFF  }
0xc7: {  	_ =	shalt  }
tec
execute0_lowered:
.L_overlay_start_1:
0x0: {  	(tag) =	ssettag $0x1  }
0x1: {  	s0 =	rddreg [dreg:$0x0];
	s2 =	srdreg.scid  }
0x2: {  	s3 =	stileid.u32;
	s1 =	rddreg [dreg:$0x1]  }
0x3: {  	s5 =	rddreg [dreg:$0x2];
	s7 =	simm.s32 $0x0;
	s16 =	simm.s32 $0x40  }
0x4: {  	s28 =	simm.s32 $0x80;
	s29 =	simm.s32 $0x6400;
	s31 =	simm.s32 $0x2  }
0x5: {  	s17 =	simm.s32 $0x11C00;
	s18 =	simm.s32 $0x4;
	s19 =	simm.s32 $0x13C00  }
0x6: {  	s20 =	simm.s32 $0x5;
	s2 =	sand.u32 $0x1, s2;
	s3 =	sshll.u32 s3, $0x1  }
0x7: {  	s21 =	simm.s32 $0x15C00;
	[smem:$0x7FF] =	sst s7;
	s6 =	sor.u32 s2, s3  }
0x8: {  	s3 =	rddreg [dreg:$0x3];
	s2 =	ssub.s32 $0x2, s2;
	s4 =	smul.u32 $0x64, s6  }
0x9: {  	_ =	strace $0x80000047;
	s6 =	smul.u32 $0x680, s6;
	s8 =	sshrl.u32 s2, $0x1  }
0xa: {  	s2 =	ssub.s32 s2, s8;
	s8 =	simm.s32 $0x0;
	s25 =	sshrl.u32 s4, $0x4  }
0xb: {  	s0 =	sadd.s32 s6, s0;
	s9 =	sor.u32 $0x1, s4;
	s10 =	sor.u32 $0x2, s4  }
.Ltmp0:
0xc: {  	s11 =	sor.u32 $0x3, s4;
	s7 =	sand.u32 $0xF8, s25;
	(pc) =	sbr.rel .LBB2_1-.Ltmp0, $4  }
0xd: {  	s12 =	sadd.s32 $0x4, s4;
	s30 =	smax.u32 s2, $0x1;
	s6 =	smin.u32 s7, $0xB8  }
0xe: {  	s0 =	sadd.s32 $0x400, s0;
	[dreg:$0x7] =	wrdreg s30;
	s26 =	sshll.u32 s6, $0x4  }
0xf: {  	s2 =	simm.s32 $0xFC00;
	[dreg:$0x5] =	wrdreg s0;
	s0 =	sadd.s32 s5, s26  }
0x10: {  	s26 =	simm.s32 $0x1;
	[dreg:$0x6] =	wrdreg s0;
	s0 =	simm.s32 $0x3  }
.LBB2_14:
0x11: {  	s5 =	simm.s32 $0x6  }
0x12: {  	_ =	swait.ge [sflag:s5], $0x2000  }
0x13: {  	[sflag:s5] =	ssyncset.done $0x0  }
0x14: {  	s23 =	simm.s32 $0x7;
	[sflag:s5] =	ssyncadd.s32 $0xFFFFE000  }
0x15: {  	_ =	swait.ge [sflag:s23], $0x2000  }
0x16: {  	[sflag:s23] =	ssyncset.done $0x0  }
0x17: {  	s24 =	simm.s32 $0x8;
	[sflag:s23] =	ssyncadd.s32 $0xFFFFE000  }
0x18: {  	_ =	swait.ge [sflag:s24], $0x2000  }
0x19: {  	[sflag:s24] =	ssyncset.done $0x0  }
0x1a: {  	s25 =	simm.s32 $0x9;
	[sflag:s24] =	ssyncadd.s32 $0xFFFFE000  }
0x1b: {  	_ =	swait.ge [sflag:s25], $0x2000  }
0x1c: {  	[sflag:s25] =	ssyncset.done $0x0  }
0x1d: {  	s7 =	simm.s32 $0xA;
	[sflag:s25] =	ssyncadd.s32 $0xFFFFE000  }
0x1e: {  	_ =	swait.ge [sflag:s7], $0x2000  }
0x1f: {  	s8 =	rddreg [dreg:$0x8]  }
0x20: {  	s30 =	rddreg [dreg:$0x7];
	s8 =	sadd.s32 $0x1, s8  }
0x21: {  	p0 =	sne.s32 s8, s30  }
.Ltmp1:
0x22: {  	_ = 	snop;
	(pc) =	sbr.rel @!p0 .LBB2_15-.Ltmp1, $3  }
0x23: {  	_ =	sdelay $0x1  }
0x24: {  	[sflag:s7] =	ssyncset.done $0x0  }
0x25: {  	[sflag:s7] =	ssyncadd.s32 $0xFFFFE000  }
.LBB2_1:
0x26: {  	[dreg:$0x8] =	wrdreg s8;
	s5 =	simm.s32 $0x0  }
0x27: {  	s7 =	rddreg [dreg:$0x5];
	s25 =	simm.s32 $0x800;
	s13 =	simm.s32 $0xB  }
0x28: {  	[tilespmem:s25], [sflag:$0xB] =	stream.linear.gather [hbm4b:s7+s5], $0x3200, $0x38;
	[tilespmem:$0x17C00] =	vst v63  }
0x29: {  	_ =	swait.ge [sflag:s13], $0x3200  }
0x2a: {  	[sflag:s13] =	ssyncset.done $0x0  }
0x2b: {  	s30 =	rddreg [dreg:$0x6];
	[sflag:s13] =	ssyncadd.s32 $0xFFFFCE00  }
0x2c: {  	[tilespmem:s5], [sflag:$0xB] =	stream.linear.gather [hbm4b:s30+s5], $0x800, $0x38;
	[tilespmem:$0x17C00] =	vst v63  }
0x2d: {  	_ =	swait.ge [sflag:s13], $0x800  }
0x2e: {  	[sflag:s13] =	ssyncset.done $0x0  }
0x2f: {  	s7 =	simm.s32 $0x3C00;
	[sflag:s13] =	ssyncadd.s32 $0xFFFFF800  }
0x30: {  	[tilespmem:s7], [sflag:$0x1] =	stream.indirect.gather [hbm4b:s1+s16], $0x80, s25, s16, $0xb8;
	[tilespmem:$0x17C00] =	vst v63  }
0x31: {  	s14 =	simm.s32 $0x5C00;
	s13 =	simm.s32 $0x880  }
0x32: {  	[tilespmem:s14], [sflag:$0x2] =	stream.indirect.gather [hbm4b:s1+s16], $0x80, s13, s16, $0xb8;
	[tilespmem:$0x17C00] =	vst v63  }
0x33: {  	s15 =	simm.s32 $0x900;
	s22 =	simm.s32 $0x7C00  }
0x34: {  	[tilespmem:s22], [sflag:$0x3] =	stream.indirect.gather [hbm4b:s1+s16], $0x80, s15, s16, $0xb8;
	[tilespmem:$0x17C00] =	vst v63  }
0x35: {  	s23 =	simm.s32 $0x980;
	s24 =	simm.s32 $0x9C00  }
0x36: {  	[tilespmem:s24], [sflag:$0x4] =	stream.indirect.gather [hbm4b:s1+s16], $0x80, s23, s16, $0xb8;
	[tilespmem:$0x17C00] =	vst v63  }
0x37: {  	s8 =	simm.s32 $0x0;
	s30 =	simm.s32 $0xBC00;
	s25 =	simm.s32 $0xA00  }
0x38: {  	[tilespmem:s30], [sflag:$0x5] =	stream.indirect.gather [hbm4b:s1+s16], $0x80, s25, s16, $0xb8;
	[tilespmem:$0x17C00] =	vst v63  }
.LBB2_2:
0x39: {  	_ =	swait.ge [sflag:s26], $0x2000  }
0x3a: {  	p0 =	seq.s32 s8, $0x0;
	[sflag:s26] =	ssyncset.done $0x0  }
0x3b: {  	s7 =	simm.s32 @!p0 $0x6;
	[sflag:s26] =	ssyncadd.s32 $0xFFFFE000  }
0x3c: {  	s13 =	smul.u32 $0x5, s8;
	_ =	swait.ge @!p0 [sflag:s7], $0x2000  }
0x3d: {  	[sflag:s7] =	ssyncset.done @!p0 $0x0  }
0x3e: {  	s30 =	simm.s32 $0x3D00;
	s5 =	sadd.s32 s4, s13;
	[sflag:s7] =	ssyncadd.s32 @!p0 $0xFFFFE000  }
0x3f: {  	s22 =	sshrl.u32 s5, $0x4;
	v8 =	vld [tilespmem:s30+$0x80]  }
0x40: {  	s14 =	ssub.s32 s22, s6;
	v9 =	vld [tilespmem:s30+$0xFFFFFF00]  }
0x41: {  	s14 =	sshll.u32 s14, $0x9;
	v10 =	vld [tilespmem:s30+$0xFFFFFF80]  }
0x42: {  	s14 =	sshra.s32 s14, $0x2;
	v11 =	vld [tilespmem:s30+$0x0]  }
0x43: {  	v4 =	vld [tilespmem:s14+$0x0]  }
0x44: {  	v6 =	vld [tilespmem:s14+$0x10]  }
0x45: {  	v7 =	vld [tilespmem:s14+$0x20]  }
0x46: {  	v5 =	vld [tilespmem:s14+$0x30]  }
0x47: {  	v3 =	vld [tilespmem:s14+$0x40]  }
0x48: {  	v2 =	vld [tilespmem:s14+$0x50];
	v8 =	vadd.f32 v8, v4  }
0x49: {  	s23 =	simm.s32 $0xDD00;
	v1 =	vld [tilespmem:s14+$0x60]  }
0x4a: {  	v0 =	vld [tilespmem:s14+$0x70];
	[tilespmem:s23+$0x80] =	vst v8  }
0x4b: {  	v8 =	vld [tilespmem:s30+$0x90]  }
0x4c: {  	v9 =	vadd.f32 v9, v4  }
0x4d: {  	v10 =	vadd.f32 v10, v4  }
0x4e: {  	v11 =	vadd.f32 v11, v4;
	[tilespmem:s23+$0xFFFFFF00] =	vst v9  }
0x4f: {  	[tilespmem:s23+$0xFFFFFF80] =	vst v10;
	v9 =	vld [tilespmem:s30+$0xFFFFFF10]  }
0x50: {  	[tilespmem:s23+$0x0] =	vst v11;
	v10 =	vld [tilespmem:s30+$0xFFFFFF90];
	v8 =	vadd.f32 v8, v6  }
0x51: {  	v11 =	vld [tilespmem:s30+$0x10]  }
0x52: {  	[tilespmem:s23+$0x90] =	vst v8  }
0x53: {  	v8 =	vld [tilespmem:s30+$0xA0]  }
0x54: {  	v9 =	vadd.f32 v9, v6  }
0x55: {  	v10 =	vadd.f32 v10, v6  }
0x56: {  	v11 =	vadd.f32 v11, v6;
	[tilespmem:s23+$0xFFFFFF10] =	vst v9  }
0x57: {  	[tilespmem:s23+$0xFFFFFF90] =	vst v10;
	v9 =	vld [tilespmem:s30+$0xFFFFFF20]  }
0x58: {  	[tilespmem:s23+$0x10] =	vst v11;
	v10 =	vld [tilespmem:s30+$0xFFFFFFA0];
	v8 =	vadd.f32 v8, v7  }
0x59: {  	v11 =	vld [tilespmem:s30+$0x20]  }
0x5a: {  	[tilespmem:s23+$0xA0] =	vst v8  }
0x5b: {  	v8 =	vld [tilespmem:s30+$0xB0]  }
0x5c: {  	v9 =	vadd.f32 v9, v7  }
0x5d: {  	v10 =	vadd.f32 v10, v7  }
0x5e: {  	v11 =	vadd.f32 v11, v7;
	[tilespmem:s23+$0xFFFFFF20] =	vst v9  }
0x5f: {  	[tilespmem:s23+$0xFFFFFFA0] =	vst v10;
	v9 =	vld [tilespmem:s30+$0xFFFFFF30]  }
0x60: {  	[tilespmem:s23+$0x20] =	vst v11;
	v10 =	vld [tilespmem:s30+$0xFFFFFFB0];
	v8 =	vadd.f32 v8, v5  }
0x61: {  	s14 =	simm.s32 $0x3F00;
	v11 =	vld [tilespmem:s30+$0x30]  }
0x62: {  	[tilespmem:s23+$0xB0] =	vst v8;
	v8 =	vld [tilespmem:s14+$0x80]  }
0x63: {  	v12 =	vld [tilespmem:s30+$0xC0]  }
0x64: {  	v13 =	vld [tilespmem:s14+$0xFFFFFF80];
	v9 =	vadd.f32 v9, v5  }
0x65: {  	v14 =	vld [tilespmem:s14+$0x0];
	v10 =	vadd.f32 v10, v5  }
0x66: {  	v11 =	vadd.f32 v11, v5;
	[tilespmem:s23+$0xFFFFFF30] =	vst v9;
	v9 =	vld [tilespmem:s14+$0xFFFFFF00]  }
0x67: {  	[tilespmem:s23+$0xFFFFFFB0] =	vst v10;
	v10 =	vld [tilespmem:s30+$0xFFFFFF40];
	v8 =	vadd.f32 v8, v4  }
0x68: {  	s24 =	simm.s32 $0xDF00;
	[tilespmem:s23+$0x30] =	vst v11;
	v11 =	vld [tilespmem:s30+$0xFFFFFFC0];
	v12 =	vadd.f32 v12, v3  }
0x69: {  	v13 =	vadd.f32 v13, v4;
	[tilespmem:s24+$0x80] =	vst v8;
	v8 =	vld [tilespmem:s30+$0x40]  }
0x6a: {  	v14 =	vadd.f32 v14, v4;
	v15 =	vld [tilespmem:s14+$0x90];
	[tilespmem:s23+$0xC0] =	vst v12  }
0x6b: {  	[tilespmem:s24+$0xFFFFFF80] =	vst v13;
	v9 =	vadd.f32 v9, v4;
	v12 =	vld [tilespmem:s30+$0xD0]  }
0x6c: {  	[tilespmem:s24+$0x0] =	vst v14;
	v13 =	vld [tilespmem:s14+$0xFFFFFF90];
	v10 =	vadd.f32 v10, v3  }
0x6d: {  	v11 =	vadd.f32 v11, v3;
	[tilespmem:s24+$0xFFFFFF00] =	vst v9;
	v9 =	vld [tilespmem:s14+$0x10]  }
0x6e: {  	v14 =	vld [tilespmem:s14+$0xFFFFFF10];
	[tilespmem:s23+$0xFFFFFF40] =	vst v10;
	v8 =	vadd.f32 v8, v3  }
0x6f: {  	[tilespmem:s23+$0xFFFFFFC0] =	vst v11;
	v10 =	vadd.f32 v15, v6;
	v15 =	vld [tilespmem:s30+$0xFFFFFF50]  }
0x70: {  	v11 =	vld [tilespmem:s30+$0xFFFFFFD0];
	[tilespmem:s23+$0x40] =	vst v8;
	v8 =	vadd.f32 v12, v2  }
0x71: {  	v12 =	vadd.f32 v13, v6;
	[tilespmem:s24+$0x90] =	vst v10;
	v10 =	vld [tilespmem:s30+$0x50]  }
0x72: {  	v9 =	vadd.f32 v9, v6;
	v13 =	vld [tilespmem:s14+$0xA0];
	[tilespmem:s23+$0xD0] =	vst v8  }
0x73: {  	v8 =	vadd.f32 v14, v6;
	[tilespmem:s24+$0xFFFFFF90] =	vst v12;
	v12 =	vld [tilespmem:s30+$0xE0]  }
0x74: {  	[tilespmem:s24+$0x10] =	vst v9;
	v14 =	vld [tilespmem:s14+$0xFFFFFFA0];
	v9 =	vadd.f32 v15, v2  }
0x75: {  	v11 =	vadd.f32 v11, v2;
	[tilespmem:s24+$0xFFFFFF10] =	vst v8;
	v8 =	vld [tilespmem:s14+$0x20]  }
0x76: {  	v15 =	vld [tilespmem:s14+$0xFFFFFF20];
	[tilespmem:s23+$0xFFFFFF50] =	vst v9;
	v9 =	vadd.f32 v10, v2  }
0x77: {  	[tilespmem:s23+$0xFFFFFFD0] =	vst v11;
	v10 =	vadd.f32 v13, v7;
	v13 =	vld [tilespmem:s30+$0xFFFFFF60]  }
0x78: {  	v11 =	vld [tilespmem:s30+$0xFFFFFFE0];
	[tilespmem:s23+$0x50] =	vst v9;
	v9 =	vadd.f32 v12, v1  }
0x79: {  	v12 =	vadd.f32 v14, v7;
	[tilespmem:s24+$0xA0] =	vst v10;
	v10 =	vld [tilespmem:s30+$0x60]  }
0x7a: {  	v8 =	vadd.f32 v8, v7;
	v14 =	vld [tilespmem:s14+$0xB0];
	[tilespmem:s23+$0xE0] =	vst v9  }
0x7b: {  	v9 =	vadd.f32 v15, v7;
	[tilespmem:s24+$0xFFFFFFA0] =	vst v12;
	v15 =	vld [tilespmem:s30+$0xF0]  }
0x7c: {  	v16 =	vld [tilespmem:s14+$0xFFFFFFB0];
	[tilespmem:s24+$0x20] =	vst v8;
	v8 =	vadd.f32 v13, v1  }
0x7d: {  	v11 =	vadd.f32 v11, v1;
	[tilespmem:s24+$0xFFFFFF20] =	vst v9;
	v12 =	vld [tilespmem:s14+$0x30]  }
0x7e: {  	v13 =	vld [tilespmem:s14+$0xFFFFFF30];
	[tilespmem:s23+$0xFFFFFF60] =	vst v8;
	v10 =	vadd.f32 v10, v1  }
0x7f: {  	[tilespmem:s23+$0xFFFFFFE0] =	vst v11;
	v17 =	vadd.f32 v14, v5;
	v9 =	vld [tilespmem:s30+$0xFFFFFF70]  }
0x80: {  	v8 =	vld [tilespmem:s30+$0xFFFFFFF0];
	[tilespmem:s23+$0x60] =	vst v10;
	v11 =	vadd.f32 v15, v0  }
0x81: {  	s15 =	simm.s32 $0x4;
	s25 =	simm.s32 $0x4100;
	s5 =	sand.u32 $0xF, s5;
	v14 =	vadd.f32 v16, v5;
	[tilespmem:s24+$0xB0] =	vst v17;
	v10 =	vld [tilespmem:s30+$0x70]  }
.LBB2_3:
0x82: {  	v15 =	vld [tilespmem:s25+$0x80];
	v12 =	vadd.f32 v12, v5;
	[tilespmem:s23+$0xF0] =	vst v11  }
0x83: {  	s15 =	sadd.s32 $0x4, s15;
	v11 =	vadd.f32 v13, v5;
	[tilespmem:s24+$0xFFFFFFB0] =	vst v14;
	v13 =	vld [tilespmem:s14+$0xC0]  }
0x84: {  	p1 =	slt.u32 s15, $0x3C;
	v14 =	vld [tilespmem:s25+$0xFFFFFF80];
	[tilespmem:s24+$0x30] =	vst v12;
	v9 =	vadd.f32 v9, v0  }
0x85: {  	v12 =	vld [tilespmem:s25+$0x0];
	[tilespmem:s24+$0xFFFFFF30] =	vst v11;
	v8 =	vadd.f32 v8, v0  }
0x86: {  	v11 =	vld [tilespmem:s25+$0xFFFFFF00];
	[tilespmem:s23+$0xFFFFFF70] =	vst v9;
	v9 =	vadd.f32 v10, v0  }
0x87: {  	v10 =	vadd.f32 v15, v4;
	v15 =	vld [tilespmem:s14+$0xFFFFFF40];
	[tilespmem:s23+$0xFFFFFFF0] =	vst v8  }
0x88: {  	v8 =	vld [tilespmem:s14+$0xFFFFFFC0];
	v13 =	vadd.f32 v13, v3;
	[tilespmem:s23+$0x70] =	vst v9;
	s23 =	smov.u32 s24;
	s24 =	sadd.s32 $0x200, s24  }
0x89: {  	v9 =	vadd.f32 v14, v4;
	[tilespmem:s24+$0x80] =	vst v10;
	v10 =	vld [tilespmem:s14+$0x40]  }
0x8a: {  	v12 =	vadd.f32 v12, v4;
	v14 =	vld [tilespmem:s25+$0x90];
	[tilespmem:s23+$0xC0] =	vst v13  }
0x8b: {  	v11 =	vadd.f32 v11, v4;
	[tilespmem:s24+$0xFFFFFF80] =	vst v9;
	v9 =	vld [tilespmem:s14+$0xD0]  }
0x8c: {  	v13 =	vld [tilespmem:s25+$0xFFFFFF90];
	[tilespmem:s24+$0x0] =	vst v12;
	v12 =	vadd.f32 v15, v3  }
0x8d: {  	[tilespmem:s24+$0xFFFFFF00] =	vst v11;
	v11 =	vld [tilespmem:s25+$0x10];
	v8 =	vadd.f32 v8, v3  }
0x8e: {  	v15 =	vld [tilespmem:s25+$0xFFFFFF10];
	[tilespmem:s23+$0xFFFFFF40] =	vst v12;
	v10 =	vadd.f32 v10, v3  }
0x8f: {  	v12 =	vadd.f32 v14, v6;
	v14 =	vld [tilespmem:s14+$0xFFFFFF50];
	[tilespmem:s23+$0xFFFFFFC0] =	vst v8  }
0x90: {  	v8 =	vld [tilespmem:s14+$0xFFFFFFD0];
	[tilespmem:s23+$0x40] =	vst v10;
	v9 =	vadd.f32 v9, v2  }
0x91: {  	v10 =	vadd.f32 v13, v6;
	[tilespmem:s24+$0x90] =	vst v12;
	v12 =	vld [tilespmem:s14+$0x50]  }
0x92: {  	v11 =	vadd.f32 v11, v6;
	v13 =	vld [tilespmem:s25+$0xA0];
	[tilespmem:s23+$0xD0] =	vst v9  }
0x93: {  	v9 =	vadd.f32 v15, v6;
	[tilespmem:s24+$0xFFFFFF90] =	vst v10;
	v10 =	vld [tilespmem:s14+$0xE0]  }
0x94: {  	v15 =	vld [tilespmem:s25+$0xFFFFFFA0];
	[tilespmem:s24+$0x10] =	vst v11;
	v11 =	vadd.f32 v14, v2  }
0x95: {  	[tilespmem:s24+$0xFFFFFF10] =	vst v9;
	v9 =	vld [tilespmem:s25+$0x20];
	v8 =	vadd.f32 v8, v2  }
0x96: {  	v14 =	vld [tilespmem:s25+$0xFFFFFF20];
	[tilespmem:s23+$0xFFFFFF50] =	vst v11;
	v11 =	vadd.f32 v12, v2  }
0x97: {  	v12 =	vadd.f32 v13, v7;
	v13 =	vld [tilespmem:s14+$0xFFFFFF60];
	[tilespmem:s23+$0xFFFFFFD0] =	vst v8  }
0x98: {  	v8 =	vld [tilespmem:s14+$0xFFFFFFE0];
	[tilespmem:s23+$0x50] =	vst v11;
	v10 =	vadd.f32 v10, v1  }
0x99: {  	v11 =	vadd.f32 v15, v7;
	[tilespmem:s24+$0xA0] =	vst v12;
	v15 =	vld [tilespmem:s14+$0x60]  }
0x9a: {  	v9 =	vadd.f32 v9, v7;
	v16 =	vld [tilespmem:s25+$0xB0];
	[tilespmem:s23+$0xE0] =	vst v10  }
0x9b: {  	v10 =	vadd.f32 v14, v7;
	[tilespmem:s24+$0xFFFFFFA0] =	vst v11;
	v11 =	vld [tilespmem:s14+$0xF0]  }
0x9c: {  	v14 =	vld [tilespmem:s25+$0xFFFFFFB0];
	[tilespmem:s24+$0x20] =	vst v9;
	v9 =	vadd.f32 v13, v1  }
.Ltmp2:
0x9d: {  	[tilespmem:s24+$0xFFFFFF20] =	vst v10;
	v12 =	vld [tilespmem:s25+$0x30];
	v8 =	vadd.f32 v8, v1;
	(pc) =	sbr.rel @p1 .LBB2_3-.Ltmp2, $4  }
0x9e: {  	v13 =	vld [tilespmem:s25+$0xFFFFFF30];
	[tilespmem:s23+$0xFFFFFF60] =	vst v9;
	v10 =	vadd.f32 v15, v1  }
0x9f: {  	v15 =	vadd.f32 v16, v5;
	v9 =	vld [tilespmem:s14+$0xFFFFFF70];
	[tilespmem:s23+$0xFFFFFFE0] =	vst v8  }
0xa0: {  	v8 =	vld [tilespmem:s14+$0xFFFFFFF0];
	[tilespmem:s23+$0x60] =	vst v10;
	v11 =	vadd.f32 v11, v0  }
0xa1: {  	v14 =	vadd.f32 v14, v5;
	[tilespmem:s24+$0xB0] =	vst v15;
	v10 =	vld [tilespmem:s14+$0x70];
	s14 =	smov.u32 s25;
	s25 =	sadd.s32 $0x200, s25  }
0xa2: {  	_ = 	snop  }
0xa3: {  	v4 =	vadd.f32 v13, v5  }
0xa4: {  	v6 =	vld [tilespmem:s14+$0xC0];
	v5 =	vadd.f32 v12, v5;
	[tilespmem:s24+$0xFFFFFFB0] =	vst v14  }
0xa5: {  	[tilespmem:s24+$0xFFFFFF30] =	vst v4  }
0xa6: {  	[tilespmem:s24+$0x30] =	vst v5;
	v5 =	vld [tilespmem:s14+$0xFFFFFFC0]  }
0xa7: {  	v4 =	vld [tilespmem:s14+$0xFFFFFF40]  }
0xa8: {  	v7 =	vld [tilespmem:s14+$0x40]  }
0xa9: {  	v6 =	vadd.f32 v6, v3;
	_ =	sdelay $0x1  }
0xaa: {  	[tilespmem:s24+$0xC0] =	vst v6;
	v5 =	vadd.f32 v5, v3  }
0xab: {  	v6 =	vld [tilespmem:s14+$0xD0];
	v4 =	vadd.f32 v4, v3  }
0xac: {  	v3 =	vadd.f32 v7, v3;
	[tilespmem:s24+$0xFFFFFFC0] =	vst v5  }
0xad: {  	[tilespmem:s24+$0xFFFFFF40] =	vst v4;
	v5 =	vld [tilespmem:s14+$0xFFFFFFD0]  }
0xae: {  	[tilespmem:s24+$0x40] =	vst v3;
	v4 =	vld [tilespmem:s14+$0xFFFFFF50]  }
0xaf: {  	v3 =	vld [tilespmem:s14+$0x50]  }
0xb0: {  	v6 =	vadd.f32 v6, v2;
	_ =	sdelay $0x1  }
0xb1: {  	[tilespmem:s24+$0xD0] =	vst v6;
	v5 =	vadd.f32 v5, v2  }
0xb2: {  	v6 =	vld [tilespmem:s14+$0xE0];
	v4 =	vadd.f32 v4, v2  }
0xb3: {  	v2 =	vadd.f32 v3, v2;
	[tilespmem:s24+$0xFFFFFFD0] =	vst v5  }
0xb4: {  	[tilespmem:s24+$0xFFFFFF50] =	vst v4;
	v4 =	vld [tilespmem:s14+$0xFFFFFFE0]  }
0xb5: {  	[tilespmem:s24+$0x50] =	vst v2;
	v3 =	vld [tilespmem:s14+$0xFFFFFF60]  }
0xb6: {  	v2 =	vld [tilespmem:s14+$0x60]  }
0xb7: {  	v5 =	vadd.f32 v6, v1;
	_ =	sdelay $0x1  }
0xb8: {  	[tilespmem:s24+$0xE0] =	vst v5;
	v4 =	vadd.f32 v4, v1  }
0xb9: {  	[tilespmem:s23+$0xF0] =	vst v11;
	v5 =	vld [tilespmem:s14+$0xF0];
	v3 =	vadd.f32 v3, v1  }
0xba: {  	v1 =	vadd.f32 v2, v1;
	[tilespmem:s24+$0xFFFFFFE0] =	vst v4  }
0xbb: {  	[tilespmem:s24+$0xFFFFFF60] =	vst v3;
	v3 =	vadd.f32 v9, v0;
	v4 =	vld [tilespmem:s14+$0xFFFFFFF0]  }
0xbc: {  	[tilespmem:s24+$0x60] =	vst v1;
	v1 =	vadd.f32 v8, v0;
	v2 =	vld [tilespmem:s14+$0xFFFFFF70]  }
0xbd: {  	v6 =	vld [tilespmem:s14+$0x70];
	[tilespmem:s23+$0xFFFFFF70] =	vst v3;
	v3 =	vadd.f32 v10, v0  }
0xbe: {  	[tilespmem:s23+$0xFFFFFFF0] =	vst v1;
	v1 =	vadd.f32 v5, v0  }
0xbf: {  	s5 =	smul.u32 $0x190000, s5;
	s7 =	sshll.u32 s22, $0x7;
	[tilespmem:s23+$0x70] =	vst v3  }
0xc0: {  	s23 =	sand.u32 $0x7FFFFC00, s7;
	[tilespmem:s24+$0xF0] =	vst v1;
	v1 =	vadd.f32 v4, v0  }
0xc1: {  	p1 =	seq.s32 s8, $0x13;
	s7 =	sand.u32 $0x380, s7;
	s5 =	sadd.s32 s5, s23;
	v2 =	vadd.f32 v2, v0  }
0xc2: {  	v0 =	vadd.f32 v6, v0;
	s5 =	sor.u32 s7, s5;
	s7 =	smul.u32 @!p1 $0xA00, s8;
	[tilespmem:s24+$0xFFFFFFF0] =	vst v1  }
0xc3: {  	s5 =	sshrl.u32 s5, $0x3;
	[tilespmem:s24+$0xFFFFFF70] =	vst v2  }
0xc4: {  	s25 =	simm.s32 $0xDC00;
	[tilespmem:s24+$0x70] =	vst v0;
	s5 =	sadd.s32 s3, s5;
	s22 =	sshra.s32 @!p1 s7, $0x2  }
0xc5: {  	[hbm4b:s5+s28] =	stream.strided.scatter [tilespmem:s25], [sflag:$0x6], $0x2000, s29, s28, $0x38;
	[tilespmem:$0x17C00] =	vst v63  }
0xc6: {  	s14 =	simm.s32 @!p1 $0x3C00;
	s7 =	simm.s32 @!p1 $0x40;
	s5 =	sadd.s32 @!p1 $0xA80, s22  }
0xc7: {  	[tilespmem:s14], [sflag:$0x1] =	stream.indirect.gather @!p1 [hbm4b:s1+s7], $0x80, s5, s7, $0xb8;
	[tilespmem:$0x17C00] =	vst v63  }
0xc8: {  	_ =	swait.ge [sflag:s31], $0x2000  }
0xc9: {  	s15 =	sadd.s32 s13, s9;
	[sflag:s31] =	ssyncset.done $0x0  }
0xca: {  	s23 =	sshrl.u32 s15, $0x4;
	s5 =	simm.s32 @!p0 $0x7;
	[sflag:s31] =	ssyncadd.s32 $0xFFFFE000  }
0xcb: {  	s14 =	ssub.s32 s23, s6;
	_ =	swait.ge @!p0 [sflag:s5], $0x2000  }
0xcc: {  	s7 =	sshll.u32 s14, $0x9;
	[sflag:s5] =	ssyncset.done @!p0 $0x0  }
0xcd: {  	s24 =	sshra.s32 s7, $0x2;
	[sflag:s5] =	ssyncadd.s32 @!p0 $0xFFFFE000  }
0xce: {  	v4 =	vld [tilespmem:s24+$0x0]  }
0xcf: {  	v6 =	vld [tilespmem:s24+$0x10]  }
0xd0: {  	v7 =	vld [tilespmem:s24+$0x20]  }
0xd1: {  	v5 =	vld [tilespmem:s24+$0x30]  }
0xd2: {  	s25 =	simm.s32 $0x5DF0;
	v3 =	vld [tilespmem:s24+$0x40]  }
0xd3: {  	v8 =	vld [tilespmem:s25+$0xFFFFFF90]  }
0xd4: {  	v2 =	vld [tilespmem:s24+$0x50]  }
0xd5: {  	v1 =	vld [tilespmem:s24+$0x60]  }
0xd6: {  	v0 =	vld [tilespmem:s24+$0x70]  }
0xd7: {  	v9 =	vld [tilespmem:s25+$0xFFFFFE10]  }
0xd8: {  	v10 =	vld [tilespmem:s25+$0xFFFFFE90];
	v8 =	vadd.f32 v8, v4  }
0xd9: {  	s24 =	simm.s32 $0xFDF0;
	v11 =	vld [tilespmem:s25+$0xFFFFFF10]  }
0xda: {  	[tilespmem:s24+$0xFFFFFF90] =	vst v8  }
0xdb: {  	v8 =	vld [tilespmem:s25+$0xFFFFFFA0]  }
0xdc: {  	v9 =	vadd.f32 v9, v4  }
0xdd: {  	v10 =	vadd.f32 v10, v4  }
0xde: {  	v11 =	vadd.f32 v11, v4;
	[tilespmem:s24+$0xFFFFFE10] =	vst v9  }
0xdf: {  	[tilespmem:s24+$0xFFFFFE90] =	vst v10;
	v9 =	vld [tilespmem:s25+$0xFFFFFE20]  }
0xe0: {  	[tilespmem:s24+$0xFFFFFF10] =	vst v11;
	v10 =	vld [tilespmem:s25+$0xFFFFFEA0];
	v8 =	vadd.f32 v8, v6  }
0xe1: {  	v11 =	vld [tilespmem:s25+$0xFFFFFF20]  }
0xe2: {  	[tilespmem:s24+$0xFFFFFFA0] =	vst v8  }
0xe3: {  	v8 =	vld [tilespmem:s25+$0xFFFFFFB0]  }
0xe4: {  	v9 =	vadd.f32 v9, v6  }
0xe5: {  	v10 =	vadd.f32 v10, v6  }
0xe6: {  	v11 =	vadd.f32 v11, v6;
	[tilespmem:s24+$0xFFFFFE20] =	vst v9  }
0xe7: {  	[tilespmem:s24+$0xFFFFFEA0] =	vst v10;
	v9 =	vld [tilespmem:s25+$0xFFFFFE30]  }
0xe8: {  	[tilespmem:s24+$0xFFFFFF20] =	vst v11;
	v10 =	vld [tilespmem:s25+$0xFFFFFEB0];
	v8 =	vadd.f32 v8, v7  }
0xe9: {  	v11 =	vld [tilespmem:s25+$0xFFFFFF30]  }
0xea: {  	[tilespmem:s24+$0xFFFFFFB0] =	vst v8  }
0xeb: {  	v8 =	vld [tilespmem:s25+$0xFFFFFFC0]  }
0xec: {  	v9 =	vadd.f32 v9, v7  }
0xed: {  	v10 =	vadd.f32 v10, v7  }
0xee: {  	v11 =	vadd.f32 v11, v7;
	[tilespmem:s24+$0xFFFFFE30] =	vst v9  }
0xef: {  	[tilespmem:s24+$0xFFFFFEB0] =	vst v10;
	v9 =	vld [tilespmem:s25+$0xFFFFFE40]  }
0xf0: {  	[tilespmem:s24+$0xFFFFFF30] =	vst v11;
	v10 =	vld [tilespmem:s25+$0xFFFFFEC0];
	v8 =	vadd.f32 v8, v5  }
0xf1: {  	s5 =	simm.s32 $0x5FF0;
	v11 =	vld [tilespmem:s25+$0xFFFFFF40]  }
0xf2: {  	[tilespmem:s24+$0xFFFFFFC0] =	vst v8;
	v8 =	vld [tilespmem:s5+$0xFFFFFF90]  }
0xf3: {  	v12 =	vld [tilespmem:s25+$0xFFFFFFD0]  }
0xf4: {  	v13 =	vld [tilespmem:s5+$0xFFFFFE90];
	v9 =	vadd.f32 v9, v5  }
0xf5: {  	v14 =	vld [tilespmem:s5+$0xFFFFFF10];
	v10 =	vadd.f32 v10, v5  }
0xf6: {  	v11 =	vadd.f32 v11, v5;
	[tilespmem:s24+$0xFFFFFE40] =	vst v9;
	v9 =	vld [tilespmem:s5+$0xFFFFFE10]  }
0xf7: {  	[tilespmem:s24+$0xFFFFFEC0] =	vst v10;
	v10 =	vld [tilespmem:s25+$0xFFFFFE50];
	v8 =	vadd.f32 v8, v4  }
0xf8: {  	s14 =	simm.s32 $0xFFF0;
	[tilespmem:s24+$0xFFFFFF40] =	vst v11;
	v11 =	vld [tilespmem:s25+$0xFFFFFED0];
	v12 =	vadd.f32 v12, v3  }
0xf9: {  	v13 =	vadd.f32 v13, v4;
	[tilespmem:s14+$0xFFFFFF90] =	vst v8;
	v8 =	vld [tilespmem:s25+$0xFFFFFF50]  }
0xfa: {  	v14 =	vadd.f32 v14, v4;
	v15 =	vld [tilespmem:s5+$0xFFFFFFA0];
	[tilespmem:s24+$0xFFFFFFD0] =	vst v12  }
0xfb: {  	[tilespmem:s14+$0xFFFFFE90] =	vst v13;
	v9 =	vadd.f32 v9, v4;
	v12 =	vld [tilespmem:s25+$0xFFFFFFE0]  }
0xfc: {  	[tilespmem:s14+$0xFFFFFF10] =	vst v14;
	v13 =	vld [tilespmem:s5+$0xFFFFFEA0];
	v10 =	vadd.f32 v10, v3  }
0xfd: {  	v11 =	vadd.f32 v11, v3;
	[tilespmem:s14+$0xFFFFFE10] =	vst v9;
	v9 =	vld [tilespmem:s5+$0xFFFFFF20]  }
0xfe: {  	v14 =	vld [tilespmem:s5+$0xFFFFFE20];
	[tilespmem:s24+$0xFFFFFE50] =	vst v10;
	v8 =	vadd.f32 v8, v3  }
0xff: {  	[tilespmem:s24+$0xFFFFFED0] =	vst v11;
	v10 =	vadd.f32 v15, v6;
	v15 =	vld [tilespmem:s25+$0xFFFFFE60]  }
0x100: {  	v11 =	vld [tilespmem:s25+$0xFFFFFEE0];
	[tilespmem:s24+$0xFFFFFF50] =	vst v8;
	v8 =	vadd.f32 v12, v2  }
0x101: {  	v12 =	vadd.f32 v13, v6;
	[tilespmem:s14+$0xFFFFFFA0] =	vst v10;
	v10 =	vld [tilespmem:s25+$0xFFFFFF60]  }
0x102: {  	v9 =	vadd.f32 v9, v6;
	v13 =	vld [tilespmem:s5+$0xFFFFFFB0];
	[tilespmem:s24+$0xFFFFFFE0] =	vst v8  }
0x103: {  	v8 =	vadd.f32 v14, v6;
	[tilespmem:s14+$0xFFFFFEA0] =	vst v12;
	v12 =	vld [tilespmem:s25+$0xFFFFFFF0]  }
0x104: {  	[tilespmem:s14+$0xFFFFFF20] =	vst v9;
	v14 =	vld [tilespmem:s5+$0xFFFFFEB0];
	v9 =	vadd.f32 v15, v2  }
0x105: {  	v11 =	vadd.f32 v11, v2;
	[tilespmem:s14+$0xFFFFFE20] =	vst v8;
	v8 =	vld [tilespmem:s5+$0xFFFFFF30]  }
0x106: {  	v15 =	vld [tilespmem:s5+$0xFFFFFE30];
	[tilespmem:s24+$0xFFFFFE60] =	vst v9;
	v9 =	vadd.f32 v10, v2  }
0x107: {  	[tilespmem:s24+$0xFFFFFEE0] =	vst v11;
	v10 =	vadd.f32 v13, v7;
	v13 =	vld [tilespmem:s25+$0xFFFFFE70]  }
0x108: {  	v11 =	vld [tilespmem:s25+$0xFFFFFEF0];
	[tilespmem:s24+$0xFFFFFF60] =	vst v9;
	v9 =	vadd.f32 v12, v1  }
0x109: {  	v12 =	vadd.f32 v14, v7;
	[tilespmem:s14+$0xFFFFFFB0] =	vst v10;
	v10 =	vld [tilespmem:s25+$0xFFFFFF70]  }
0x10a: {  	v8 =	vadd.f32 v8, v7;
	v14 =	vld [tilespmem:s5+$0xFFFFFFC0];
	[tilespmem:s24+$0xFFFFFFF0] =	vst v9  }
0x10b: {  	v9 =	vadd.f32 v15, v7;
	[tilespmem:s14+$0xFFFFFEB0] =	vst v12;
	v15 =	vld [tilespmem:s25+$0x0]  }
0x10c: {  	v16 =	vld [tilespmem:s5+$0xFFFFFEC0];
	[tilespmem:s14+$0xFFFFFF30] =	vst v8;
	v8 =	vadd.f32 v13, v1  }
0x10d: {  	v11 =	vadd.f32 v11, v1;
	[tilespmem:s14+$0xFFFFFE30] =	vst v9;
	v12 =	vld [tilespmem:s5+$0xFFFFFF40]  }
0x10e: {  	v13 =	vld [tilespmem:s5+$0xFFFFFE40];
	[tilespmem:s24+$0xFFFFFE70] =	vst v8;
	v10 =	vadd.f32 v10, v1  }
0x10f: {  	[tilespmem:s24+$0xFFFFFEF0] =	vst v11;
	v17 =	vadd.f32 v14, v5;
	v9 =	vld [tilespmem:s25+$0xFFFFFE80]  }
0x110: {  	v8 =	vld [tilespmem:s25+$0xFFFFFF00];
	[tilespmem:s24+$0xFFFFFF70] =	vst v10;
	v11 =	vadd.f32 v15, v0  }
0x111: {  	s30 =	simm.s32 $0x61F0;
	s15 =	sand.u32 $0xF, s15;
	s7 =	simm.s32 $0x4;
	v14 =	vadd.f32 v16, v5;
	[tilespmem:s14+$0xFFFFFFC0] =	vst v17;
	v10 =	vld [tilespmem:s25+$0xFFFFFF80]  }
.LBB2_5:
0x112: {  	v15 =	vld [tilespmem:s30+$0xFFFFFF90];
	v12 =	vadd.f32 v12, v5;
	[tilespmem:s24+$0x0] =	vst v11  }
0x113: {  	s7 =	sadd.s32 $0x4, s7;
	v11 =	vadd.f32 v13, v5;
	[tilespmem:s14+$0xFFFFFEC0] =	vst v14;
	v13 =	vld [tilespmem:s5+$0xFFFFFFD0]  }
0x114: {  	p2 =	slt.u32 s7, $0x3C;
	v14 =	vld [tilespmem:s30+$0xFFFFFE90];
	[tilespmem:s14+$0xFFFFFF40] =	vst v12;
	v9 =	vadd.f32 v9, v0  }
0x115: {  	v12 =	vld [tilespmem:s30+$0xFFFFFF10];
	[tilespmem:s14+$0xFFFFFE40] =	vst v11;
	v8 =	vadd.f32 v8, v0  }
0x116: {  	v11 =	vld [tilespmem:s30+$0xFFFFFE10];
	[tilespmem:s24+$0xFFFFFE80] =	vst v9;
	v9 =	vadd.f32 v10, v0  }
0x117: {  	v10 =	vadd.f32 v15, v4;
	v15 =	vld [tilespmem:s5+$0xFFFFFE50];
	[tilespmem:s24+$0xFFFFFF00] =	vst v8  }
0x118: {  	v8 =	vld [tilespmem:s5+$0xFFFFFED0];
	v13 =	vadd.f32 v13, v3;
	[tilespmem:s24+$0xFFFFFF80] =	vst v9;
	s24 =	smov.u32 s14;
	s14 =	sadd.s32 $0x200, s14  }
0x119: {  	v9 =	vadd.f32 v14, v4;
	[tilespmem:s14+$0xFFFFFF90] =	vst v10;
	v10 =	vld [tilespmem:s5+$0xFFFFFF50]  }
0x11a: {  	v12 =	vadd.f32 v12, v4;
	v14 =	vld [tilespmem:s30+$0xFFFFFFA0];
	[tilespmem:s24+$0xFFFFFFD0] =	vst v13  }
0x11b: {  	v11 =	vadd.f32 v11, v4;
	[tilespmem:s14+$0xFFFFFE90] =	vst v9;
	v9 =	vld [tilespmem:s5+$0xFFFFFFE0]  }
0x11c: {  	v13 =	vld [tilespmem:s30+$0xFFFFFEA0];
	[tilespmem:s14+$0xFFFFFF10] =	vst v12;
	v12 =	vadd.f32 v15, v3  }
0x11d: {  	[tilespmem:s14+$0xFFFFFE10] =	vst v11;
	v11 =	vld [tilespmem:s30+$0xFFFFFF20];
	v8 =	vadd.f32 v8, v3  }
0x11e: {  	v15 =	vld [tilespmem:s30+$0xFFFFFE20];
	[tilespmem:s24+$0xFFFFFE50] =	vst v12;
	v10 =	vadd.f32 v10, v3  }
0x11f: {  	v12 =	vadd.f32 v14, v6;
	v14 =	vld [tilespmem:s5+$0xFFFFFE60];
	[tilespmem:s24+$0xFFFFFED0] =	vst v8  }
0x120: {  	v8 =	vld [tilespmem:s5+$0xFFFFFEE0];
	[tilespmem:s24+$0xFFFFFF50] =	vst v10;
	v9 =	vadd.f32 v9, v2  }
0x121: {  	v10 =	vadd.f32 v13, v6;
	[tilespmem:s14+$0xFFFFFFA0] =	vst v12;
	v12 =	vld [tilespmem:s5+$0xFFFFFF60]  }
0x122: {  	v11 =	vadd.f32 v11, v6;
	v13 =	vld [tilespmem:s30+$0xFFFFFFB0];
	[tilespmem:s24+$0xFFFFFFE0] =	vst v9  }
0x123: {  	v9 =	vadd.f32 v15, v6;
	[tilespmem:s14+$0xFFFFFEA0] =	vst v10;
	v10 =	vld [tilespmem:s5+$0xFFFFFFF0]  }
0x124: {  	v15 =	vld [tilespmem:s30+$0xFFFFFEB0];
	[tilespmem:s14+$0xFFFFFF20] =	vst v11;
	v11 =	vadd.f32 v14, v2  }
0x125: {  	[tilespmem:s14+$0xFFFFFE20] =	vst v9;
	v9 =	vld [tilespmem:s30+$0xFFFFFF30];
	v8 =	vadd.f32 v8, v2  }
0x126: {  	v14 =	vld [tilespmem:s30+$0xFFFFFE30];
	[tilespmem:s24+$0xFFFFFE60] =	vst v11;
	v11 =	vadd.f32 v12, v2  }
0x127: {  	v12 =	vadd.f32 v13, v7;
	v13 =	vld [tilespmem:s5+$0xFFFFFE70];
	[tilespmem:s24+$0xFFFFFEE0] =	vst v8  }
0x128: {  	v8 =	vld [tilespmem:s5+$0xFFFFFEF0];
	[tilespmem:s24+$0xFFFFFF60] =	vst v11;
	v10 =	vadd.f32 v10, v1  }
0x129: {  	v11 =	vadd.f32 v15, v7;
	[tilespmem:s14+$0xFFFFFFB0] =	vst v12;
	v15 =	vld [tilespmem:s5+$0xFFFFFF70]  }
0x12a: {  	v9 =	vadd.f32 v9, v7;
	v16 =	vld [tilespmem:s30+$0xFFFFFFC0];
	[tilespmem:s24+$0xFFFFFFF0] =	vst v10  }
0x12b: {  	v10 =	vadd.f32 v14, v7;
	[tilespmem:s14+$0xFFFFFEB0] =	vst v11;
	v11 =	vld [tilespmem:s5+$0x0]  }
0x12c: {  	v14 =	vld [tilespmem:s30+$0xFFFFFEC0];
	[tilespmem:s14+$0xFFFFFF30] =	vst v9;
	v9 =	vadd.f32 v13, v1  }
.Ltmp3:
0x12d: {  	[tilespmem:s14+$0xFFFFFE30] =	vst v10;
	v12 =	vld [tilespmem:s30+$0xFFFFFF40];
	v8 =	vadd.f32 v8, v1;
	(pc) =	sbr.rel @p2 .LBB2_5-.Ltmp3, $4  }
0x12e: {  	v13 =	vld [tilespmem:s30+$0xFFFFFE40];
	[tilespmem:s24+$0xFFFFFE70] =	vst v9;
	v10 =	vadd.f32 v15, v1  }
0x12f: {  	v15 =	vadd.f32 v16, v5;
	v9 =	vld [tilespmem:s5+$0xFFFFFE80];
	[tilespmem:s24+$0xFFFFFEF0] =	vst v8  }
0x130: {  	v8 =	vld [tilespmem:s5+$0xFFFFFF00];
	[tilespmem:s24+$0xFFFFFF70] =	vst v10;
	v11 =	vadd.f32 v11, v0  }
0x131: {  	v14 =	vadd.f32 v14, v5;
	[tilespmem:s14+$0xFFFFFFC0] =	vst v15;
	v10 =	vld [tilespmem:s5+$0xFFFFFF80];
	s5 =	smov.u32 s30;
	s30 =	sadd.s32 $0x200, s30  }
0x132: {  	_ = 	snop  }
0x133: {  	v4 =	vadd.f32 v13, v5  }
0x134: {  	v6 =	vld [tilespmem:s5+$0xFFFFFFD0];
	v5 =	vadd.f32 v12, v5;
	[tilespmem:s14+$0xFFFFFEC0] =	vst v14  }
0x135: {  	[tilespmem:s14+$0xFFFFFE40] =	vst v4  }
0x136: {  	[tilespmem:s14+$0xFFFFFF40] =	vst v5;
	v5 =	vld [tilespmem:s5+$0xFFFFFED0]  }
0x137: {  	v4 =	vld [tilespmem:s5+$0xFFFFFE50]  }
0x138: {  	v7 =	vld [tilespmem:s5+$0xFFFFFF50]  }
0x139: {  	v6 =	vadd.f32 v6, v3;
	_ =	sdelay $0x1  }
0x13a: {  	[tilespmem:s14+$0xFFFFFFD0] =	vst v6;
	v5 =	vadd.f32 v5, v3  }
0x13b: {  	v6 =	vld [tilespmem:s5+$0xFFFFFFE0];
	v4 =	vadd.f32 v4, v3  }
0x13c: {  	v3 =	vadd.f32 v7, v3;
	[tilespmem:s14+$0xFFFFFED0] =	vst v5  }
0x13d: {  	[tilespmem:s14+$0xFFFFFE50] =	vst v4;
	v5 =	vld [tilespmem:s5+$0xFFFFFEE0]  }
0x13e: {  	[tilespmem:s14+$0xFFFFFF50] =	vst v3;
	v4 =	vld [tilespmem:s5+$0xFFFFFE60]  }
0x13f: {  	v3 =	vld [tilespmem:s5+$0xFFFFFF60]  }
0x140: {  	v6 =	vadd.f32 v6, v2;
	_ =	sdelay $0x1  }
0x141: {  	[tilespmem:s14+$0xFFFFFFE0] =	vst v6;
	v5 =	vadd.f32 v5, v2  }
0x142: {  	v6 =	vld [tilespmem:s5+$0xFFFFFFF0];
	v4 =	vadd.f32 v4, v2  }
0x143: {  	v2 =	vadd.f32 v3, v2;
	[tilespmem:s14+$0xFFFFFEE0] =	vst v5  }
0x144: {  	[tilespmem:s14+$0xFFFFFE60] =	vst v4;
	v4 =	vld [tilespmem:s5+$0xFFFFFEF0]  }
0x145: {  	[tilespmem:s14+$0xFFFFFF60] =	vst v2;
	v3 =	vld [tilespmem:s5+$0xFFFFFE70]  }
0x146: {  	v2 =	vld [tilespmem:s5+$0xFFFFFF70]  }
0x147: {  	v5 =	vadd.f32 v6, v1;
	_ =	sdelay $0x1  }
0x148: {  	[tilespmem:s14+$0xFFFFFFF0] =	vst v5;
	v4 =	vadd.f32 v4, v1  }
0x149: {  	v5 =	vld [tilespmem:s5+$0x0];
	v3 =	vadd.f32 v3, v1  }
0x14a: {  	v1 =	vadd.f32 v2, v1;
	[tilespmem:s14+$0xFFFFFEF0] =	vst v4  }
0x14b: {  	[tilespmem:s14+$0xFFFFFE70] =	vst v3;
	v4 =	vld [tilespmem:s5+$0xFFFFFF00]  }
0x14c: {  	[tilespmem:s14+$0xFFFFFF70] =	vst v1;
	v1 =	vadd.f32 v8, v0;
	v2 =	vld [tilespmem:s5+$0xFFFFFE80]  }
0x14d: {  	[tilespmem:s24+$0x0] =	vst v11;
	v3 =	vadd.f32 v9, v0;
	v6 =	vld [tilespmem:s5+$0xFFFFFF80]  }
0x14e: {  	[tilespmem:s24+$0xFFFFFF00] =	vst v1;
	v1 =	vadd.f32 v5, v0  }
0x14f: {  	s15 =	smul.u32 $0x190000, s15;
	s7 =	sshll.u32 s23, $0x7;
	[tilespmem:s24+$0xFFFFFE80] =	vst v3;
	v3 =	vadd.f32 v10, v0  }
0x150: {  	s23 =	sand.u32 $0x7FFFFC00, s7;
	[tilespmem:s14+$0x0] =	vst v1;
	v1 =	vadd.f32 v4, v0  }
0x151: {  	s7 =	sand.u32 $0x380, s7;
	s5 =	sadd.s32 s15, s23;
	[tilespmem:s24+$0xFFFFFF80] =	vst v3;
	v2 =	vadd.f32 v2, v0  }
0x152: {  	s5 =	sor.u32 s7, s5;
	v0 =	vadd.f32 v6, v0;
	[tilespmem:s14+$0xFFFFFF00] =	vst v1  }
0x153: {  	s5 =	sshrl.u32 s5, $0x3;
	[tilespmem:s14+$0xFFFFFE80] =	vst v2  }
0x154: {  	s5 =	sadd.s32 s3, s5;
	[tilespmem:s14+$0xFFFFFF80] =	vst v0  }
0x155: {  	[hbm4b:s5+s28] =	stream.strided.scatter [tilespmem:s2], [sflag:$0x7], $0x2000, s29, s28, $0x38;
	[tilespmem:$0x17C00] =	vst v63  }
0x156: {  	s7 =	simm.s32 @!p1 $0x40;
	s14 =	simm.s32 @!p1 $0x5C00;
	s5 =	sadd.s32 @!p1 $0xB00, s22  }
0x157: {  	[tilespmem:s14], [sflag:$0x2] =	stream.indirect.gather @!p1 [hbm4b:s1+s7], $0x80, s5, s7, $0xb8;
	[tilespmem:$0x17C00] =	vst v63  }
0x158: {  	_ =	swait.ge [sflag:s0], $0x2000  }
0x159: {  	s24 =	sadd.s32 s13, s10;
	[sflag:s0] =	ssyncset.done $0x0  }
0x15a: {  	s5 =	sshrl.u32 s24, $0x4;
	s14 =	simm.s32 @!p0 $0x8;
	[sflag:s0] =	ssyncadd.s32 $0xFFFFE000  }
0x15b: {  	s25 =	ssub.s32 s5, s6;
	_ =	swait.ge @!p0 [sflag:s14], $0x2000  }
0x15c: {  	s15 =	sshll.u32 s25, $0x9;
	[sflag:s14] =	ssyncset.done @!p0 $0x0  }
0x15d: {  	s30 =	sshra.s32 s15, $0x2;
	[sflag:s14] =	ssyncadd.s32 @!p0 $0xFFFFE000  }
0x15e: {  	v6 =	vld [tilespmem:s30+$0x0]  }
0x15f: {  	v5 =	vld [tilespmem:s30+$0x10]  }
0x160: {  	v4 =	vld [tilespmem:s30+$0x20]  }
0x161: {  	v3 =	vld [tilespmem:s30+$0x30]  }
0x162: {  	v2 =	vld [tilespmem:s30+$0x40]  }
0x163: {  	v1 =	vld [tilespmem:s30+$0x50]  }
0x164: {  	v0 =	vld [tilespmem:s30+$0x60]  }
0x165: {  	s14 =	simm.s32 $0x0;
	v7 =	vld [tilespmem:s30+$0x70]  }
0x166: {  	v9 =	vld [tilespmem:s14+$0x7C00]  }
0x167: {  	v8 =	vld [tilespmem:s14+$0x7DF0]  }
0x168: {  	v10 =	vld [tilespmem:s14+$0x7C10]  }
0x169: {  	v11 =	vld [tilespmem:s14+$0x7C20]  }
0x16a: {  	v15 =	vld [tilespmem:s14+$0x7C60]  }
0x16b: {  	v13 =	vld [tilespmem:s14+$0x7C40];
	v9 =	vadd.f32 v9, v6  }
0x16c: {  	v12 =	vld [tilespmem:s14+$0x7C30];
	v8 =	vadd.f32 v8, v7  }
0x16d: {  	v16 =	vld [tilespmem:s14+$0x7C80];
	v10 =	vadd.f32 v10, v5;
	[tilespmem:s14+$0x11C00] =	vst v9  }
0x16e: {  	v14 =	vld [tilespmem:s14+$0x7C50];
	[tilespmem:s14+$0x11DF0] =	vst v8;
	v8 =	vadd.f32 v11, v4  }
0x16f: {  	v15 =	vadd.f32 v15, v0;
	v9 =	vld [tilespmem:s14+$0x7C70];
	[tilespmem:s14+$0x11C10] =	vst v10  }
0x170: {  	v11 =	vld [tilespmem:s14+$0x7C90];
	[tilespmem:s14+$0x11C20] =	vst v8;
	v8 =	vadd.f32 v13, v2  }
0x171: {  	v10 =	vadd.f32 v12, v3;
	v12 =	vld [tilespmem:s14+$0x7CA0];
	[tilespmem:s14+$0x11C60] =	vst v15  }
0x172: {  	v13 =	vld [tilespmem:s14+$0x7CB0];
	[tilespmem:s14+$0x11C40] =	vst v8;
	v8 =	vadd.f32 v16, v6  }
0x173: {  	[tilespmem:s14+$0x11C30] =	vst v10;
	v10 =	vadd.f32 v14, v1;
	v14 =	vld [tilespmem:s14+$0x7CC0]  }
0x174: {  	v63 =	vld [tilespmem:s14+$0x7CD0];
	[tilespmem:s14+$0x11C80] =	vst v8;
	v8 =	vadd.f32 v9, v7  }
0x175: {  	[tilespmem:s14+$0x11C50] =	vst v10;
	v9 =	vadd.f32 v11, v5;
	v11 =	vld [tilespmem:s14+$0x7CF0]  }
0x176: {  	v10 =	vld [tilespmem:s14+$0x7CE0];
	[tilespmem:s14+$0x11C70] =	vst v8;
	v8 =	vadd.f32 v12, v4  }
0x177: {  	v12 =	vld [tilespmem:s14+$0x7D00];
	[tilespmem:s14+$0x11C90] =	vst v9;
	v9 =	vadd.f32 v13, v3  }
0x178: {  	v13 =	vld [tilespmem:s14+$0x7D10];
	[tilespmem:s14+$0x11CA0] =	vst v8;
	v8 =	vadd.f32 v14, v2  }
0x179: {  	v14 =	vld [tilespmem:s14+$0x7D20];
	[tilespmem:s14+$0x11CB0] =	vst v9;
	v9 =	vadd.f32 v63, v1  }
0x17a: {  	v15 =	vld [tilespmem:s14+$0x7D30];
	v11 =	vadd.f32 v11, v7;
	[tilespmem:s14+$0x11CC0] =	vst v8  }
0x17b: {  	v8 =	vadd.f32 v10, v0;
	v10 =	vld [tilespmem:s14+$0x7D40];
	[tilespmem:s14+$0x11CD0] =	vst v9  }
0x17c: {  	v9 =	vadd.f32 v12, v6;
	v12 =	vld [tilespmem:s14+$0x7D50];
	[tilespmem:s14+$0x11CF0] =	vst v11  }
0x17d: {  	v13 =	vadd.f32 v13, v5;
	[tilespmem:s14+$0x11CE0] =	vst v8;
	v8 =	vld [tilespmem:s14+$0x7D60]  }
0x17e: {  	[tilespmem:s14+$0x11D00] =	vst v9;
	v9 =	vadd.f32 v14, v4;
	v14 =	vld [tilespmem:s14+$0x7D70]  }
0x17f: {  	[tilespmem:s14+$0x11D10] =	vst v13;
	v13 =	vadd.f32 v15, v3;
	v15 =	vld [tilespmem:s14+$0x7D80]  }
0x180: {  	v11 =	vld [tilespmem:s14+$0x7D90];
	[tilespmem:s14+$0x11D20] =	vst v9;
	v10 =	vadd.f32 v10, v2  }
0x181: {  	[tilespmem:s14+$0x11D30] =	vst v13;
	v9 =	vld [tilespmem:s14+$0x7DA0];
	v12 =	vadd.f32 v12, v1  }
0x182: {  	[tilespmem:s14+$0x11D40] =	vst v10;
	v13 =	vadd.f32 v8, v0;
	v10 =	vld [tilespmem:s14+$0x7DB0]  }
0x183: {  	v8 =	vld [tilespmem:s14+$0x7DC0];
	[tilespmem:s14+$0x11D50] =	vst v12;
	v14 =	vadd.f32 v14, v7  }
0x184: {  	s23 =	simm.s32 $0x800;
	s7 =	simm.s32 $0x0;
	s15 =	sand.u32 $0xF, s24;
	v12 =	vld [tilespmem:s14+$0x7DD0];
	[tilespmem:s14+$0x11D60] =	vst v13;
	v13 =	vadd.f32 v15, v6  }
.LBB2_7:
0x185: {  	s24 =	sshra.s32 s23, $0x2;
	s7 =	sadd.s32 $0x4, s7;
	[tilespmem:s14+$0x11D70] =	vst v14;
	v11 =	vadd.f32 v11, v5;
	v14 =	vld [tilespmem:s14+$0x7DE0]  }
0x186: {  	v15 =	vld [tilespmem:s24+$0x7DF0];
	p2 =	slt.u32 s7, $0x3C;
	[tilespmem:s14+$0x11D80] =	vst v13;
	v9 =	vadd.f32 v9, v4  }
0x187: {  	v13 =	vld [tilespmem:s24+$0x7C00];
	[tilespmem:s14+$0x11D90] =	vst v11;
	v10 =	vadd.f32 v10, v3  }
0x188: {  	v11 =	vld [tilespmem:s24+$0x7C10];
	[tilespmem:s14+$0x11DA0] =	vst v9;
	v8 =	vadd.f32 v8, v2  }
0x189: {  	v9 =	vld [tilespmem:s24+$0x7C20];
	[tilespmem:s14+$0x11DB0] =	vst v10;
	v10 =	vadd.f32 v12, v1  }
0x18a: {  	v12 =	vld [tilespmem:s24+$0x7C30];
	[tilespmem:s14+$0x11DC0] =	vst v8;
	v8 =	vadd.f32 v14, v0  }
0x18b: {  	v14 =	vld [tilespmem:s24+$0x7C40];
	v15 =	vadd.f32 v15, v7;
	[tilespmem:s14+$0x11DD0] =	vst v10  }
0x18c: {  	v10 =	vadd.f32 v13, v6;
	v13 =	vld [tilespmem:s24+$0x7C50];
	[tilespmem:s14+$0x11DE0] =	vst v8;
	s14 =	smov.u32 s24  }
0x18d: {  	v8 =	vadd.f32 v11, v5;
	v11 =	vld [tilespmem:s14+$0x7C60];
	[tilespmem:s14+$0x11DF0] =	vst v15  }
0x18e: {  	[tilespmem:s14+$0x11C00] =	vst v10;
	v9 =	vadd.f32 v9, v4;
	v10 =	vld [tilespmem:s14+$0x7C70]  }
0x18f: {  	[tilespmem:s14+$0x11C10] =	vst v8;
	v8 =	vadd.f32 v12, v3;
	v12 =	vld [tilespmem:s14+$0x7C80]  }
0x190: {  	[tilespmem:s14+$0x11C20] =	vst v9;
	v9 =	vadd.f32 v14, v2;
	v14 =	vld [tilespmem:s14+$0x7C90]  }
0x191: {  	[tilespmem:s14+$0x11C30] =	vst v8;
	v8 =	vadd.f32 v13, v1;
	v13 =	vld [tilespmem:s14+$0x7CA0]  }
0x192: {  	[tilespmem:s14+$0x11C40] =	vst v9;
	v9 =	vadd.f32 v11, v0;
	v11 =	vld [tilespmem:s14+$0x7CB0]  }
0x193: {  	[tilespmem:s14+$0x11C50] =	vst v8;
	v8 =	vadd.f32 v10, v7;
	v10 =	vld [tilespmem:s14+$0x7CC0]  }
0x194: {  	[tilespmem:s14+$0x11C60] =	vst v9;
	v9 =	vadd.f32 v12, v6;
	v12 =	vld [tilespmem:s14+$0x7CD0]  }
0x195: {  	[tilespmem:s14+$0x11C70] =	vst v8;
	v8 =	vadd.f32 v14, v5;
	v14 =	vld [tilespmem:s14+$0x7CE0]  }
0x196: {  	[tilespmem:s14+$0x11C80] =	vst v9;
	v9 =	vadd.f32 v13, v4;
	v13 =	vld [tilespmem:s14+$0x7CF0]  }
0x197: {  	[tilespmem:s14+$0x11C90] =	vst v8;
	v8 =	vadd.f32 v11, v3;
	v11 =	vld [tilespmem:s14+$0x7D00]  }
0x198: {  	[tilespmem:s14+$0x11CA0] =	vst v9;
	v9 =	vadd.f32 v10, v2;
	v10 =	vld [tilespmem:s14+$0x7D10]  }
0x199: {  	[tilespmem:s14+$0x11CB0] =	vst v8;
	v8 =	vadd.f32 v12, v1;
	v12 =	vld [tilespmem:s14+$0x7D20]  }
0x19a: {  	[tilespmem:s14+$0x11CC0] =	vst v9;
	v9 =	vadd.f32 v14, v0;
	v14 =	vld [tilespmem:s14+$0x7D30]  }
0x19b: {  	[tilespmem:s14+$0x11CD0] =	vst v8;
	v8 =	vadd.f32 v13, v7;
	v13 =	vld [tilespmem:s14+$0x7D40]  }
0x19c: {  	[tilespmem:s14+$0x11CE0] =	vst v9;
	v9 =	vadd.f32 v11, v6;
	v15 =	vld [tilespmem:s14+$0x7D50]  }
0x19d: {  	[tilespmem:s14+$0x11CF0] =	vst v8;
	v8 =	vadd.f32 v10, v5;
	v10 =	vld [tilespmem:s14+$0x7D60]  }
0x19e: {  	[tilespmem:s14+$0x11D00] =	vst v9;
	v9 =	vadd.f32 v12, v4;
	v12 =	vld [tilespmem:s14+$0x7D70]  }
0x19f: {  	[tilespmem:s14+$0x11D10] =	vst v8;
	v8 =	vadd.f32 v14, v3;
	v16 =	vld [tilespmem:s14+$0x7D80]  }
.Ltmp4:
0x1a0: {  	[tilespmem:s14+$0x11D20] =	vst v9;
	v13 =	vadd.f32 v13, v2;
	v11 =	vld [tilespmem:s14+$0x7D90];
	(pc) =	sbr.rel @p2 .LBB2_7-.Ltmp4, $4  }
0x1a1: {  	[tilespmem:s14+$0x11D30] =	vst v8;
	v8 =	vadd.f32 v15, v1;
	v9 =	vld [tilespmem:s14+$0x7DA0]  }
0x1a2: {  	[tilespmem:s14+$0x11D40] =	vst v13;
	v13 =	vadd.f32 v10, v0;
	v10 =	vld [tilespmem:s14+$0x7DB0]  }
0x1a3: {  	[tilespmem:s14+$0x11D50] =	vst v8;
	v14 =	vadd.f32 v12, v7;
	v8 =	vld [tilespmem:s14+$0x7DC0]  }
0x1a4: {  	s23 =	sadd.s32 $0x800, s23;
	[tilespmem:s14+$0x11D60] =	vst v13;
	v13 =	vadd.f32 v16, v6;
	v12 =	vld [tilespmem:s14+$0x7DD0]  }
0x1a5: {  	[tilespmem:s14+$0x11D70] =	vst v14;
	v5 =	vadd.f32 v11, v5;
	v6 =	vld [tilespmem:s14+$0x7DE0]  }
0x1a6: {  	[tilespmem:s14+$0x11D80] =	vst v13;
	v4 =	vadd.f32 v9, v4  }
0x1a7: {  	s7 =	smul.u32 $0x190000, s15;
	s5 =	sshll.u32 s5, $0x7;
	[tilespmem:s14+$0x11D90] =	vst v5;
	v3 =	vadd.f32 v10, v3  }
0x1a8: {  	s23 =	sand.u32 $0x7FFFFC00, s5;
	[tilespmem:s14+$0x11DA0] =	vst v4;
	v2 =	vadd.f32 v8, v2  }
0x1a9: {  	s5 =	sand.u32 $0x380, s5;
	s7 =	sadd.s32 s7, s23;
	[tilespmem:s14+$0x11DB0] =	vst v3;
	v1 =	vadd.f32 v12, v1  }
0x1aa: {  	s5 =	sor.u32 s5, s7;
	[tilespmem:s14+$0x11DC0] =	vst v2;
	v0 =	vadd.f32 v6, v0  }
0x1ab: {  	s5 =	sshrl.u32 s5, $0x3;
	[tilespmem:s14+$0x11DD0] =	vst v1  }
0x1ac: {  	s5 =	sadd.s32 s3, s5;
	[tilespmem:s14+$0x11DE0] =	vst v0  }
0x1ad: {  	[hbm4b:s5+s28] =	stream.strided.scatter [tilespmem:s17], [sflag:$0x8], $0x2000, s29, s28, $0x38;
	[tilespmem:$0x17C00] =	vst v63  }
0x1ae: {  	s7 =	simm.s32 @!p1 $0x40;
	s14 =	simm.s32 @!p1 $0x7C00;
	s5 =	sadd.s32 @!p1 $0xB80, s22  }
0x1af: {  	[tilespmem:s14], [sflag:$0x3] =	stream.indirect.gather @!p1 [hbm4b:s1+s7], $0x80, s5, s7, $0xb8;
	[tilespmem:$0x17C00] =	vst v63  }
0x1b0: {  	_ =	swait.ge [sflag:s18], $0x2000  }
0x1b1: {  	s24 =	sadd.s32 s13, s11;
	[sflag:s18] =	ssyncset.done $0x0  }
0x1b2: {  	s5 =	sshrl.u32 s24, $0x4;
	s14 =	simm.s32 @!p0 $0x9;
	[sflag:s18] =	ssyncadd.s32 $0xFFFFE000  }
0x1b3: {  	s25 =	ssub.s32 s5, s6;
	_ =	swait.ge @!p0 [sflag:s14], $0x2000  }
0x1b4: {  	s15 =	sshll.u32 s25, $0x9;
	[sflag:s14] =	ssyncset.done @!p0 $0x0  }
0x1b5: {  	s30 =	sshra.s32 s15, $0x2;
	[sflag:s14] =	ssyncadd.s32 @!p0 $0xFFFFE000  }
0x1b6: {  	v6 =	vld [tilespmem:s30+$0x0]  }
0x1b7: {  	v5 =	vld [tilespmem:s30+$0x10]  }
0x1b8: {  	v4 =	vld [tilespmem:s30+$0x20]  }
0x1b9: {  	v3 =	vld [tilespmem:s30+$0x30]  }
0x1ba: {  	v2 =	vld [tilespmem:s30+$0x40]  }
0x1bb: {  	v1 =	vld [tilespmem:s30+$0x50]  }
0x1bc: {  	v0 =	vld [tilespmem:s30+$0x60]  }
0x1bd: {  	s14 =	simm.s32 $0x0;
	v7 =	vld [tilespmem:s30+$0x70]  }
0x1be: {  	v9 =	vld [tilespmem:s14+$0x9C00]  }
0x1bf: {  	v8 =	vld [tilespmem:s14+$0x9DF0]  }
0x1c0: {  	v10 =	vld [tilespmem:s14+$0x9C10]  }
0x1c1: {  	v11 =	vld [tilespmem:s14+$0x9C20]  }
0x1c2: {  	v15 =	vld [tilespmem:s14+$0x9C60]  }
0x1c3: {  	v13 =	vld [tilespmem:s14+$0x9C40];
	v9 =	vadd.f32 v9, v6  }
0x1c4: {  	v12 =	vld [tilespmem:s14+$0x9C30];
	v8 =	vadd.f32 v8, v7  }
0x1c5: {  	v16 =	vld [tilespmem:s14+$0x9C80];
	v10 =	vadd.f32 v10, v5;
	[tilespmem:s14+$0x13C00] =	vst v9  }
0x1c6: {  	v14 =	vld [tilespmem:s14+$0x9C50];
	[tilespmem:s14+$0x13DF0] =	vst v8;
	v8 =	vadd.f32 v11, v4  }
0x1c7: {  	v15 =	vadd.f32 v15, v0;
	v9 =	vld [tilespmem:s14+$0x9C70];
	[tilespmem:s14+$0x13C10] =	vst v10  }
0x1c8: {  	v11 =	vld [tilespmem:s14+$0x9C90];
	[tilespmem:s14+$0x13C20] =	vst v8;
	v8 =	vadd.f32 v13, v2  }
0x1c9: {  	v10 =	vadd.f32 v12, v3;
	v12 =	vld [tilespmem:s14+$0x9CA0];
	[tilespmem:s14+$0x13C60] =	vst v15  }
0x1ca: {  	v13 =	vld [tilespmem:s14+$0x9CB0];
	[tilespmem:s14+$0x13C40] =	vst v8;
	v8 =	vadd.f32 v16, v6  }
0x1cb: {  	[tilespmem:s14+$0x13C30] =	vst v10;
	v10 =	vadd.f32 v14, v1;
	v14 =	vld [tilespmem:s14+$0x9CC0]  }
0x1cc: {  	v61 =	vld [tilespmem:s14+$0x9CD0];
	[tilespmem:s14+$0x13C80] =	vst v8;
	v8 =	vadd.f32 v9, v7  }
0x1cd: {  	[tilespmem:s14+$0x13C50] =	vst v10;
	v9 =	vadd.f32 v11, v5;
	v11 =	vld [tilespmem:s14+$0x9CF0]  }
0x1ce: {  	v10 =	vld [tilespmem:s14+$0x9CE0];
	[tilespmem:s14+$0x13C70] =	vst v8;
	v8 =	vadd.f32 v12, v4  }
0x1cf: {  	v12 =	vld [tilespmem:s14+$0x9D00];
	[tilespmem:s14+$0x13C90] =	vst v9;
	v9 =	vadd.f32 v13, v3  }
0x1d0: {  	v13 =	vld [tilespmem:s14+$0x9D10];
	[tilespmem:s14+$0x13CA0] =	vst v8;
	v8 =	vadd.f32 v14, v2  }
0x1d1: {  	v15 =	vld [tilespmem:s14+$0x9D30];
	[tilespmem:s14+$0x13CB0] =	vst v9;
	v9 =	vadd.f32 v61, v1  }
0x1d2: {  	v14 =	vld [tilespmem:s14+$0x9D20];
	v11 =	vadd.f32 v11, v7;
	[tilespmem:s14+$0x13CC0] =	vst v8  }
0x1d3: {  	v8 =	vadd.f32 v10, v0;
	v10 =	vld [tilespmem:s14+$0x9D40];
	[tilespmem:s14+$0x13CD0] =	vst v9  }
0x1d4: {  	v62 =	vld [tilespmem:s14+$0x9D50];
	v9 =	vadd.f32 v12, v6;
	[tilespmem:s14+$0x13CF0] =	vst v11  }
0x1d5: {  	v12 =	vadd.f32 v13, v5;
	[tilespmem:s14+$0x13CE0] =	vst v8;
	v8 =	vld [tilespmem:s14+$0x9D60]  }
0x1d6: {  	v11 =	vld [tilespmem:s14+$0x9D70];
	v13 =	vadd.f32 v15, v3;
	[tilespmem:s14+$0x13D00] =	vst v9  }
0x1d7: {  	v15 =	vld [tilespmem:s14+$0x9D80];
	v9 =	vadd.f32 v14, v4;
	[tilespmem:s14+$0x13D10] =	vst v12  }
0x1d8: {  	v12 =	vld [tilespmem:s14+$0x9D90];
	[tilespmem:s14+$0x13D30] =	vst v13;
	v10 =	vadd.f32 v10, v2  }
0x1d9: {  	v13 =	vadd.f32 v62, v1;
	[tilespmem:s14+$0x13D20] =	vst v9;
	v9 =	vld [tilespmem:s14+$0x9DA0]  }
0x1da: {  	[tilespmem:s14+$0x13D40] =	vst v10;
	v63 =	vadd.f32 v8, v0;
	v10 =	vld [tilespmem:s14+$0x9DB0]  }
0x1db: {  	[tilespmem:s14+$0x13D50] =	vst v13;
	v14 =	vadd.f32 v11, v7;
	v8 =	vld [tilespmem:s14+$0x9DC0]  }
0x1dc: {  	s23 =	simm.s32 $0x800;
	s7 =	simm.s32 $0x0;
	s15 =	sand.u32 $0xF, s24;
	v13 =	vadd.f32 v15, v6;
	v11 =	vld [tilespmem:s14+$0x9DD0];
	[tilespmem:s14+$0x13D60] =	vst v63  }
.LBB2_9:
0x1dd: {  	s24 =	sshra.s32 s23, $0x2;
	s7 =	sadd.s32 $0x4, s7;
	[tilespmem:s14+$0x13D70] =	vst v14;
	v12 =	vadd.f32 v12, v5;
	v14 =	vld [tilespmem:s14+$0x9DE0]  }
0x1de: {  	v15 =	vld [tilespmem:s24+$0x9DF0];
	p2 =	slt.u32 s7, $0x3C;
	[tilespmem:s14+$0x13D80] =	vst v13;
	v9 =	vadd.f32 v9, v4  }
0x1df: {  	v13 =	vld [tilespmem:s24+$0x9C00];
	[tilespmem:s14+$0x13D90] =	vst v12;
	v10 =	vadd.f32 v10, v3  }
0x1e0: {  	v12 =	vld [tilespmem:s24+$0x9C10];
	[tilespmem:s14+$0x13DA0] =	vst v9;
	v8 =	vadd.f32 v8, v2  }
0x1e1: {  	v9 =	vld [tilespmem:s24+$0x9C20];
	[tilespmem:s14+$0x13DB0] =	vst v10;
	v10 =	vadd.f32 v11, v1  }
0x1e2: {  	v11 =	vld [tilespmem:s24+$0x9C30];
	[tilespmem:s14+$0x13DC0] =	vst v8;
	v8 =	vadd.f32 v14, v0  }
0x1e3: {  	v14 =	vld [tilespmem:s24+$0x9C40];
	v15 =	vadd.f32 v15, v7;
	[tilespmem:s14+$0x13DD0] =	vst v10  }
0x1e4: {  	v10 =	vadd.f32 v13, v6;
	v13 =	vld [tilespmem:s24+$0x9C50];
	[tilespmem:s14+$0x13DE0] =	vst v8;
	s14 =	smov.u32 s24  }
0x1e5: {  	v8 =	vadd.f32 v12, v5;
	v12 =	vld [tilespmem:s14+$0x9C60];
	[tilespmem:s14+$0x13DF0] =	vst v15  }
0x1e6: {  	[tilespmem:s14+$0x13C00] =	vst v10;
	v9 =	vadd.f32 v9, v4;
	v10 =	vld [tilespmem:s14+$0x9C70]  }
0x1e7: {  	[tilespmem:s14+$0x13C10] =	vst v8;
	v8 =	vadd.f32 v11, v3;
	v11 =	vld [tilespmem:s14+$0x9C80]  }
0x1e8: {  	[tilespmem:s14+$0x13C20] =	vst v9;
	v9 =	vadd.f32 v14, v2;
	v14 =	vld [tilespmem:s14+$0x9C90]  }
0x1e9: {  	[tilespmem:s14+$0x13C30] =	vst v8;
	v8 =	vadd.f32 v13, v1;
	v13 =	vld [tilespmem:s14+$0x9CA0]  }
0x1ea: {  	[tilespmem:s14+$0x13C40] =	vst v9;
	v9 =	vadd.f32 v12, v0;
	v12 =	vld [tilespmem:s14+$0x9CB0]  }
0x1eb: {  	[tilespmem:s14+$0x13C50] =	vst v8;
	v8 =	vadd.f32 v10, v7;
	v10 =	vld [tilespmem:s14+$0x9CC0]  }
0x1ec: {  	[tilespmem:s14+$0x13C60] =	vst v9;
	v9 =	vadd.f32 v11, v6;
	v11 =	vld [tilespmem:s14+$0x9CD0]  }
0x1ed: {  	[tilespmem:s14+$0x13C70] =	vst v8;
	v8 =	vadd.f32 v14, v5;
	v14 =	vld [tilespmem:s14+$0x9CE0]  }
0x1ee: {  	[tilespmem:s14+$0x13C80] =	vst v9;
	v9 =	vadd.f32 v13, v4;
	v13 =	vld [tilespmem:s14+$0x9CF0]  }
0x1ef: {  	[tilespmem:s14+$0x13C90] =	vst v8;
	v8 =	vadd.f32 v12, v3;
	v12 =	vld [tilespmem:s14+$0x9D00]  }
0x1f0: {  	[tilespmem:s14+$0x13CA0] =	vst v9;
	v9 =	vadd.f32 v10, v2;
	v10 =	vld [tilespmem:s14+$0x9D10]  }
0x1f1: {  	[tilespmem:s14+$0x13CB0] =	vst v8;
	v8 =	vadd.f32 v11, v1;
	v11 =	vld [tilespmem:s14+$0x9D20]  }
0x1f2: {  	[tilespmem:s14+$0x13CC0] =	vst v9;
	v9 =	vadd.f32 v14, v0;
	v14 =	vld [tilespmem:s14+$0x9D30]  }
0x1f3: {  	[tilespmem:s14+$0x13CD0] =	vst v8;
	v8 =	vadd.f32 v13, v7;
	v13 =	vld [tilespmem:s14+$0x9D40]  }
0x1f4: {  	[tilespmem:s14+$0x13CE0] =	vst v9;
	v9 =	vadd.f32 v12, v6;
	v15 =	vld [tilespmem:s14+$0x9D50]  }
0x1f5: {  	[tilespmem:s14+$0x13CF0] =	vst v8;
	v8 =	vadd.f32 v10, v5;
	v10 =	vld [tilespmem:s14+$0x9D60]  }
0x1f6: {  	[tilespmem:s14+$0x13D00] =	vst v9;
	v9 =	vadd.f32 v11, v4;
	v11 =	vld [tilespmem:s14+$0x9D70]  }
0x1f7: {  	[tilespmem:s14+$0x13D10] =	vst v8;
	v8 =	vadd.f32 v14, v3;
	v16 =	vld [tilespmem:s14+$0x9D80]  }
.Ltmp5:
0x1f8: {  	[tilespmem:s14+$0x13D20] =	vst v9;
	v13 =	vadd.f32 v13, v2;
	v12 =	vld [tilespmem:s14+$0x9D90];
	(pc) =	sbr.rel @p2 .LBB2_9-.Ltmp5, $4  }
0x1f9: {  	[tilespmem:s14+$0x13D30] =	vst v8;
	v8 =	vadd.f32 v15, v1;
	v9 =	vld [tilespmem:s14+$0x9DA0]  }
0x1fa: {  	[tilespmem:s14+$0x13D40] =	vst v13;
	v13 =	vadd.f32 v10, v0;
	v10 =	vld [tilespmem:s14+$0x9DB0]  }
0x1fb: {  	[tilespmem:s14+$0x13D50] =	vst v8;
	v14 =	vadd.f32 v11, v7;
	v8 =	vld [tilespmem:s14+$0x9DC0]  }
0x1fc: {  	s23 =	sadd.s32 $0x800, s23;
	[tilespmem:s14+$0x13D60] =	vst v13;
	v13 =	vadd.f32 v16, v6;
	v11 =	vld [tilespmem:s14+$0x9DD0]  }
0x1fd: {  	[tilespmem:s14+$0x13D70] =	vst v14;
	v5 =	vadd.f32 v12, v5;
	v6 =	vld [tilespmem:s14+$0x9DE0]  }
0x1fe: {  	[tilespmem:s14+$0x13D80] =	vst v13;
	v4 =	vadd.f32 v9, v4  }
0x1ff: {  	s7 =	smul.u32 $0x190000, s15;
	s5 =	sshll.u32 s5, $0x7;
	[tilespmem:s14+$0x13D90] =	vst v5;
	v3 =	vadd.f32 v10, v3  }
0x200: {  	s23 =	sand.u32 $0x7FFFFC00, s5;
	[tilespmem:s14+$0x13DA0] =	vst v4;
	v2 =	vadd.f32 v8, v2  }
0x201: {  	s5 =	sand.u32 $0x380, s5;
	s7 =	sadd.s32 s7, s23;
	[tilespmem:s14+$0x13DB0] =	vst v3;
	v1 =	vadd.f32 v11, v1  }
0x202: {  	s5 =	sor.u32 s5, s7;
	[tilespmem:s14+$0x13DC0] =	vst v2;
	v0 =	vadd.f32 v6, v0  }
0x203: {  	s5 =	sshrl.u32 s5, $0x3;
	[tilespmem:s14+$0x13DD0] =	vst v1  }
0x204: {  	s5 =	sadd.s32 s3, s5;
	[tilespmem:s14+$0x13DE0] =	vst v0  }
0x205: {  	[hbm4b:s5+s28] =	stream.strided.scatter [tilespmem:s19], [sflag:$0x9], $0x2000, s29, s28, $0x38;
	[tilespmem:$0x17C00] =	vst v63  }
0x206: {  	s7 =	simm.s32 @!p1 $0x40;
	s14 =	simm.s32 @!p1 $0x9C00;
	s5 =	sadd.s32 @!p1 $0xC00, s22  }
0x207: {  	[tilespmem:s14], [sflag:$0x4] =	stream.indirect.gather @!p1 [hbm4b:s1+s7], $0x80, s5, s7, $0xb8;
	[tilespmem:$0x17C00] =	vst v63  }
0x208: {  	_ =	swait.ge [sflag:s20], $0x2000  }
0x209: {  	s24 =	sadd.s32 s13, s12;
	[sflag:s20] =	ssyncset.done $0x0  }
0x20a: {  	s13 =	simm.s32 @!p0 $0xA;
	s5 =	sshrl.u32 s24, $0x4;
	[sflag:s20] =	ssyncadd.s32 $0xFFFFE000  }
0x20b: {  	s25 =	ssub.s32 s5, s6;
	_ =	swait.ge @!p0 [sflag:s13], $0x2000  }
0x20c: {  	s14 =	sshll.u32 s25, $0x9;
	[sflag:s13] =	ssyncset.done @!p0 $0x0  }
0x20d: {  	s30 =	sshra.s32 s14, $0x2;
	[sflag:s13] =	ssyncadd.s32 @!p0 $0xFFFFE000  }
0x20e: {  	v6 =	vld [tilespmem:s30+$0x0]  }
0x20f: {  	v5 =	vld [tilespmem:s30+$0x10]  }
0x210: {  	v4 =	vld [tilespmem:s30+$0x20]  }
0x211: {  	v3 =	vld [tilespmem:s30+$0x30]  }
0x212: {  	v2 =	vld [tilespmem:s30+$0x40]  }
0x213: {  	v1 =	vld [tilespmem:s30+$0x50]  }
0x214: {  	v0 =	vld [tilespmem:s30+$0x60]  }
0x215: {  	s13 =	simm.s32 $0x0;
	v7 =	vld [tilespmem:s30+$0x70]  }
0x216: {  	v9 =	vld [tilespmem:s13+$0xBC00]  }
0x217: {  	v8 =	vld [tilespmem:s13+$0xBDF0]  }
0x218: {  	v10 =	vld [tilespmem:s13+$0xBC10]  }
0x219: {  	v11 =	vld [tilespmem:s13+$0xBC20]  }
0x21a: {  	v15 =	vld [tilespmem:s13+$0xBC60]  }
0x21b: {  	v13 =	vld [tilespmem:s13+$0xBC40];
	v9 =	vadd.f32 v9, v6  }
0x21c: {  	v12 =	vld [tilespmem:s13+$0xBC30];
	v8 =	vadd.f32 v8, v7  }
0x21d: {  	v16 =	vld [tilespmem:s13+$0xBC80];
	v10 =	vadd.f32 v10, v5;
	[tilespmem:s13+$0x15C00] =	vst v9  }
0x21e: {  	v14 =	vld [tilespmem:s13+$0xBC50];
	[tilespmem:s13+$0x15DF0] =	vst v8;
	v8 =	vadd.f32 v11, v4  }
0x21f: {  	v15 =	vadd.f32 v15, v0;
	v9 =	vld [tilespmem:s13+$0xBC70];
	[tilespmem:s13+$0x15C10] =	vst v10  }
0x220: {  	v11 =	vld [tilespmem:s13+$0xBC90];
	[tilespmem:s13+$0x15C20] =	vst v8;
	v8 =	vadd.f32 v13, v2  }
0x221: {  	v10 =	vadd.f32 v12, v3;
	v12 =	vld [tilespmem:s13+$0xBCA0];
	[tilespmem:s13+$0x15C60] =	vst v15  }
0x222: {  	v13 =	vld [tilespmem:s13+$0xBCB0];
	[tilespmem:s13+$0x15C40] =	vst v8;
	v8 =	vadd.f32 v16, v6  }
0x223: {  	[tilespmem:s13+$0x15C30] =	vst v10;
	v10 =	vadd.f32 v14, v1;
	v14 =	vld [tilespmem:s13+$0xBCC0]  }
0x224: {  	v61 =	vld [tilespmem:s13+$0xBCD0];
	[tilespmem:s13+$0x15C80] =	vst v8;
	v8 =	vadd.f32 v9, v7  }
0x225: {  	[tilespmem:s13+$0x15C50] =	vst v10;
	v9 =	vadd.f32 v11, v5;
	v11 =	vld [tilespmem:s13+$0xBCF0]  }
0x226: {  	v10 =	vld [tilespmem:s13+$0xBCE0];
	[tilespmem:s13+$0x15C70] =	vst v8;
	v8 =	vadd.f32 v12, v4  }
0x227: {  	v12 =	vld [tilespmem:s13+$0xBD00];
	[tilespmem:s13+$0x15C90] =	vst v9;
	v9 =	vadd.f32 v13, v3  }
0x228: {  	v13 =	vld [tilespmem:s13+$0xBD10];
	[tilespmem:s13+$0x15CA0] =	vst v8;
	v8 =	vadd.f32 v14, v2  }
0x229: {  	v15 =	vld [tilespmem:s13+$0xBD30];
	[tilespmem:s13+$0x15CB0] =	vst v9;
	v9 =	vadd.f32 v61, v1  }
0x22a: {  	v14 =	vld [tilespmem:s13+$0xBD20];
	v11 =	vadd.f32 v11, v7;
	[tilespmem:s13+$0x15CC0] =	vst v8  }
0x22b: {  	v8 =	vadd.f32 v10, v0;
	v10 =	vld [tilespmem:s13+$0xBD40];
	[tilespmem:s13+$0x15CD0] =	vst v9  }
0x22c: {  	v62 =	vld [tilespmem:s13+$0xBD50];
	v9 =	vadd.f32 v12, v6;
	[tilespmem:s13+$0x15CF0] =	vst v11  }
0x22d: {  	v12 =	vadd.f32 v13, v5;
	[tilespmem:s13+$0x15CE0] =	vst v8;
	v8 =	vld [tilespmem:s13+$0xBD60]  }
0x22e: {  	v11 =	vld [tilespmem:s13+$0xBD70];
	v13 =	vadd.f32 v15, v3;
	[tilespmem:s13+$0x15D00] =	vst v9  }
0x22f: {  	v15 =	vld [tilespmem:s13+$0xBD80];
	v9 =	vadd.f32 v14, v4;
	[tilespmem:s13+$0x15D10] =	vst v12  }
0x230: {  	v12 =	vld [tilespmem:s13+$0xBD90];
	[tilespmem:s13+$0x15D30] =	vst v13;
	v10 =	vadd.f32 v10, v2  }
0x231: {  	v13 =	vadd.f32 v62, v1;
	[tilespmem:s13+$0x15D20] =	vst v9;
	v9 =	vld [tilespmem:s13+$0xBDA0]  }
0x232: {  	[tilespmem:s13+$0x15D40] =	vst v10;
	v63 =	vadd.f32 v8, v0;
	v10 =	vld [tilespmem:s13+$0xBDB0]  }
0x233: {  	[tilespmem:s13+$0x15D50] =	vst v13;
	v14 =	vadd.f32 v11, v7;
	v8 =	vld [tilespmem:s13+$0xBDC0]  }
0x234: {  	s15 =	simm.s32 $0x800;
	s7 =	simm.s32 $0x0;
	s14 =	sand.u32 $0xF, s24;
	v13 =	vadd.f32 v15, v6;
	v11 =	vld [tilespmem:s13+$0xBDD0];
	[tilespmem:s13+$0x15D60] =	vst v63  }
.LBB2_11:
0x235: {  	s22 =	sshra.s32 s15, $0x2;
	s7 =	sadd.s32 $0x4, s7;
	[tilespmem:s13+$0x15D70] =	vst v14;
	v12 =	vadd.f32 v12, v5;
	v14 =	vld [tilespmem:s13+$0xBDE0]  }
0x236: {  	v15 =	vld [tilespmem:s22+$0xBDF0];
	p0 =	slt.u32 s7, $0x3C;
	[tilespmem:s13+$0x15D80] =	vst v13;
	v9 =	vadd.f32 v9, v4  }
0x237: {  	v13 =	vld [tilespmem:s22+$0xBC00];
	[tilespmem:s13+$0x15D90] =	vst v12;
	v10 =	vadd.f32 v10, v3  }
0x238: {  	v12 =	vld [tilespmem:s22+$0xBC10];
	[tilespmem:s13+$0x15DA0] =	vst v9;
	v8 =	vadd.f32 v8, v2  }
0x239: {  	v9 =	vld [tilespmem:s22+$0xBC20];
	[tilespmem:s13+$0x15DB0] =	vst v10;
	v10 =	vadd.f32 v11, v1  }
0x23a: {  	v11 =	vld [tilespmem:s22+$0xBC30];
	[tilespmem:s13+$0x15DC0] =	vst v8;
	v8 =	vadd.f32 v14, v0  }
0x23b: {  	v14 =	vld [tilespmem:s22+$0xBC40];
	v15 =	vadd.f32 v15, v7;
	[tilespmem:s13+$0x15DD0] =	vst v10  }
0x23c: {  	v10 =	vadd.f32 v13, v6;
	v13 =	vld [tilespmem:s22+$0xBC50];
	[tilespmem:s13+$0x15DE0] =	vst v8;
	s13 =	smov.u32 s22  }
0x23d: {  	v8 =	vadd.f32 v12, v5;
	v12 =	vld [tilespmem:s13+$0xBC60];
	[tilespmem:s13+$0x15DF0] =	vst v15  }
0x23e: {  	[tilespmem:s13+$0x15C00] =	vst v10;
	v9 =	vadd.f32 v9, v4;
	v10 =	vld [tilespmem:s13+$0xBC70]  }
0x23f: {  	[tilespmem:s13+$0x15C10] =	vst v8;
	v8 =	vadd.f32 v11, v3;
	v11 =	vld [tilespmem:s13+$0xBC80]  }
0x240: {  	[tilespmem:s13+$0x15C20] =	vst v9;
	v9 =	vadd.f32 v14, v2;
	v14 =	vld [tilespmem:s13+$0xBC90]  }
0x241: {  	[tilespmem:s13+$0x15C30] =	vst v8;
	v8 =	vadd.f32 v13, v1;
	v13 =	vld [tilespmem:s13+$0xBCA0]  }
0x242: {  	[tilespmem:s13+$0x15C40] =	vst v9;
	v9 =	vadd.f32 v12, v0;
	v12 =	vld [tilespmem:s13+$0xBCB0]  }
0x243: {  	[tilespmem:s13+$0x15C50] =	vst v8;
	v8 =	vadd.f32 v10, v7;
	v10 =	vld [tilespmem:s13+$0xBCC0]  }
0x244: {  	[tilespmem:s13+$0x15C60] =	vst v9;
	v9 =	vadd.f32 v11, v6;
	v11 =	vld [tilespmem:s13+$0xBCD0]  }
0x245: {  	[tilespmem:s13+$0x15C70] =	vst v8;
	v8 =	vadd.f32 v14, v5;
	v14 =	vld [tilespmem:s13+$0xBCE0]  }
0x246: {  	[tilespmem:s13+$0x15C80] =	vst v9;
	v9 =	vadd.f32 v13, v4;
	v13 =	vld [tilespmem:s13+$0xBCF0]  }
0x247: {  	[tilespmem:s13+$0x15C90] =	vst v8;
	v8 =	vadd.f32 v12, v3;
	v12 =	vld [tilespmem:s13+$0xBD00]  }
0x248: {  	[tilespmem:s13+$0x15CA0] =	vst v9;
	v9 =	vadd.f32 v10, v2;
	v10 =	vld [tilespmem:s13+$0xBD10]  }
0x249: {  	[tilespmem:s13+$0x15CB0] =	vst v8;
	v8 =	vadd.f32 v11, v1;
	v11 =	vld [tilespmem:s13+$0xBD20]  }
0x24a: {  	[tilespmem:s13+$0x15CC0] =	vst v9;
	v9 =	vadd.f32 v14, v0;
	v14 =	vld [tilespmem:s13+$0xBD30]  }
0x24b: {  	[tilespmem:s13+$0x15CD0] =	vst v8;
	v8 =	vadd.f32 v13, v7;
	v13 =	vld [tilespmem:s13+$0xBD40]  }
0x24c: {  	[tilespmem:s13+$0x15CE0] =	vst v9;
	v9 =	vadd.f32 v12, v6;
	v15 =	vld [tilespmem:s13+$0xBD50]  }
0x24d: {  	[tilespmem:s13+$0x15CF0] =	vst v8;
	v8 =	vadd.f32 v10, v5;
	v10 =	vld [tilespmem:s13+$0xBD60]  }
0x24e: {  	[tilespmem:s13+$0x15D00] =	vst v9;
	v9 =	vadd.f32 v11, v4;
	v11 =	vld [tilespmem:s13+$0xBD70]  }
0x24f: {  	[tilespmem:s13+$0x15D10] =	vst v8;
	v8 =	vadd.f32 v14, v3;
	v16 =	vld [tilespmem:s13+$0xBD80]  }
.Ltmp6:
0x250: {  	[tilespmem:s13+$0x15D20] =	vst v9;
	v13 =	vadd.f32 v13, v2;
	v12 =	vld [tilespmem:s13+$0xBD90];
	(pc) =	sbr.rel @p0 .LBB2_11-.Ltmp6, $4  }
0x251: {  	[tilespmem:s13+$0x15D30] =	vst v8;
	v8 =	vadd.f32 v15, v1;
	v9 =	vld [tilespmem:s13+$0xBDA0]  }
0x252: {  	[tilespmem:s13+$0x15D40] =	vst v13;
	v13 =	vadd.f32 v10, v0;
	v10 =	vld [tilespmem:s13+$0xBDB0]  }
0x253: {  	[tilespmem:s13+$0x15D50] =	vst v8;
	v14 =	vadd.f32 v11, v7;
	v8 =	vld [tilespmem:s13+$0xBDC0]  }
0x254: {  	s15 =	sadd.s32 $0x800, s15;
	[tilespmem:s13+$0x15D60] =	vst v13;
	v13 =	vadd.f32 v16, v6;
	v11 =	vld [tilespmem:s13+$0xBDD0]  }
0x255: {  	[tilespmem:s13+$0x15D70] =	vst v14;
	v5 =	vadd.f32 v12, v5;
	v6 =	vld [tilespmem:s13+$0xBDE0]  }
0x256: {  	[tilespmem:s13+$0x15D80] =	vst v13;
	v4 =	vadd.f32 v9, v4  }
0x257: {  	s7 =	smul.u32 $0x190000, s14;
	s5 =	sshll.u32 s5, $0x7;
	[tilespmem:s13+$0x15D90] =	vst v5;
	v3 =	vadd.f32 v10, v3  }
0x258: {  	s30 =	sand.u32 $0x7FFFFC00, s5;
	[tilespmem:s13+$0x15DA0] =	vst v4;
	v2 =	vadd.f32 v8, v2  }
.Ltmp7:
0x259: {  	s5 =	sand.u32 $0x380, s5;
	s7 =	sadd.s32 s7, s30;
	[tilespmem:s13+$0x15DB0] =	vst v3;
	v1 =	vadd.f32 v11, v1;
	(pc) =	sbr.rel @p1 .LBB2_14-.Ltmp7, $4  }
0x25a: {  	s5 =	sor.u32 s5, s7;
	[tilespmem:s13+$0x15DC0] =	vst v2;
	v0 =	vadd.f32 v6, v0  }
0x25b: {  	s5 =	sshrl.u32 s5, $0x3;
	[tilespmem:s13+$0x15DD0] =	vst v1  }
0x25c: {  	s5 =	sadd.s32 s3, s5;
	[tilespmem:s13+$0x15DE0] =	vst v0  }
0x25d: {  	[hbm4b:s5+s28] =	stream.strided.scatter [tilespmem:s21], [sflag:$0xA], $0x2000, s29, s28, $0x38;
	[tilespmem:$0x17C00] =	vst v63  }
0x25e: {  	s5 =	smul.u32 $0xA00, s8  }
.Ltmp8:
0x25f: {  	_ = 	snop;
	(pc) =	sbr.rel .LBB2_2-.Ltmp8, $4  }
0x260: {  	_ = 	snop  }
0x261: {  	s5 =	sshra.s32 s5, $0x2  }
0x262: {  	s7 =	simm.s32 $0xBC00;
	s8 =	sadd.s32 $0x1, s8;
	s5 =	sadd.s32 $0xC80, s5  }
0x263: {  	[tilespmem:s7], [sflag:$0x5] =	stream.indirect.gather [hbm4b:s1+s16], $0x80, s5, s16, $0xb8;
	[tilespmem:$0x17C00] =	vst v63  }
.LBB2_15:
0x264: {  	_ =	sfence.sel $0x180000  }
0x265: {  	[bflag:$0x0] =	sbarrier.arrive $0xFFFF  }
0x266: {  	_ =	strace $0x90000047  }
0x267: {  	s0 =	stileid.u32;
	[bflag:$0x2] =	sbarrier.arrive $0xFFFF  }
0x268: {  	p0 =	sne.s32 s0, $0x0;
	s0 =	rddreg [dreg:$0x4]  }
0x269: {  	s0 =	sadd.s32 @!p0 $0x100000, s0  }
0x26a: {  	[sflag:s0] =	ssyncadd.tile.s32 @!p0 $0x1;
	_ =	shalt  }
.Lfunc_end2:
_tile_overlayer_lowered:
.L_overlay_start_2:
0x26b: {  	(tag) =	ssettag $0x2  }
0x26c: {  	s0 =	rddreg [dreg:$0x0];
	s2 =	stileid.u32  }
0x26d: {  	s1 =	rddreg [dreg:$0x1];
	p0 =	sne.s32 s2, $0x0  }
0x26e: {  	s3 =	rddreg [dreg:$0x2];
	[bflag:$0x3] =	sbarrier.arrive $0xFFFF;
	s2 =	simm.s32 @!p0 $0x1C0B  }
0x26f: {  	[timem:s3], [sflag:s2] =	dma.local @!p0 [hbm:s0], s1  }
0x270: {  	s0 =	simm.s32 @!p0 $0xB  }
0x271: {  	_ =	swait.ge @!p0 [sflag:s0], s1  }
0x272: {  	s1 =	ssub.s32 @!p0 $0x0, s1;
	[sflag:s0] =	ssyncset.done @!p0 $0x0  }
0x273: {  	[sflag:s0] =	ssyncadd.s32 @!p0 s1  }
0x274: {  	[bflag:$0x3] =	sbarrier.arrive $0xFFFF  }
0x275: {  	_ =	shalt  }

</sc_bundles>
